<compile_context>
chip_gen: v7x
topology: tpu7x:2x2x1
jax: 0.10.2.dev20260603
libtpu: 0.0.44.dev20260713+nightly
codegen_flags: <defaults>
</compile_context>

<pallas_src>
import functools

import jax
import jax.numpy as jnp
from jax import lax
from jax.experimental import pallas as pl
from jax.experimental.pallas import tpu as pltpu
from jax.experimental.pallas import tpu_sc as plsc

N = 10000
E = 320000
D = 128
HID = 128
OUT = 64
G = 128

NC = 2
NS = 16
NW = NC * NS
CH = 128
ET = E + N
EP = 331776
EPW = EP // NW
NCH = EPW // CH
DW = 16
NPAD = 10240
NPS = NPAD // NS

NB = 10
BN = N // NB



def _pre_body(x_ref, w_ref, as_ref, ad_ref, h_ref, s_ref):
    h = jnp.dot(x_ref[...], w_ref[...], preferred_element_type=jnp.float32)
    h_ref[...] = h
    ss = jnp.sum(h * as_ref[...], axis=-1, keepdims=True)
    sd = jnp.sum(h * ad_ref[...], axis=-1, keepdims=True)
    s_ref[...] = jnp.concatenate([ss, sd], axis=1)


def _pre_call(x, w, asr, adr):
    return pl.pallas_call(
        _pre_body,
        grid=(NB,),
        in_specs=[
            pl.BlockSpec((BN, D), lambda i: (i, 0)),
            pl.BlockSpec((D, HID), lambda i: (0, 0)),
            pl.BlockSpec((1, HID), lambda i: (0, 0)),
            pl.BlockSpec((1, HID), lambda i: (0, 0)),
        ],
        out_specs=[
            pl.BlockSpec((BN, HID), lambda i: (i, 0)),
            pl.BlockSpec((BN, 2), lambda i: (i, 0)),
        ],
        out_shape=[
            jax.ShapeDtypeStruct((N, HID), jnp.float32),
            jax.ShapeDtypeStruct((N, 2), jnp.float32),
        ],
    )(x, w, asr, adr)


def _post1_body(acc_ref, den_ref, b_ref, g_ref, be_ref, o_ref):
    s = acc_ref[0] + acc_ref[1]
    d = den_ref[0, :, 0:1] + den_ref[1, :, 0:1]
    y = s / (d + 1e-16) + b_ref[...]
    y = jnp.maximum(y, 0.0)
    mu = jnp.mean(y, axis=-1, keepdims=True)
    var = jnp.mean((y - mu) ** 2, axis=-1, keepdims=True)
    o_ref[...] = (y - mu) * lax.rsqrt(var + 1e-5) * g_ref[...] + be_ref[...]


def _post1_call(acc, den, b, g, be):
    return pl.pallas_call(
        _post1_body,
        grid=(NB,),
        in_specs=[
            pl.BlockSpec((NC, BN, HID), lambda i: (0, i, 0)),
            pl.BlockSpec((NC, BN, DW), lambda i: (0, i, 0)),
            pl.BlockSpec((1, HID), lambda i: (0, 0)),
            pl.BlockSpec((1, HID), lambda i: (0, 0)),
            pl.BlockSpec((1, HID), lambda i: (0, 0)),
        ],
        out_specs=pl.BlockSpec((BN, HID), lambda i: (i, 0)),
        out_shape=jax.ShapeDtypeStruct((N, HID), jnp.float32),
    )(acc, den, b, g, be)


def _final_body(acc_ref, den_ref, b_ref, g_ref, be_ref, bt_ref, fw_ref,
                fb_ref, bg_ref, bb_ref, o_ref, pool_ref, cnt_ref):
    i = pl.program_id(0)

    @pl.when(i == 0)
    def _():
        pool_ref[...] = jnp.zeros_like(pool_ref)
        cnt_ref[...] = jnp.zeros_like(cnt_ref)

    s = acc_ref[0] + acc_ref[1]
    d = den_ref[0, :, 0:1] + den_ref[1, :, 0:1]
    y = s / (d + 1e-16) + b_ref[...]
    mu = jnp.mean(y, axis=-1, keepdims=True)
    var = jnp.mean((y - mu) ** 2, axis=-1, keepdims=True)
    y = (y - mu) * lax.rsqrt(var + 1e-5) * g_ref[...] + be_ref[...]
    y = jnp.maximum(y, 0.0)
    bt = bt_ref[0]
    onehot_t = (lax.broadcasted_iota(jnp.int32, (G, BN), 0) == bt)
    onehot_t = onehot_t.astype(jnp.float32)
    dn = (((1,), (0,)), ((), ()))
    pool_ref[...] += lax.dot_general(onehot_t, y, dn,
                                     precision=lax.Precision.HIGHEST,
                                     preferred_element_type=jnp.float32)
    cnt_ref[...] += lax.dot_general(onehot_t, jnp.ones_like(y), dn,
                                    precision=lax.Precision.HIGHEST,
                                    preferred_element_type=jnp.float32)

    @pl.when(i == pl.num_programs(0) - 1)
    def _():
        pooled = pool_ref[...] / jnp.maximum(cnt_ref[...], 1.0)
        logits = jnp.dot(pooled, fw_ref[...],
                         preferred_element_type=jnp.float32) + fb_ref[...]
        mu2 = jnp.mean(logits, axis=0, keepdims=True)
        var2 = jnp.mean((logits - mu2) ** 2, axis=0, keepdims=True)
        o_ref[...] = ((logits - mu2) * lax.rsqrt(var2 + 1e-5) * bg_ref[...]
                      + bb_ref[...])


def _final_call(acc, den, b, g, be, bt3, fw, fb, bg, bb):
    return pl.pallas_call(
        _final_body,
        grid=(NB,),
        in_specs=[
            pl.BlockSpec((NC, BN, HID), lambda i: (0, i, 0)),
            pl.BlockSpec((NC, BN, DW), lambda i: (0, i, 0)),
            pl.BlockSpec((1, HID), lambda i: (0, 0)),
            pl.BlockSpec((1, HID), lambda i: (0, 0)),
            pl.BlockSpec((1, HID), lambda i: (0, 0)),
            pl.BlockSpec((1, 1, BN), lambda i: (i, 0, 0)),
            pl.BlockSpec((HID, OUT), lambda i: (0, 0)),
            pl.BlockSpec((1, OUT), lambda i: (0, 0)),
            pl.BlockSpec((1, OUT), lambda i: (0, 0)),
            pl.BlockSpec((1, OUT), lambda i: (0, 0)),
        ],
        out_specs=pl.BlockSpec((G, OUT), lambda i: (0, 0)),
        out_shape=jax.ShapeDtypeStruct((G, OUT), jnp.float32),
        scratch_shapes=[
            pltpu.VMEM((G, HID), jnp.float32),
            pltpu.VMEM((G, HID), jnp.float32),
        ],
    )(acc, den, b, g, be, bt3, fw, fb, bg, bb)



def _edge_body(src_hbm, dst_hbm, s_hbm, h_hbm, acc_hbm, den_hbm,
               s_v, src_c, dst_c, w_c, wrow, grows, acc_sh, den_sh, sem):
    c = lax.axis_index("c")
    sid = lax.axis_index("s")
    wid = c * NS + sid

    pltpu.sync_copy(s_hbm, s_v)

    zf = jnp.zeros((16,), jnp.float32)

    def zg(k, _):
        for t in range(HID // 16):
            grows[k, pl.ds(t * 16, 16)] = zf
        wrow[k, pl.ds(0, 16)] = zf
        return 0

    lax.fori_loop(0, CH, zg, 0)
    for r in range(NPS // CH):
        pltpu.sync_copy(grows, acc_sh.at[pl.ds(sid * NPS + r * CH, CH)])
        pltpu.sync_copy(wrow, den_sh.at[pl.ds(sid * NPS + r * CH, CH)])
    plsc.subcore_barrier()

    lanes = lax.iota(jnp.int32, 16)

    def chunk(j, _):
        pltpu.sync_copy(src_hbm.at[wid, j], src_c)
        pltpu.sync_copy(dst_hbm.at[wid, j], dst_c)
        cp = pltpu.async_copy(h_hbm.at[src_c], grows, sem)
        for t in range(CH // 16):
            k16 = jnp.full((16,), t * 16, jnp.int32) + lanes
            s16 = src_c[pl.ds(t * 16, 16)]
            d16 = dst_c[pl.ds(t * 16, 16)]
            a = plsc.load_gather(s_v, [s16 * 2])
            b = plsc.load_gather(s_v, [d16 * 2 + 1])
            z = a + b
            e = jnp.where(z >= 0.0, z, z * 0.2)
            w = jnp.exp(e)
            ge = (wid * EPW + j * CH + t * 16) + lanes
            w = jnp.where(ge < ET, w, 0.0)
            w_c[pl.ds(t * 16, 16)] = w
            plsc.store_scatter(wrow, [k16, jnp.zeros((16,), jnp.int32)], w)
        cp.wait()

        def scale(k4, _):
            for dk in range(4):
                k = k4 * 4 + dk
                wk = plsc.load_gather(w_c, [jnp.full((16,), k, jnp.int32)])
                for t in range(HID // 16):
                    grows[k, pl.ds(t * 16, 16)] = (
                        grows[k, pl.ds(t * 16, 16)] * wk)
            return 0

        lax.fori_loop(0, CH // 4, scale, 0)
        pltpu.sync_copy(grows, acc_sh.at[dst_c], add=True)
        pltpu.sync_copy(wrow, den_sh.at[dst_c], add=True)
        return 0

    lax.fori_loop(0, NCH, chunk, 0)

    plsc.subcore_barrier()
    pltpu.sync_copy(acc_sh.at[pl.ds(sid * NPS, NPS)],
                    acc_hbm.at[c, pl.ds(sid * NPS, NPS)])
    pltpu.sync_copy(den_sh.at[pl.ds(sid * NPS, NPS)],
                    den_hbm.at[c, pl.ds(sid * NPS, NPS)])


@functools.partial(
    pl.kernel,
    out_type=[
        jax.ShapeDtypeStruct((NC, NPAD, HID), jnp.float32),
        jax.ShapeDtypeStruct((NC, NPAD, DW), jnp.float32),
    ],
    mesh=plsc.VectorSubcoreMesh(core_axis_name="c", subcore_axis_name="s"),
    compiler_params=pltpu.CompilerParams(needs_layout_passes=False,
                                         use_tc_tiling_on_sc=False),
    scratch_types=[
        pltpu.VMEM((2 * N,), jnp.float32),
        pltpu.VMEM((CH,), jnp.int32),
        pltpu.VMEM((CH,), jnp.int32),
        pltpu.VMEM((CH,), jnp.float32),
        pltpu.VMEM((CH, DW), jnp.float32),
        pltpu.VMEM((CH, HID), jnp.float32),
        pltpu.VMEM_SHARED((NPAD, HID), jnp.float32),
        pltpu.VMEM_SHARED((NPAD, DW), jnp.float32),
        pltpu.SemaphoreType.DMA,
    ],
)
def _edge_call(src_hbm, dst_hbm, s_hbm, h_hbm, acc_hbm, den_hbm,
               s_v, src_c, dst_c, w_c, wrow, grows, acc_sh, den_sh, sem):
    _edge_body(src_hbm, dst_hbm, s_hbm, h_hbm, acc_hbm, den_hbm,
               s_v, src_c, dst_c, w_c, wrow, grows, acc_sh, den_sh, sem)



def kernel(x, edge_index, batch, W1, a_src1, a_dst1, b1, ln1_g, ln1_b,
           W2, a_src2, a_dst2, b2, ln2_g, ln2_b, fcW, fcb, bn_g, bn_b):
    loops = jnp.arange(N, dtype=edge_index.dtype)
    src = jnp.concatenate([edge_index[0], loops])
    dst = jnp.concatenate([edge_index[1], loops])
    src = jnp.pad(src, (0, EP - ET)).reshape(NW, NCH, CH)
    dst = jnp.pad(dst, (0, EP - ET)).reshape(NW, NCH, CH)

    bt3 = batch.reshape(NB, 1, BN)

    h1, s1 = _pre_call(x, W1, a_src1.reshape(1, HID), a_dst1.reshape(1, HID))
    acc1, den1 = _edge_call(src, dst, s1.reshape(2 * N), h1)
    z1 = _post1_call(acc1, den1, b1.reshape(1, HID), ln1_g.reshape(1, HID),
                     ln1_b.reshape(1, HID))
    h2, s2 = _pre_call(z1, W2, a_src2.reshape(1, HID),
                       a_dst2.reshape(1, HID))
    acc2, den2 = _edge_call(src, dst, s2.reshape(2 * N), h2)
    return _final_call(acc2, den2, b2.reshape(1, HID), ln2_g.reshape(1, HID),
                       ln2_b.reshape(1, HID), bt3, fcW,
                       fcb.reshape(1, OUT), bn_g.reshape(1, OUT),
                       bn_b.reshape(1, OUT))

# --- scband reference (transcript-rebuilt; emitter-appended) ---
"""Pipeline reference for scband-gnnwith-attention-22170621182629 (READ-ONLY COPY).

The authoritative reference and input builder live on the scoring server;
editing this copy changes nothing except your own understanding.
"""

import jax, jax.numpy as jnp
import numpy as np

N = 10000
E = 320000
D = 128
HID = 128
OUT = 64
G = 128


def gat_conv(x, ei, W, a_src, a_dst, b):
    h = x @ W
    src = ei[0]
    dst = ei[1]
    alpha_s = (h * a_src).sum(-1)
    alpha_d = (h * a_dst).sum(-1)
    e = jax.nn.leaky_relu(alpha_s[src] + alpha_d[dst], negative_slope=0.2)
    e_max = jax.ops.segment_max(e, dst, num_segments=N)
    e_max = jnp.where(jnp.isfinite(e_max), e_max, 0.0)
    ex = jnp.exp(e - e_max[dst])
    denom = jax.ops.segment_sum(ex, dst, num_segments=N)
    alpha = ex / (denom[dst] + 1e-16)
    out = jax.ops.segment_sum(alpha[:, None] * h[src], dst, num_segments=N)
    return out + b


def layer_norm(x, g, b, eps=1e-5):
    mu = x.mean(-1, keepdims=True)
    var = ((x - mu) ** 2).mean(-1, keepdims=True)
    return (x - mu) / jnp.sqrt(var + eps) * g + b


def forward(x, edge_index, batch, W1, a_src1, a_dst1, b1, ln1_g, ln1_b,
            W2, a_src2, a_dst2, b2, ln2_g, ln2_b, fcW, fcb, bn_g, bn_b):
    # PyG GATConv adds self-loops by default
    loops = jnp.arange(N, dtype=edge_index.dtype)
    ei = jnp.concatenate([edge_index, jnp.stack([loops, loops])], axis=1)
    h = jax.nn.relu(gat_conv(x, ei, W1, a_src1, a_dst1, b1))
    h = layer_norm(h, ln1_g, ln1_b)
    # dropout: identity in eval mode
    h = gat_conv(h, ei, W2, a_src2, a_dst2, b2)
    h = layer_norm(h, ln2_g, ln2_b)
    h = jax.nn.relu(h)
    # global_mean_pool
    sums = jax.ops.segment_sum(h, batch, num_segments=G)
    cnts = jax.ops.segment_sum(jnp.ones((N,), h.dtype), batch, num_segments=G)
    pooled = sums / jnp.maximum(cnts, 1.0)[:, None]
    logits = pooled @ fcW + fcb
    # BatchNorm1d (batch statistics, biased var)
    mu = logits.mean(0, keepdims=True)
    var = ((logits - mu) ** 2).mean(0, keepdims=True)
    logits = (logits - mu) / jnp.sqrt(var + 1e-5) * bn_g + bn_b
    return logits


def setup_inputs(seed: int = 0):
    key = jax.random.key(seed)
    ks = jax.random.split(key, 12)
    x = jax.random.normal(ks[0], (N, D), dtype=jnp.float32)
    edge_index = jax.random.randint(ks[1], (2, E), 0, N, dtype=jnp.int32)
    batch = jnp.sort(jax.random.randint(ks[2], (N,), 0, G, dtype=jnp.int32))
    W1 = jax.random.normal(ks[3], (D, HID), jnp.float32) / np.sqrt(D)
    a_src1 = jax.random.normal(ks[4], (HID,), jnp.float32) / np.sqrt(HID)
    a_dst1 = jax.random.normal(ks[5], (HID,), jnp.float32) / np.sqrt(HID)
    b1 = jnp.zeros((HID,), jnp.float32)
    ln1_g = jnp.ones((HID,), jnp.float32)
    ln1_b = jnp.zeros((HID,), jnp.float32)
    W2 = jax.random.normal(ks[6], (HID, HID), jnp.float32) / np.sqrt(HID)
    a_src2 = jax.random.normal(ks[7], (HID,), jnp.float32) / np.sqrt(HID)
    a_dst2 = jax.random.normal(ks[8], (HID,), jnp.float32) / np.sqrt(HID)
    b2 = jnp.zeros((HID,), jnp.float32)
    ln2_g = jnp.ones((HID,), jnp.float32)
    ln2_b = jnp.zeros((HID,), jnp.float32)
    fcW = jax.random.normal(ks[9], (HID, OUT), jnp.float32) / np.sqrt(HID)
    fcb = jnp.zeros((OUT,), jnp.float32)
    bn_g = jnp.ones((OUT,), jnp.float32)
    bn_b = jnp.zeros((OUT,), jnp.float32)
    return {"x": x, "edge_index": edge_index, "batch": batch,
            "W1": W1, "a_src1": a_src1, "a_dst1": a_dst1, "b1": b1,
            "ln1_g": ln1_g, "ln1_b": ln1_b,
            "W2": W2, "a_src2": a_src2, "a_dst2": a_dst2, "b2": b2,
            "ln2_g": ln2_g, "ln2_b": ln2_b,
            "fcW": fcW, "fcb": fcb, "bn_g": bn_g, "bn_b": bn_b}


def reference(x, edge_index, batch, W1, a_src1, a_dst1, b1, ln1_g, ln1_b,
              W2, a_src2, a_dst2, b2, ln2_g, ln2_b, fcW, fcb, bn_g, bn_b):
    return forward(x, edge_index, batch, W1, a_src1, a_dst1, b1, ln1_g, ln1_b,
                   W2, a_src2, a_dst2, b2, ln2_g, ln2_b, fcW, fcb, bn_g, bn_b)

if __name__ == "__main__":
    import jax
    _d = setup_inputs()
    print(jax.jit(kernel)(*tuple(_d.values())))

</pallas_src>

<mosaic_0001>
#map = affine_map<(d0, d1) -> (0, 0, 0)>
#map1 = affine_map<(d0, d1) -> (0)>
#map2 = affine_map<(d0, d1) -> (0, 0)>
module attributes {stable_mosaic.version = 14 : i64} {
  func.func @_edge_call(%arg0: i32, %arg1: i32, %arg2: memref<32x81x128xi32, #tpu.memory_space<hbm>>, %arg3: memref<32x81x128xi32, #tpu.memory_space<hbm>>, %arg4: memref<20000xf32, #tpu.memory_space<hbm>>, %arg5: memref<10000x128xf32, #tpu.memory_space<hbm>>, %arg6: memref<2x10240x128xf32, #tpu.memory_space<hbm>>, %arg7: memref<2x10240x16xf32, #tpu.memory_space<hbm>>, %arg8: memref<20000xf32, #tpu.memory_space<vmem>>, %arg9: memref<128xi32, #tpu.memory_space<vmem>>, %arg10: memref<128xi32, #tpu.memory_space<vmem>>, %arg11: memref<128xf32, #tpu.memory_space<vmem>>, %arg12: memref<128x16xf32, #tpu.memory_space<vmem>>, %arg13: memref<128x128xf32, #tpu.memory_space<vmem>>, %arg14: memref<10240x128xf32, #tpu.memory_space<vmem_shared>>, %arg15: memref<10240x16xf32, #tpu.memory_space<vmem_shared>>, %arg16: memref<!tpu.dma_semaphore, #tpu.memory_space<semaphore_mem>>) attributes {dimension_semantics = [#tpu.dimension_semantics<core_parallel>, #tpu.dimension_semantics<subcore_parallel>], iteration_bounds = array<i64: 2, 16>, scalar_prefetch = 0 : i64, scratch_operands = 9 : i64, tpu.core_type = #tpu.core_type<sc_vector_subcore>, window_params = [{transform_indices = #map}, {transform_indices = #map}, {transform_indices = #map1}, {transform_indices = #map2}, {transform_indices = #map}, {transform_indices = #map}]} {
    %mul3A = arith.constant 16 : i32
    %mul3A_0 = arith.muli %arg0, %mul3A : i32
    %add3A = arith.addi %mul3A_0, %arg1 : i32
    "tpu.region"() ({
      %run_scoped3A = tpu.sem_alloc : memref<!tpu.dma_semaphore, #tpu.memory_space<semaphore_mem>>
      tpu.enqueue_dma source(%arg4 : memref<20000xf32, #tpu.memory_space<hbm>>) target(%arg8 : memref<20000xf32, #tpu.memory_space<vmem>>) target_semaphore(%run_scoped3A : memref<!tpu.dma_semaphore, #tpu.memory_space<semaphore_mem>>)
      tpu.wait_dma2 semaphore(%run_scoped3A : memref<!tpu.dma_semaphore, #tpu.memory_space<semaphore_mem>>) src(%arg4 : memref<20000xf32, #tpu.memory_space<hbm>>) dst(%arg8 : memref<20000xf32, #tpu.memory_space<vmem>>)
      tpu.yield
    }) : () -> ()
    %broadcast_in_dim3A = arith.constant 0.000000e+00 : f32
    %broadcast_in_dim3A_1 = vector.broadcast %broadcast_in_dim3A : f32 to vector<16xf32>
    %scan3A = arith.constant 0 : i32
    %scan3A_2 = arith.constant 0 : i32
    %scan3A_3 = arith.constant 128 : i32
    %scan3A_4 = arith.addi %scan3A_2, %scan3A_3 : i32
    %scan3A_5 = arith.constant 1 : i32
    %scan3A_6 = scf.for %scan3A_64 = %scan3A_2 to %scan3A_4 step %scan3A_5 iter_args(%scan3A_65 = %scan3A) -> (i32)  : i32 {
      %swap3A = arith.index_cast %scan3A_64 : i32 to index
      %swap3A_66 = arith.constant 0 : index
      %swap3A_67 = tpu.vector_load %arg13[%swap3A, %swap3A_66] {strides = array<i32>} : memref<128x128xf32, #tpu.memory_space<vmem>>, vector<16xf32>,
      tpu.vector_store %arg13[%swap3A, %swap3A_66], %broadcast_in_dim3A_1 {strides = array<i32>} : memref<128x128xf32, #tpu.memory_space<vmem>>, vector<16xf32>,
      %swap3A_68 = arith.index_cast %scan3A_64 : i32 to index
      %swap3A_69 = arith.constant 16 : index
      %swap3A_70 = tpu.vector_load %arg13[%swap3A_68, %swap3A_69] {strides = array<i32>} : memref<128x128xf32, #tpu.memory_space<vmem>>, vector<16xf32>,
      tpu.vector_store %arg13[%swap3A_68, %swap3A_69], %broadcast_in_dim3A_1 {strides = array<i32>} : memref<128x128xf32, #tpu.memory_space<vmem>>, vector<16xf32>,
      %swap3A_71 = arith.index_cast %scan3A_64 : i32 to index
      %swap3A_72 = arith.constant 32 : index
      %swap3A_73 = tpu.vector_load %arg13[%swap3A_71, %swap3A_72] {strides = array<i32>} : memref<128x128xf32, #tpu.memory_space<vmem>>, vector<16xf32>,
      tpu.vector_store %arg13[%swap3A_71, %swap3A_72], %broadcast_in_dim3A_1 {strides = array<i32>} : memref<128x128xf32, #tpu.memory_space<vmem>>, vector<16xf32>,
      %swap3A_74 = arith.index_cast %scan3A_64 : i32 to index
      %swap3A_75 = arith.constant 48 : index
      %swap3A_76 = tpu.vector_load %arg13[%swap3A_74, %swap3A_75] {strides = array<i32>} : memref<128x128xf32, #tpu.memory_space<vmem>>, vector<16xf32>,
      tpu.vector_store %arg13[%swap3A_74, %swap3A_75], %broadcast_in_dim3A_1 {strides = array<i32>} : memref<128x128xf32, #tpu.memory_space<vmem>>, vector<16xf32>,
      %swap3A_77 = arith.index_cast %scan3A_64 : i32 to index
      %swap3A_78 = arith.constant 64 : index
      %swap3A_79 = tpu.vector_load %arg13[%swap3A_77, %swap3A_78] {strides = array<i32>} : memref<128x128xf32, #tpu.memory_space<vmem>>, vector<16xf32>,
      tpu.vector_store %arg13[%swap3A_77, %swap3A_78], %broadcast_in_dim3A_1 {strides = array<i32>} : memref<128x128xf32, #tpu.memory_space<vmem>>, vector<16xf32>,
      %swap3A_80 = arith.index_cast %scan3A_64 : i32 to index
      %swap3A_81 = arith.constant 80 : index
      %swap3A_82 = tpu.vector_load %arg13[%swap3A_80, %swap3A_81] {strides = array<i32>} : memref<128x128xf32, #tpu.memory_space<vmem>>, vector<16xf32>,
      tpu.vector_store %arg13[%swap3A_80, %swap3A_81], %broadcast_in_dim3A_1 {strides = array<i32>} : memref<128x128xf32, #tpu.memory_space<vmem>>, vector<16xf32>,
      %swap3A_83 = arith.index_cast %scan3A_64 : i32 to index
      %swap3A_84 = arith.constant 96 : index
      %swap3A_85 = tpu.vector_load %arg13[%swap3A_83, %swap3A_84] {strides = array<i32>} : memref<128x128xf32, #tpu.memory_space<vmem>>, vector<16xf32>,
      tpu.vector_store %arg13[%swap3A_83, %swap3A_84], %broadcast_in_dim3A_1 {strides = array<i32>} : memref<128x128xf32, #tpu.memory_space<vmem>>, vector<16xf32>,
      %swap3A_86 = arith.index_cast %scan3A_64 : i32 to index
      %swap3A_87 = arith.constant 112 : index
      %swap3A_88 = tpu.vector_load %arg13[%swap3A_86, %swap3A_87] {strides = array<i32>} : memref<128x128xf32, #tpu.memory_space<vmem>>, vector<16xf32>,
      tpu.vector_store %arg13[%swap3A_86, %swap3A_87], %broadcast_in_dim3A_1 {strides = array<i32>} : memref<128x128xf32, #tpu.memory_space<vmem>>, vector<16xf32>,
      %swap3A_89 = arith.index_cast %scan3A_64 : i32 to index
      %swap3A_90 = arith.constant 0 : index
      %swap3A_91 = tpu.vector_load %arg12[%swap3A_89, %swap3A_90] {strides = array<i32>} : memref<128x16xf32, #tpu.memory_space<vmem>>, vector<16xf32>,
      tpu.vector_store %arg12[%swap3A_89, %swap3A_90], %broadcast_in_dim3A_1 {strides = array<i32>} : memref<128x16xf32, #tpu.memory_space<vmem>>, vector<16xf32>,
      %scan3A_92 = arith.constant 0 : i32
      scf.yield %scan3A_92 : i32
    }
    %scan3A_7 = arith.constant 128 : i32
    %mul3A_8 = arith.constant 640 : i32
    %mul3A_9 = arith.muli %arg1, %mul3A_8 : i32
    %add3A_10 = arith.constant 0 : i32
    %add3A_11 = arith.addi %mul3A_9, %add3A_10 : i32
    "tpu.region"() ({
      %run_scoped3A = tpu.sem_alloc : memref<!tpu.dma_semaphore, #tpu.memory_space<semaphore_mem>>
      %dma_start3A = arith.constant 0 : i32
      %dma_start3A_64 = tpu.memref_slice %arg14[%add3A_11, %dma_start3A] : memref<10240x128xf32, #tpu.memory_space<vmem_shared>> -> memref<128x128xf32, #tpu.memory_space<vmem_shared>>
      %dma_start3A_65 = arith.constant 0 : i32
      %dma_start3A_66 = tpu.memref_slice %arg14[%add3A_11, %dma_start3A_65] : memref<10240x128xf32, #tpu.memory_space<vmem_shared>> -> memref<128x128xf32, #tpu.memory_space<vmem_shared>>
      tpu.enqueue_dma source(%arg13 : memref<128x128xf32, #tpu.memory_space<vmem>>) target(%dma_start3A_66 : memref<128x128xf32, #tpu.memory_space<vmem_shared>>) target_semaphore(%run_scoped3A : memref<!tpu.dma_semaphore, #tpu.memory_space<semaphore_mem>>)
      %dma_wait3A = arith.constant 0 : i32
      %dma_wait3A_67 = tpu.memref_slice %arg14[%add3A_11, %dma_wait3A] : memref<10240x128xf32, #tpu.memory_space<vmem_shared>> -> memref<128x128xf32, #tpu.memory_space<vmem_shared>>
      %dma_wait3A_68 = arith.constant 0 : i32
      %dma_wait3A_69 = tpu.memref_slice %arg14[%add3A_11, %dma_wait3A_68] : memref<10240x128xf32, #tpu.memory_space<vmem_shared>> -> memref<128x128xf32, #tpu.memory_space<vmem_shared>>
      tpu.wait_dma2 semaphore(%run_scoped3A : memref<!tpu.dma_semaphore, #tpu.memory_space<semaphore_mem>>) src(%arg13 : memref<128x128xf32, #tpu.memory_space<vmem>>) dst(%dma_wait3A_69 : memref<128x128xf32, #tpu.memory_space<vmem_shared>>)
      tpu.yield
    }) : () -> ()
    %mul3A_12 = arith.constant 640 : i32
    %mul3A_13 = arith.muli %arg1, %mul3A_12 : i32
    %add3A_14 = arith.constant 0 : i32
    %add3A_15 = arith.addi %mul3A_13, %add3A_14 : i32
    "tpu.region"() ({
      %run_scoped3A = tpu.sem_alloc : memref<!tpu.dma_semaphore, #tpu.memory_space<semaphore_mem>>
      %dma_start3A = arith.constant 0 : i32
      %dma_start3A_64 = tpu.memref_slice %arg15[%add3A_15, %dma_start3A] : memref<10240x16xf32, #tpu.memory_space<vmem_shared>> -> memref<128x16xf32, #tpu.memory_space<vmem_shared>>
      %dma_start3A_65 = arith.constant 0 : i32
      %dma_start3A_66 = tpu.memref_slice %arg15[%add3A_15, %dma_start3A_65] : memref<10240x16xf32, #tpu.memory_space<vmem_shared>> -> memref<128x16xf32, #tpu.memory_space<vmem_shared>>
      tpu.enqueue_dma source(%arg12 : memref<128x16xf32, #tpu.memory_space<vmem>>) target(%dma_start3A_66 : memref<128x16xf32, #tpu.memory_space<vmem_shared>>) target_semaphore(%run_scoped3A : memref<!tpu.dma_semaphore, #tpu.memory_space<semaphore_mem>>)
      %dma_wait3A = arith.constant 0 : i32
      %dma_wait3A_67 = tpu.memref_slice %arg15[%add3A_15, %dma_wait3A] : memref<10240x16xf32, #tpu.memory_space<vmem_shared>> -> memref<128x16xf32, #tpu.memory_space<vmem_shared>>
      %dma_wait3A_68 = arith.constant 0 : i32
      %dma_wait3A_69 = tpu.memref_slice %arg15[%add3A_15, %dma_wait3A_68] : memref<10240x16xf32, #tpu.memory_space<vmem_shared>> -> memref<128x16xf32, #tpu.memory_space<vmem_shared>>
      tpu.wait_dma2 semaphore(%run_scoped3A : memref<!tpu.dma_semaphore, #tpu.memory_space<semaphore_mem>>) src(%arg12 : memref<128x16xf32, #tpu.memory_space<vmem>>) dst(%dma_wait3A_69 : memref<128x16xf32, #tpu.memory_space<vmem_shared>>)
      tpu.yield
    }) : () -> ()
    %mul3A_16 = arith.constant 640 : i32
    %mul3A_17 = arith.muli %arg1, %mul3A_16 : i32
    %add3A_18 = arith.constant 128 : i32
    %add3A_19 = arith.addi %mul3A_17, %add3A_18 : i32
    "tpu.region"() ({
      %run_scoped3A = tpu.sem_alloc : memref<!tpu.dma_semaphore, #tpu.memory_space<semaphore_mem>>
      %dma_start3A = arith.constant 0 : i32
      %dma_start3A_64 = tpu.memref_slice %arg14[%add3A_19, %dma_start3A] : memref<10240x128xf32, #tpu.memory_space<vmem_shared>> -> memref<128x128xf32, #tpu.memory_space<vmem_shared>>
      %dma_start3A_65 = arith.constant 0 : i32
      %dma_start3A_66 = tpu.memref_slice %arg14[%add3A_19, %dma_start3A_65] : memref<10240x128xf32, #tpu.memory_space<vmem_shared>> -> memref<128x128xf32, #tpu.memory_space<vmem_shared>>
      tpu.enqueue_dma source(%arg13 : memref<128x128xf32, #tpu.memory_space<vmem>>) target(%dma_start3A_66 : memref<128x128xf32, #tpu.memory_space<vmem_shared>>) target_semaphore(%run_scoped3A : memref<!tpu.dma_semaphore, #tpu.memory_space<semaphore_mem>>)
      %dma_wait3A = arith.constant 0 : i32
      %dma_wait3A_67 = tpu.memref_slice %arg14[%add3A_19, %dma_wait3A] : memref<10240x128xf32, #tpu.memory_space<vmem_shared>> -> memref<128x128xf32, #tpu.memory_space<vmem_shared>>
      %dma_wait3A_68 = arith.constant 0 : i32
      %dma_wait3A_69 = tpu.memref_slice %arg14[%add3A_19, %dma_wait3A_68] : memref<10240x128xf32, #tpu.memory_space<vmem_shared>> -> memref<128x128xf32, #tpu.memory_space<vmem_shared>>
      tpu.wait_dma2 semaphore(%run_scoped3A : memref<!tpu.dma_semaphore, #tpu.memory_space<semaphore_mem>>) src(%arg13 : memref<128x128xf32, #tpu.memory_space<vmem>>) dst(%dma_wait3A_69 : memref<128x128xf32, #tpu.memory_space<vmem_shared>>)
      tpu.yield
    }) : () -> ()
    %mul3A_20 = arith.constant 640 : i32
    %mul3A_21 = arith.muli %arg1, %mul3A_20 : i32
    %add3A_22 = arith.constant 128 : i32
    %add3A_23 = arith.addi %mul3A_21, %add3A_22 : i32
    "tpu.region"() ({
      %run_scoped3A = tpu.sem_alloc : memref<!tpu.dma_semaphore, #tpu.memory_space<semaphore_mem>>
      %dma_start3A = arith.constant 0 : i32
      %dma_start3A_64 = tpu.memref_slice %arg15[%add3A_23, %dma_start3A] : memref<10240x16xf32, #tpu.memory_space<vmem_shared>> -> memref<128x16xf32, #tpu.memory_space<vmem_shared>>
      %dma_start3A_65 = arith.constant 0 : i32
      %dma_start3A_66 = tpu.memref_slice %arg15[%add3A_23, %dma_start3A_65] : memref<10240x16xf32, #tpu.memory_space<vmem_shared>> -> memref<128x16xf32, #tpu.memory_space<vmem_shared>>
      tpu.enqueue_dma source(%arg12 : memref<128x16xf32, #tpu.memory_space<vmem>>) target(%dma_start3A_66 : memref<128x16xf32, #tpu.memory_space<vmem_shared>>) target_semaphore(%run_scoped3A : memref<!tpu.dma_semaphore, #tpu.memory_space<semaphore_mem>>)
      %dma_wait3A = arith.constant 0 : i32
      %dma_wait3A_67 = tpu.memref_slice %arg15[%add3A_23, %dma_wait3A] : memref<10240x16xf32, #tpu.memory_space<vmem_shared>> -> memref<128x16xf32, #tpu.memory_space<vmem_shared>>
      %dma_wait3A_68 = arith.constant 0 : i32
      %dma_wait3A_69 = tpu.memref_slice %arg15[%add3A_23, %dma_wait3A_68] : memref<10240x16xf32, #tpu.memory_space<vmem_shared>> -> memref<128x16xf32, #tpu.memory_space<vmem_shared>>
      tpu.wait_dma2 semaphore(%run_scoped3A : memref<!tpu.dma_semaphore, #tpu.memory_space<semaphore_mem>>) src(%arg12 : memref<128x16xf32, #tpu.memory_space<vmem>>) dst(%dma_wait3A_69 : memref<128x16xf32, #tpu.memory_space<vmem_shared>>)
      tpu.yield
    }) : () -> ()
    %mul3A_24 = arith.constant 640 : i32
    %mul3A_25 = arith.muli %arg1, %mul3A_24 : i32
    %add3A_26 = arith.constant 256 : i32
    %add3A_27 = arith.addi %mul3A_25, %add3A_26 : i32
    "tpu.region"() ({
      %run_scoped3A = tpu.sem_alloc : memref<!tpu.dma_semaphore, #tpu.memory_space<semaphore_mem>>
      %dma_start3A = arith.constant 0 : i32
      %dma_start3A_64 = tpu.memref_slice %arg14[%add3A_27, %dma_start3A] : memref<10240x128xf32, #tpu.memory_space<vmem_shared>> -> memref<128x128xf32, #tpu.memory_space<vmem_shared>>
      %dma_start3A_65 = arith.constant 0 : i32
      %dma_start3A_66 = tpu.memref_slice %arg14[%add3A_27, %dma_start3A_65] : memref<10240x128xf32, #tpu.memory_space<vmem_shared>> -> memref<128x128xf32, #tpu.memory_space<vmem_shared>>
      tpu.enqueue_dma source(%arg13 : memref<128x128xf32, #tpu.memory_space<vmem>>) target(%dma_start3A_66 : memref<128x128xf32, #tpu.memory_space<vmem_shared>>) target_semaphore(%run_scoped3A : memref<!tpu.dma_semaphore, #tpu.memory_space<semaphore_mem>>)
      %dma_wait3A = arith.constant 0 : i32
      %dma_wait3A_67 = tpu.memref_slice %arg14[%add3A_27, %dma_wait3A] : memref<10240x128xf32, #tpu.memory_space<vmem_shared>> -> memref<128x128xf32, #tpu.memory_space<vmem_shared>>
      %dma_wait3A_68 = arith.constant 0 : i32
      %dma_wait3A_69 = tpu.memref_slice %arg14[%add3A_27, %dma_wait3A_68] : memref<10240x128xf32, #tpu.memory_space<vmem_shared>> -> memref<128x128xf32, #tpu.memory_space<vmem_shared>>
      tpu.wait_dma2 semaphore(%run_scoped3A : memref<!tpu.dma_semaphore, #tpu.memory_space<semaphore_mem>>) src(%arg13 : memref<128x128xf32, #tpu.memory_space<vmem>>) dst(%dma_wait3A_69 : memref<128x128xf32, #tpu.memory_space<vmem_shared>>)
      tpu.yield
    }) : () -> ()
    %mul3A_28 = arith.constant 640 : i32
    %mul3A_29 = arith.muli %arg1, %mul3A_28 : i32
    %add3A_30 = arith.constant 256 : i32
    %add3A_31 = arith.addi %mul3A_29, %add3A_30 : i32
    "tpu.region"() ({
      %run_scoped3A = tpu.sem_alloc : memref<!tpu.dma_semaphore, #tpu.memory_space<semaphore_mem>>
      %dma_start3A = arith.constant 0 : i32
      %dma_start3A_64 = tpu.memref_slice %arg15[%add3A_31, %dma_start3A] : memref<10240x16xf32, #tpu.memory_space<vmem_shared>> -> memref<128x16xf32, #tpu.memory_space<vmem_shared>>
      %dma_start3A_65 = arith.constant 0 : i32
      %dma_start3A_66 = tpu.memref_slice %arg15[%add3A_31, %dma_start3A_65] : memref<10240x16xf32, #tpu.memory_space<vmem_shared>> -> memref<128x16xf32, #tpu.memory_space<vmem_shared>>
      tpu.enqueue_dma source(%arg12 : memref<128x16xf32, #tpu.memory_space<vmem>>) target(%dma_start3A_66 : memref<128x16xf32, #tpu.memory_space<vmem_shared>>) target_semaphore(%run_scoped3A : memref<!tpu.dma_semaphore, #tpu.memory_space<semaphore_mem>>)
      %dma_wait3A = arith.constant 0 : i32
      %dma_wait3A_67 = tpu.memref_slice %arg15[%add3A_31, %dma_wait3A] : memref<10240x16xf32, #tpu.memory_space<vmem_shared>> -> memref<128x16xf32, #tpu.memory_space<vmem_shared>>
      %dma_wait3A_68 = arith.constant 0 : i32
      %dma_wait3A_69 = tpu.memref_slice %arg15[%add3A_31, %dma_wait3A_68] : memref<10240x16xf32, #tpu.memory_space<vmem_shared>> -> memref<128x16xf32, #tpu.memory_space<vmem_shared>>
      tpu.wait_dma2 semaphore(%run_scoped3A : memref<!tpu.dma_semaphore, #tpu.memory_space<semaphore_mem>>) src(%arg12 : memref<128x16xf32, #tpu.memory_space<vmem>>) dst(%dma_wait3A_69 : memref<128x16xf32, #tpu.memory_space<vmem_shared>>)
      tpu.yield
    }) : () -> ()
    %mul3A_32 = arith.constant 640 : i32
    %mul3A_33 = arith.muli %arg1, %mul3A_32 : i32
    %add3A_34 = arith.constant 384 : i32
    %add3A_35 = arith.addi %mul3A_33, %add3A_34 : i32
    "tpu.region"() ({
      %run_scoped3A = tpu.sem_alloc : memref<!tpu.dma_semaphore, #tpu.memory_space<semaphore_mem>>
      %dma_start3A = arith.constant 0 : i32
      %dma_start3A_64 = tpu.memref_slice %arg14[%add3A_35, %dma_start3A] : memref<10240x128xf32, #tpu.memory_space<vmem_shared>> -> memref<128x128xf32, #tpu.memory_space<vmem_shared>>
      %dma_start3A_65 = arith.constant 0 : i32
      %dma_start3A_66 = tpu.memref_slice %arg14[%add3A_35, %dma_start3A_65] : memref<10240x128xf32, #tpu.memory_space<vmem_shared>> -> memref<128x128xf32, #tpu.memory_space<vmem_shared>>
      tpu.enqueue_dma source(%arg13 : memref<128x128xf32, #tpu.memory_space<vmem>>) target(%dma_start3A_66 : memref<128x128xf32, #tpu.memory_space<vmem_shared>>) target_semaphore(%run_scoped3A : memref<!tpu.dma_semaphore, #tpu.memory_space<semaphore_mem>>)
      %dma_wait3A = arith.constant 0 : i32
      %dma_wait3A_67 = tpu.memref_slice %arg14[%add3A_35, %dma_wait3A] : memref<10240x128xf32, #tpu.memory_space<vmem_shared>> -> memref<128x128xf32, #tpu.memory_space<vmem_shared>>
      %dma_wait3A_68 = arith.constant 0 : i32
      %dma_wait3A_69 = tpu.memref_slice %arg14[%add3A_35, %dma_wait3A_68] : memref<10240x128xf32, #tpu.memory_space<vmem_shared>> -> memref<128x128xf32, #tpu.memory_space<vmem_shared>>
      tpu.wait_dma2 semaphore(%run_scoped3A : memref<!tpu.dma_semaphore, #tpu.memory_space<semaphore_mem>>) src(%arg13 : memref<128x128xf32, #tpu.memory_space<vmem>>) dst(%dma_wait3A_69 : memref<128x128xf32, #tpu.memory_space<vmem_shared>>)
      tpu.yield
    }) : () -> ()
    %mul3A_36 = arith.constant 640 : i32
    %mul3A_37 = arith.muli %arg1, %mul3A_36 : i32
    %add3A_38 = arith.constant 384 : i32
    %add3A_39 = arith.addi %mul3A_37, %add3A_38 : i32
    "tpu.region"() ({
      %run_scoped3A = tpu.sem_alloc : memref<!tpu.dma_semaphore, #tpu.memory_space<semaphore_mem>>
      %dma_start3A = arith.constant 0 : i32
      %dma_start3A_64 = tpu.memref_slice %arg15[%add3A_39, %dma_start3A] : memref<10240x16xf32, #tpu.memory_space<vmem_shared>> -> memref<128x16xf32, #tpu.memory_space<vmem_shared>>
      %dma_start3A_65 = arith.constant 0 : i32
      %dma_start3A_66 = tpu.memref_slice %arg15[%add3A_39, %dma_start3A_65] : memref<10240x16xf32, #tpu.memory_space<vmem_shared>> -> memref<128x16xf32, #tpu.memory_space<vmem_shared>>
      tpu.enqueue_dma source(%arg12 : memref<128x16xf32, #tpu.memory_space<vmem>>) target(%dma_start3A_66 : memref<128x16xf32, #tpu.memory_space<vmem_shared>>) target_semaphore(%run_scoped3A : memref<!tpu.dma_semaphore, #tpu.memory_space<semaphore_mem>>)
      %dma_wait3A = arith.constant 0 : i32
      %dma_wait3A_67 = tpu.memref_slice %arg15[%add3A_39, %dma_wait3A] : memref<10240x16xf32, #tpu.memory_space<vmem_shared>> -> memref<128x16xf32, #tpu.memory_space<vmem_shared>>
      %dma_wait3A_68 = arith.constant 0 : i32
      %dma_wait3A_69 = tpu.memref_slice %arg15[%add3A_39, %dma_wait3A_68] : memref<10240x16xf32, #tpu.memory_space<vmem_shared>> -> memref<128x16xf32, #tpu.memory_space<vmem_shared>>
      tpu.wait_dma2 semaphore(%run_scoped3A : memref<!tpu.dma_semaphore, #tpu.memory_space<semaphore_mem>>) src(%arg12 : memref<128x16xf32, #tpu.memory_space<vmem>>) dst(%dma_wait3A_69 : memref<128x16xf32, #tpu.memory_space<vmem_shared>>)
      tpu.yield
    }) : () -> ()
    %mul3A_40 = arith.constant 640 : i32
    %mul3A_41 = arith.muli %arg1, %mul3A_40 : i32
    %add3A_42 = arith.constant 512 : i32
    %add3A_43 = arith.addi %mul3A_41, %add3A_42 : i32
    "tpu.region"() ({
      %run_scoped3A = tpu.sem_alloc : memref<!tpu.dma_semaphore, #tpu.memory_space<semaphore_mem>>
      %dma_start3A = arith.constant 0 : i32
      %dma_start3A_64 = tpu.memref_slice %arg14[%add3A_43, %dma_start3A] : memref<10240x128xf32, #tpu.memory_space<vmem_shared>> -> memref<128x128xf32, #tpu.memory_space<vmem_shared>>
      %dma_start3A_65 = arith.constant 0 : i32
      %dma_start3A_66 = tpu.memref_slice %arg14[%add3A_43, %dma_start3A_65] : memref<10240x128xf32, #tpu.memory_space<vmem_shared>> -> memref<128x128xf32, #tpu.memory_space<vmem_shared>>
      tpu.enqueue_dma source(%arg13 : memref<128x128xf32, #tpu.memory_space<vmem>>) target(%dma_start3A_66 : memref<128x128xf32, #tpu.memory_space<vmem_shared>>) target_semaphore(%run_scoped3A : memref<!tpu.dma_semaphore, #tpu.memory_space<semaphore_mem>>)
      %dma_wait3A = arith.constant 0 : i32
      %dma_wait3A_67 = tpu.memref_slice %arg14[%add3A_43, %dma_wait3A] : memref<10240x128xf32, #tpu.memory_space<vmem_shared>> -> memref<128x128xf32, #tpu.memory_space<vmem_shared>>
      %dma_wait3A_68 = arith.constant 0 : i32
      %dma_wait3A_69 = tpu.memref_slice %arg14[%add3A_43, %dma_wait3A_68] : memref<10240x128xf32, #tpu.memory_space<vmem_shared>> -> memref<128x128xf32, #tpu.memory_space<vmem_shared>>
      tpu.wait_dma2 semaphore(%run_scoped3A : memref<!tpu.dma_semaphore, #tpu.memory_space<semaphore_mem>>) src(%arg13 : memref<128x128xf32, #tpu.memory_space<vmem>>) dst(%dma_wait3A_69 : memref<128x128xf32, #tpu.memory_space<vmem_shared>>)
      tpu.yield
    }) : () -> ()
    %mul3A_44 = arith.constant 640 : i32
    %mul3A_45 = arith.muli %arg1, %mul3A_44 : i32
    %add3A_46 = arith.constant 512 : i32
    %add3A_47 = arith.addi %mul3A_45, %add3A_46 : i32
    "tpu.region"() ({
      %run_scoped3A = tpu.sem_alloc : memref<!tpu.dma_semaphore, #tpu.memory_space<semaphore_mem>>
      %dma_start3A = arith.constant 0 : i32
      %dma_start3A_64 = tpu.memref_slice %arg15[%add3A_47, %dma_start3A] : memref<10240x16xf32, #tpu.memory_space<vmem_shared>> -> memref<128x16xf32, #tpu.memory_space<vmem_shared>>
      %dma_start3A_65 = arith.constant 0 : i32
      %dma_start3A_66 = tpu.memref_slice %arg15[%add3A_47, %dma_start3A_65] : memref<10240x16xf32, #tpu.memory_space<vmem_shared>> -> memref<128x16xf32, #tpu.memory_space<vmem_shared>>
      tpu.enqueue_dma source(%arg12 : memref<128x16xf32, #tpu.memory_space<vmem>>) target(%dma_start3A_66 : memref<128x16xf32, #tpu.memory_space<vmem_shared>>) target_semaphore(%run_scoped3A : memref<!tpu.dma_semaphore, #tpu.memory_space<semaphore_mem>>)
      %dma_wait3A = arith.constant 0 : i32
      %dma_wait3A_67 = tpu.memref_slice %arg15[%add3A_47, %dma_wait3A] : memref<10240x16xf32, #tpu.memory_space<vmem_shared>> -> memref<128x16xf32, #tpu.memory_space<vmem_shared>>
      %dma_wait3A_68 = arith.constant 0 : i32
      %dma_wait3A_69 = tpu.memref_slice %arg15[%add3A_47, %dma_wait3A_68] : memref<10240x16xf32, #tpu.memory_space<vmem_shared>> -> memref<128x16xf32, #tpu.memory_space<vmem_shared>>
      tpu.wait_dma2 semaphore(%run_scoped3A : memref<!tpu.dma_semaphore, #tpu.memory_space<semaphore_mem>>) src(%arg12 : memref<128x16xf32, #tpu.memory_space<vmem>>) dst(%dma_wait3A_69 : memref<128x16xf32, #tpu.memory_space<vmem_shared>>)
      tpu.yield
    }) : () -> ()
    %barrier3A = arith.constant 0 : index
    tpu.barrier barrier_id(%barrier3A)
    %iota3A = tpu.iota {dimensions = array<i32: 0>} : vector<16xi32>
    %scan3A_48 = arith.constant 0 : i32
    %scan3A_49 = arith.constant 0 : i32
    %scan3A_50 = arith.constant 81 : i32
    %scan3A_51 = arith.addi %scan3A_49, %scan3A_50 : i32
    %scan3A_52 = arith.constant 1 : i32
    %scan3A_53 = scf.for %scan3A_64 = %scan3A_49 to %scan3A_51 step %scan3A_52 iter_args(%scan3A_65 = %scan3A_48) -> (i32)  : i32 {
      "tpu.region"() ({
        %run_scoped3A = tpu.sem_alloc : memref<!tpu.dma_semaphore, #tpu.memory_space<semaphore_mem>>
        %dma_start3A_438 = arith.constant 0 : i32
        %dma_start3A_439 = tpu.memref_slice %arg2[%add3A, %scan3A_64, %dma_start3A_438] : memref<32x81x128xi32, #tpu.memory_space<hbm>> -> memref<1x1x128xi32, #tpu.memory_space<hbm>>
        %dma_start3A_440 = tpu.memref_squeeze %dma_start3A_439 : memref<1x1x128xi32, #tpu.memory_space<hbm>> -> memref<128xi32, #tpu.memory_space<hbm>>
        %dma_start3A_441 = arith.constant 0 : i32
        %dma_start3A_442 = tpu.memref_slice %arg2[%add3A, %scan3A_64, %dma_start3A_441] : memref<32x81x128xi32, #tpu.memory_space<hbm>> -> memref<1x1x128xi32, #tpu.memory_space<hbm>>
        %dma_start3A_443 = tpu.memref_squeeze %dma_start3A_442 : memref<1x1x128xi32, #tpu.memory_space<hbm>> -> memref<128xi32, #tpu.memory_space<hbm>>
        tpu.enqueue_dma source(%dma_start3A_443 : memref<128xi32, #tpu.memory_space<hbm>>) target(%arg9 : memref<128xi32, #tpu.memory_space<vmem>>) target_semaphore(%run_scoped3A : memref<!tpu.dma_semaphore, #tpu.memory_space<semaphore_mem>>)
        %dma_wait3A_444 = arith.constant 0 : i32
        %dma_wait3A_445 = tpu.memref_slice %arg2[%add3A, %scan3A_64, %dma_wait3A_444] : memref<32x81x128xi32, #tpu.memory_space<hbm>> -> memref<1x1x128xi32, #tpu.memory_space<hbm>>
        %dma_wait3A_446 = tpu.memref_squeeze %dma_wait3A_445 : memref<1x1x128xi32, #tpu.memory_space<hbm>> -> memref<128xi32, #tpu.memory_space<hbm>>
        %dma_wait3A_447 = arith.constant 0 : i32
        %dma_wait3A_448 = tpu.memref_slice %arg2[%add3A, %scan3A_64, %dma_wait3A_447] : memref<32x81x128xi32, #tpu.memory_space<hbm>> -> memref<1x1x128xi32, #tpu.memory_space<hbm>>
        %dma_wait3A_449 = tpu.memref_squeeze %dma_wait3A_448 : memref<1x1x128xi32, #tpu.memory_space<hbm>> -> memref<128xi32, #tpu.memory_space<hbm>>
        tpu.wait_dma2 semaphore(%run_scoped3A : memref<!tpu.dma_semaphore, #tpu.memory_space<semaphore_mem>>) src(%dma_wait3A_449 : memref<128xi32, #tpu.memory_space<hbm>>) dst(%arg9 : memref<128xi32, #tpu.memory_space<vmem>>)
        tpu.yield
      }) : () -> ()
      "tpu.region"() ({
        %run_scoped3A = tpu.sem_alloc : memref<!tpu.dma_semaphore, #tpu.memory_space<semaphore_mem>>
        %dma_start3A_438 = arith.constant 0 : i32
        %dma_start3A_439 = tpu.memref_slice %arg3[%add3A, %scan3A_64, %dma_start3A_438] : memref<32x81x128xi32, #tpu.memory_space<hbm>> -> memref<1x1x128xi32, #tpu.memory_space<hbm>>
        %dma_start3A_440 = tpu.memref_squeeze %dma_start3A_439 : memref<1x1x128xi32, #tpu.memory_space<hbm>> -> memref<128xi32, #tpu.memory_space<hbm>>
        %dma_start3A_441 = arith.constant 0 : i32
        %dma_start3A_442 = tpu.memref_slice %arg3[%add3A, %scan3A_64, %dma_start3A_441] : memref<32x81x128xi32, #tpu.memory_space<hbm>> -> memref<1x1x128xi32, #tpu.memory_space<hbm>>
        %dma_start3A_443 = tpu.memref_squeeze %dma_start3A_442 : memref<1x1x128xi32, #tpu.memory_space<hbm>> -> memref<128xi32, #tpu.memory_space<hbm>>
        tpu.enqueue_dma source(%dma_start3A_443 : memref<128xi32, #tpu.memory_space<hbm>>) target(%arg10 : memref<128xi32, #tpu.memory_space<vmem>>) target_semaphore(%run_scoped3A : memref<!tpu.dma_semaphore, #tpu.memory_space<semaphore_mem>>)
        %dma_wait3A_444 = arith.constant 0 : i32
        %dma_wait3A_445 = tpu.memref_slice %arg3[%add3A, %scan3A_64, %dma_wait3A_444] : memref<32x81x128xi32, #tpu.memory_space<hbm>> -> memref<1x1x128xi32, #tpu.memory_space<hbm>>
        %dma_wait3A_446 = tpu.memref_squeeze %dma_wait3A_445 : memref<1x1x128xi32, #tpu.memory_space<hbm>> -> memref<128xi32, #tpu.memory_space<hbm>>
        %dma_wait3A_447 = arith.constant 0 : i32
        %dma_wait3A_448 = tpu.memref_slice %arg3[%add3A, %scan3A_64, %dma_wait3A_447] : memref<32x81x128xi32, #tpu.memory_space<hbm>> -> memref<1x1x128xi32, #tpu.memory_space<hbm>>
        %dma_wait3A_449 = tpu.memref_squeeze %dma_wait3A_448 : memref<1x1x128xi32, #tpu.memory_space<hbm>> -> memref<128xi32, #tpu.memory_space<hbm>>
        tpu.wait_dma2 semaphore(%run_scoped3A : memref<!tpu.dma_semaphore, #tpu.memory_space<semaphore_mem>>) src(%dma_wait3A_449 : memref<128xi32, #tpu.memory_space<hbm>>) dst(%arg10 : memref<128xi32, #tpu.memory_space<vmem>>)
        tpu.yield
      }) : () -> ()
      %dma_start3A = arith.constant 0 : i32
      %dma_start3A_66 = arith.constant 0 : i32
      %dma_start3A_67 = tpu.memref_slice %arg5[%dma_start3A, %dma_start3A_66] : memref<10000x128xf32, #tpu.memory_space<hbm>> -> memref<10000x128xf32, #tpu.memory_space<hbm>>
      tpu.enqueue_indirect_dma source(%dma_start3A_67 : memref<10000x128xf32, #tpu.memory_space<hbm>>) target(%arg13 : memref<128x128xf32, #tpu.memory_space<vmem>>) offsets(%arg9 : memref<128xi32, #tpu.memory_space<vmem>>) semaphore(%arg16 : memref<!tpu.dma_semaphore, #tpu.memory_space<semaphore_mem>>)
      %broadcast_in_dim3A_68 = arith.constant 0 : i32
      %broadcast_in_dim3A_69 = vector.broadcast %broadcast_in_dim3A_68 : i32 to vector<16xi32>
      %add3A_70 = arith.addi %broadcast_in_dim3A_69, %iota3A : vector<16xi32>
      %get3A = arith.constant 0 : index
      %get3A_71 = tpu.vector_load %arg9[%get3A] {strides = array<i32>} : memref<128xi32, #tpu.memory_space<vmem>>, vector<16xi32>,
      %get3A_72 = arith.constant 0 : index
      %get3A_73 = tpu.vector_load %arg10[%get3A_72] {strides = array<i32>} : memref<128xi32, #tpu.memory_space<vmem>>, vector<16xi32>,
      %mul3A_74 = arith.constant 2 : i32
      %mul3A_75 = vector.broadcast %mul3A_74 : i32 to vector<16xi32>
      %mul3A_76 = arith.muli %get3A_71, %mul3A_75 : vector<16xi32>
      %gather3A = tpu.vector_load_idx %arg8[%mul3A_76] : memref<20000xf32, #tpu.memory_space<vmem>>[vector<16xi32>], vector<16xf32>,
      %mul3A_77 = arith.constant 2 : i32
      %mul3A_78 = vector.broadcast %mul3A_77 : i32 to vector<16xi32>
      %mul3A_79 = arith.muli %get3A_73, %mul3A_78 : vector<16xi32>
      %add3A_80 = arith.constant 1 : i32
      %add3A_81 = vector.broadcast %add3A_80 : i32 to vector<16xi32>
      %add3A_82 = arith.addi %mul3A_79, %add3A_81 : vector<16xi32>
      %gather3A_83 = tpu.vector_load_idx %arg8[%add3A_82] : memref<20000xf32, #tpu.memory_space<vmem>>[vector<16xi32>], vector<16xf32>,
      %add3A_84 = arith.addf %gather3A, %gather3A_83 : vector<16xf32>
      %ge3A = arith.constant 0.000000e+00 : f32
      %ge3A_85 = vector.broadcast %ge3A : f32 to vector<16xf32>
      %ge3A_86 = arith.cmpf oge, %add3A_84, %ge3A_85 : vector<16xf32>
      %mul3A_87 = arith.constant 2.000000e-01 : f32
      %mul3A_88 = vector.broadcast %mul3A_87 : f32 to vector<16xf32>
      %mul3A_89 = arith.mulf %add3A_84, %mul3A_88 : vector<16xf32>
      %select_n3A = arith.select %ge3A_86, %add3A_84, %mul3A_89 : vector<16xi1>, vector<16xf32>
      %exp3A = math.exp %select_n3A : vector<16xf32>
      %mul3A_90 = arith.constant 10368 : i32
      %mul3A_91 = arith.muli %add3A, %mul3A_90 : i32
      %mul3A_92 = arith.constant 128 : i32
      %mul3A_93 = arith.muli %scan3A_64, %mul3A_92 : i32
      %add3A_94 = arith.addi %mul3A_91, %mul3A_93 : i32
      %add3A_95 = arith.constant 0 : i32
      %add3A_96 = arith.addi %add3A_94, %add3A_95 : i32
      %add3A_97 = vector.broadcast %add3A_96 : i32 to vector<16xi32>
      %add3A_98 = arith.addi %add3A_97, %iota3A : vector<16xi32>
      %lt3A = arith.constant 330000 : i32
      %lt3A_99 = vector.broadcast %lt3A : i32 to vector<16xi32>
      %lt3A_100 = arith.cmpi slt, %add3A_98, %lt3A_99 : vector<16xi32>
      %jit3A = arith.constant 0.000000e+00 : f32
      %broadcast_in_dim3A_101 = vector.broadcast %jit3A : f32 to vector<16xf32>
      %select_n3A_102 = arith.select %lt3A_100, %exp3A, %broadcast_in_dim3A_101 : vector<16xi1>, vector<16xf32>
      %swap3A = arith.constant 0 : index
      %swap3A_103 = tpu.vector_load %arg11[%swap3A] {strides = array<i32>} : memref<128xf32, #tpu.memory_space<vmem>>, vector<16xf32>,
      tpu.vector_store %arg11[%swap3A], %select_n3A_102 {strides = array<i32>} : memref<128xf32, #tpu.memory_space<vmem>>, vector<16xf32>,
      %broadcast_in_dim3A_104 = arith.constant 0 : i32
      %broadcast_in_dim3A_105 = vector.broadcast %broadcast_in_dim3A_104 : i32 to vector<16xi32>
      tpu.vector_store_idx %arg12[%add3A_70, %broadcast_in_dim3A_105], %select_n3A_102 : memref<128x16xf32, #tpu.memory_space<vmem>>[vector<16xi32>, vector<16xi32>], vector<16xf32>,
      %broadcast_in_dim3A_106 = arith.constant 16 : i32
      %broadcast_in_dim3A_107 = vector.broadcast %broadcast_in_dim3A_106 : i32 to vector<16xi32>
      %add3A_108 = arith.addi %broadcast_in_dim3A_107, %iota3A : vector<16xi32>
      %get3A_109 = arith.constant 16 : index
      %get3A_110 = tpu.vector_load %arg9[%get3A_109] {strides = array<i32>} : memref<128xi32, #tpu.memory_space<vmem>>, vector<16xi32>,
      %get3A_111 = arith.constant 16 : index
      %get3A_112 = tpu.vector_load %arg10[%get3A_111] {strides = array<i32>} : memref<128xi32, #tpu.memory_space<vmem>>, vector<16xi32>,
      %mul3A_113 = arith.constant 2 : i32
      %mul3A_114 = vector.broadcast %mul3A_113 : i32 to vector<16xi32>
      %mul3A_115 = arith.muli %get3A_110, %mul3A_114 : vector<16xi32>
      %gather3A_116 = tpu.vector_load_idx %arg8[%mul3A_115] : memref<20000xf32, #tpu.memory_space<vmem>>[vector<16xi32>], vector<16xf32>,
      %mul3A_117 = arith.constant 2 : i32
      %mul3A_118 = vector.broadcast %mul3A_117 : i32 to vector<16xi32>
      %mul3A_119 = arith.muli %get3A_112, %mul3A_118 : vector<16xi32>
      %add3A_120 = arith.constant 1 : i32
      %add3A_121 = vector.broadcast %add3A_120 : i32 to vector<16xi32>
      %add3A_122 = arith.addi %mul3A_119, %add3A_121 : vector<16xi32>
      %gather3A_123 = tpu.vector_load_idx %arg8[%add3A_122] : memref<20000xf32, #tpu.memory_space<vmem>>[vector<16xi32>], vector<16xf32>,
      %add3A_124 = arith.addf %gather3A_116, %gather3A_123 : vector<16xf32>
      %ge3A_125 = arith.constant 0.000000e+00 : f32
      %ge3A_126 = vector.broadcast %ge3A_125 : f32 to vector<16xf32>
      %ge3A_127 = arith.cmpf oge, %add3A_124, %ge3A_126 : vector<16xf32>
      %mul3A_128 = arith.constant 2.000000e-01 : f32
      %mul3A_129 = vector.broadcast %mul3A_128 : f32 to vector<16xf32>
      %mul3A_130 = arith.mulf %add3A_124, %mul3A_129 : vector<16xf32>
      %select_n3A_131 = arith.select %ge3A_127, %add3A_124, %mul3A_130 : vector<16xi1>, vector<16xf32>
      %exp3A_132 = math.exp %select_n3A_131 : vector<16xf32>
      %mul3A_133 = arith.constant 10368 : i32
      %mul3A_134 = arith.muli %add3A, %mul3A_133 : i32
      %mul3A_135 = arith.constant 128 : i32
      %mul3A_136 = arith.muli %scan3A_64, %mul3A_135 : i32
      %add3A_137 = arith.addi %mul3A_134, %mul3A_136 : i32
      %add3A_138 = arith.constant 16 : i32
      %add3A_139 = arith.addi %add3A_137, %add3A_138 : i32
      %add3A_140 = vector.broadcast %add3A_139 : i32 to vector<16xi32>
      %add3A_141 = arith.addi %add3A_140, %iota3A : vector<16xi32>
      %lt3A_142 = arith.constant 330000 : i32
      %lt3A_143 = vector.broadcast %lt3A_142 : i32 to vector<16xi32>
      %lt3A_144 = arith.cmpi slt, %add3A_141, %lt3A_143 : vector<16xi32>
      %jit3A_145 = arith.constant 0.000000e+00 : f32
      %broadcast_in_dim3A_146 = vector.broadcast %jit3A_145 : f32 to vector<16xf32>
      %select_n3A_147 = arith.select %lt3A_144, %exp3A_132, %broadcast_in_dim3A_146 : vector<16xi1>, vector<16xf32>
      %swap3A_148 = arith.constant 16 : index
      %swap3A_149 = tpu.vector_load %arg11[%swap3A_148] {strides = array<i32>} : memref<128xf32, #tpu.memory_space<vmem>>, vector<16xf32>,
      tpu.vector_store %arg11[%swap3A_148], %select_n3A_147 {strides = array<i32>} : memref<128xf32, #tpu.memory_space<vmem>>, vector<16xf32>,
      %broadcast_in_dim3A_150 = arith.constant 0 : i32
      %broadcast_in_dim3A_151 = vector.broadcast %broadcast_in_dim3A_150 : i32 to vector<16xi32>
      tpu.vector_store_idx %arg12[%add3A_108, %broadcast_in_dim3A_151], %select_n3A_147 : memref<128x16xf32, #tpu.memory_space<vmem>>[vector<16xi32>, vector<16xi32>], vector<16xf32>,
      %broadcast_in_dim3A_152 = arith.constant 32 : i32
      %broadcast_in_dim3A_153 = vector.broadcast %broadcast_in_dim3A_152 : i32 to vector<16xi32>
      %add3A_154 = arith.addi %broadcast_in_dim3A_153, %iota3A : vector<16xi32>
      %get3A_155 = arith.constant 32 : index
      %get3A_156 = tpu.vector_load %arg9[%get3A_155] {strides = array<i32>} : memref<128xi32, #tpu.memory_space<vmem>>, vector<16xi32>,
      %get3A_157 = arith.constant 32 : index
      %get3A_158 = tpu.vector_load %arg10[%get3A_157] {strides = array<i32>} : memref<128xi32, #tpu.memory_space<vmem>>, vector<16xi32>,
      %mul3A_159 = arith.constant 2 : i32
      %mul3A_160 = vector.broadcast %mul3A_159 : i32 to vector<16xi32>
      %mul3A_161 = arith.muli %get3A_156, %mul3A_160 : vector<16xi32>
      %gather3A_162 = tpu.vector_load_idx %arg8[%mul3A_161] : memref<20000xf32, #tpu.memory_space<vmem>>[vector<16xi32>], vector<16xf32>,
      %mul3A_163 = arith.constant 2 : i32
      %mul3A_164 = vector.broadcast %mul3A_163 : i32 to vector<16xi32>
      %mul3A_165 = arith.muli %get3A_158, %mul3A_164 : vector<16xi32>
      %add3A_166 = arith.constant 1 : i32
      %add3A_167 = vector.broadcast %add3A_166 : i32 to vector<16xi32>
      %add3A_168 = arith.addi %mul3A_165, %add3A_167 : vector<16xi32>
      %gather3A_169 = tpu.vector_load_idx %arg8[%add3A_168] : memref<20000xf32, #tpu.memory_space<vmem>>[vector<16xi32>], vector<16xf32>,
      %add3A_170 = arith.addf %gather3A_162, %gather3A_169 : vector<16xf32>
      %ge3A_171 = arith.constant 0.000000e+00 : f32
      %ge3A_172 = vector.broadcast %ge3A_171 : f32 to vector<16xf32>
      %ge3A_173 = arith.cmpf oge, %add3A_170, %ge3A_172 : vector<16xf32>
      %mul3A_174 = arith.constant 2.000000e-01 : f32
      %mul3A_175 = vector.broadcast %mul3A_174 : f32 to vector<16xf32>
      %mul3A_176 = arith.mulf %add3A_170, %mul3A_175 : vector<16xf32>
      %select_n3A_177 = arith.select %ge3A_173, %add3A_170, %mul3A_176 : vector<16xi1>, vector<16xf32>
      %exp3A_178 = math.exp %select_n3A_177 : vector<16xf32>
      %mul3A_179 = arith.constant 10368 : i32
      %mul3A_180 = arith.muli %add3A, %mul3A_179 : i32
      %mul3A_181 = arith.constant 128 : i32
      %mul3A_182 = arith.muli %scan3A_64, %mul3A_181 : i32
      %add3A_183 = arith.addi %mul3A_180, %mul3A_182 : i32
      %add3A_184 = arith.constant 32 : i32
      %add3A_185 = arith.addi %add3A_183, %add3A_184 : i32
      %add3A_186 = vector.broadcast %add3A_185 : i32 to vector<16xi32>
      %add3A_187 = arith.addi %add3A_186, %iota3A : vector<16xi32>
      %lt3A_188 = arith.constant 330000 : i32
      %lt3A_189 = vector.broadcast %lt3A_188 : i32 to vector<16xi32>
      %lt3A_190 = arith.cmpi slt, %add3A_187, %lt3A_189 : vector<16xi32>
      %jit3A_191 = arith.constant 0.000000e+00 : f32
      %broadcast_in_dim3A_192 = vector.broadcast %jit3A_191 : f32 to vector<16xf32>
      %select_n3A_193 = arith.select %lt3A_190, %exp3A_178, %broadcast_in_dim3A_192 : vector<16xi1>, vector<16xf32>
      %swap3A_194 = arith.constant 32 : index
      %swap3A_195 = tpu.vector_load %arg11[%swap3A_194] {strides = array<i32>} : memref<128xf32, #tpu.memory_space<vmem>>, vector<16xf32>,
      tpu.vector_store %arg11[%swap3A_194], %select_n3A_193 {strides = array<i32>} : memref<128xf32, #tpu.memory_space<vmem>>, vector<16xf32>,
      %broadcast_in_dim3A_196 = arith.constant 0 : i32
      %broadcast_in_dim3A_197 = vector.broadcast %broadcast_in_dim3A_196 : i32 to vector<16xi32>
      tpu.vector_store_idx %arg12[%add3A_154, %broadcast_in_dim3A_197], %select_n3A_193 : memref<128x16xf32, #tpu.memory_space<vmem>>[vector<16xi32>, vector<16xi32>], vector<16xf32>,
      %broadcast_in_dim3A_198 = arith.constant 48 : i32
      %broadcast_in_dim3A_199 = vector.broadcast %broadcast_in_dim3A_198 : i32 to vector<16xi32>
      %add3A_200 = arith.addi %broadcast_in_dim3A_199, %iota3A : vector<16xi32>
      %get3A_201 = arith.constant 48 : index
      %get3A_202 = tpu.vector_load %arg9[%get3A_201] {strides = array<i32>} : memref<128xi32, #tpu.memory_space<vmem>>, vector<16xi32>,
      %get3A_203 = arith.constant 48 : index
      %get3A_204 = tpu.vector_load %arg10[%get3A_203] {strides = array<i32>} : memref<128xi32, #tpu.memory_space<vmem>>, vector<16xi32>,
      %mul3A_205 = arith.constant 2 : i32
      %mul3A_206 = vector.broadcast %mul3A_205 : i32 to vector<16xi32>
      %mul3A_207 = arith.muli %get3A_202, %mul3A_206 : vector<16xi32>
      %gather3A_208 = tpu.vector_load_idx %arg8[%mul3A_207] : memref<20000xf32, #tpu.memory_space<vmem>>[vector<16xi32>], vector<16xf32>,
      %mul3A_209 = arith.constant 2 : i32
      %mul3A_210 = vector.broadcast %mul3A_209 : i32 to vector<16xi32>
      %mul3A_211 = arith.muli %get3A_204, %mul3A_210 : vector<16xi32>
      %add3A_212 = arith.constant 1 : i32
      %add3A_213 = vector.broadcast %add3A_212 : i32 to vector<16xi32>
      %add3A_214 = arith.addi %mul3A_211, %add3A_213 : vector<16xi32>
      %gather3A_215 = tpu.vector_load_idx %arg8[%add3A_214] : memref<20000xf32, #tpu.memory_space<vmem>>[vector<16xi32>], vector<16xf32>,
      %add3A_216 = arith.addf %gather3A_208, %gather3A_215 : vector<16xf32>
      %ge3A_217 = arith.constant 0.000000e+00 : f32
      %ge3A_218 = vector.broadcast %ge3A_217 : f32 to vector<16xf32>
      %ge3A_219 = arith.cmpf oge, %add3A_216, %ge3A_218 : vector<16xf32>
      %mul3A_220 = arith.constant 2.000000e-01 : f32
      %mul3A_221 = vector.broadcast %mul3A_220 : f32 to vector<16xf32>
      %mul3A_222 = arith.mulf %add3A_216, %mul3A_221 : vector<16xf32>
      %select_n3A_223 = arith.select %ge3A_219, %add3A_216, %mul3A_222 : vector<16xi1>, vector<16xf32>
      %exp3A_224 = math.exp %select_n3A_223 : vector<16xf32>
      %mul3A_225 = arith.constant 10368 : i32
      %mul3A_226 = arith.muli %add3A, %mul3A_225 : i32
      %mul3A_227 = arith.constant 128 : i32
      %mul3A_228 = arith.muli %scan3A_64, %mul3A_227 : i32
      %add3A_229 = arith.addi %mul3A_226, %mul3A_228 : i32
      %add3A_230 = arith.constant 48 : i32
      %add3A_231 = arith.addi %add3A_229, %add3A_230 : i32
      %add3A_232 = vector.broadcast %add3A_231 : i32 to vector<16xi32>
      %add3A_233 = arith.addi %add3A_232, %iota3A : vector<16xi32>
      %lt3A_234 = arith.constant 330000 : i32
      %lt3A_235 = vector.broadcast %lt3A_234 : i32 to vector<16xi32>
      %lt3A_236 = arith.cmpi slt, %add3A_233, %lt3A_235 : vector<16xi32>
      %jit3A_237 = arith.constant 0.000000e+00 : f32
      %broadcast_in_dim3A_238 = vector.broadcast %jit3A_237 : f32 to vector<16xf32>
      %select_n3A_239 = arith.select %lt3A_236, %exp3A_224, %broadcast_in_dim3A_238 : vector<16xi1>, vector<16xf32>
      %swap3A_240 = arith.constant 48 : index
      %swap3A_241 = tpu.vector_load %arg11[%swap3A_240] {strides = array<i32>} : memref<128xf32, #tpu.memory_space<vmem>>, vector<16xf32>,
      tpu.vector_store %arg11[%swap3A_240], %select_n3A_239 {strides = array<i32>} : memref<128xf32, #tpu.memory_space<vmem>>, vector<16xf32>,
      %broadcast_in_dim3A_242 = arith.constant 0 : i32
      %broadcast_in_dim3A_243 = vector.broadcast %broadcast_in_dim3A_242 : i32 to vector<16xi32>
      tpu.vector_store_idx %arg12[%add3A_200, %broadcast_in_dim3A_243], %select_n3A_239 : memref<128x16xf32, #tpu.memory_space<vmem>>[vector<16xi32>, vector<16xi32>], vector<16xf32>,
      %broadcast_in_dim3A_244 = arith.constant 64 : i32
      %broadcast_in_dim3A_245 = vector.broadcast %broadcast_in_dim3A_244 : i32 to vector<16xi32>
      %add3A_246 = arith.addi %broadcast_in_dim3A_245, %iota3A : vector<16xi32>
      %get3A_247 = arith.constant 64 : index
      %get3A_248 = tpu.vector_load %arg9[%get3A_247] {strides = array<i32>} : memref<128xi32, #tpu.memory_space<vmem>>, vector<16xi32>,
      %get3A_249 = arith.constant 64 : index
      %get3A_250 = tpu.vector_load %arg10[%get3A_249] {strides = array<i32>} : memref<128xi32, #tpu.memory_space<vmem>>, vector<16xi32>,
      %mul3A_251 = arith.constant 2 : i32
      %mul3A_252 = vector.broadcast %mul3A_251 : i32 to vector<16xi32>
      %mul3A_253 = arith.muli %get3A_248, %mul3A_252 : vector<16xi32>
      %gather3A_254 = tpu.vector_load_idx %arg8[%mul3A_253] : memref<20000xf32, #tpu.memory_space<vmem>>[vector<16xi32>], vector<16xf32>,
      %mul3A_255 = arith.constant 2 : i32
      %mul3A_256 = vector.broadcast %mul3A_255 : i32 to vector<16xi32>
      %mul3A_257 = arith.muli %get3A_250, %mul3A_256 : vector<16xi32>
      %add3A_258 = arith.constant 1 : i32
      %add3A_259 = vector.broadcast %add3A_258 : i32 to vector<16xi32>
      %add3A_260 = arith.addi %mul3A_257, %add3A_259 : vector<16xi32>
      %gather3A_261 = tpu.vector_load_idx %arg8[%add3A_260] : memref<20000xf32, #tpu.memory_space<vmem>>[vector<16xi32>], vector<16xf32>,
      %add3A_262 = arith.addf %gather3A_254, %gather3A_261 : vector<16xf32>
      %ge3A_263 = arith.constant 0.000000e+00 : f32
      %ge3A_264 = vector.broadcast %ge3A_263 : f32 to vector<16xf32>
      %ge3A_265 = arith.cmpf oge, %add3A_262, %ge3A_264 : vector<16xf32>
      %mul3A_266 = arith.constant 2.000000e-01 : f32
      %mul3A_267 = vector.broadcast %mul3A_266 : f32 to vector<16xf32>
      %mul3A_268 = arith.mulf %add3A_262, %mul3A_267 : vector<16xf32>
      %select_n3A_269 = arith.select %ge3A_265, %add3A_262, %mul3A_268 : vector<16xi1>, vector<16xf32>
      %exp3A_270 = math.exp %select_n3A_269 : vector<16xf32>
      %mul3A_271 = arith.constant 10368 : i32
      %mul3A_272 = arith.muli %add3A, %mul3A_271 : i32
      %mul3A_273 = arith.constant 128 : i32
      %mul3A_274 = arith.muli %scan3A_64, %mul3A_273 : i32
      %add3A_275 = arith.addi %mul3A_272, %mul3A_274 : i32
      %add3A_276 = arith.constant 64 : i32
      %add3A_277 = arith.addi %add3A_275, %add3A_276 : i32
      %add3A_278 = vector.broadcast %add3A_277 : i32 to vector<16xi32>
      %add3A_279 = arith.addi %add3A_278, %iota3A : vector<16xi32>
      %lt3A_280 = arith.constant 330000 : i32
      %lt3A_281 = vector.broadcast %lt3A_280 : i32 to vector<16xi32>
      %lt3A_282 = arith.cmpi slt, %add3A_279, %lt3A_281 : vector<16xi32>
      %jit3A_283 = arith.constant 0.000000e+00 : f32
      %broadcast_in_dim3A_284 = vector.broadcast %jit3A_283 : f32 to vector<16xf32>
      %select_n3A_285 = arith.select %lt3A_282, %exp3A_270, %broadcast_in_dim3A_284 : vector<16xi1>, vector<16xf32>
      %swap3A_286 = arith.constant 64 : index
      %swap3A_287 = tpu.vector_load %arg11[%swap3A_286] {strides = array<i32>} : memref<128xf32, #tpu.memory_space<vmem>>, vector<16xf32>,
      tpu.vector_store %arg11[%swap3A_286], %select_n3A_285 {strides = array<i32>} : memref<128xf32, #tpu.memory_space<vmem>>, vector<16xf32>,
      %broadcast_in_dim3A_288 = arith.constant 0 : i32
      %broadcast_in_dim3A_289 = vector.broadcast %broadcast_in_dim3A_288 : i32 to vector<16xi32>
      tpu.vector_store_idx %arg12[%add3A_246, %broadcast_in_dim3A_289], %select_n3A_285 : memref<128x16xf32, #tpu.memory_space<vmem>>[vector<16xi32>, vector<16xi32>], vector<16xf32>,
      %broadcast_in_dim3A_290 = arith.constant 80 : i32
      %broadcast_in_dim3A_291 = vector.broadcast %broadcast_in_dim3A_290 : i32 to vector<16xi32>
      %add3A_292 = arith.addi %broadcast_in_dim3A_291, %iota3A : vector<16xi32>
      %get3A_293 = arith.constant 80 : index
      %get3A_294 = tpu.vector_load %arg9[%get3A_293] {strides = array<i32>} : memref<128xi32, #tpu.memory_space<vmem>>, vector<16xi32>,
      %get3A_295 = arith.constant 80 : index
      %get3A_296 = tpu.vector_load %arg10[%get3A_295] {strides = array<i32>} : memref<128xi32, #tpu.memory_space<vmem>>, vector<16xi32>,
      %mul3A_297 = arith.constant 2 : i32
      %mul3A_298 = vector.broadcast %mul3A_297 : i32 to vector<16xi32>
      %mul3A_299 = arith.muli %get3A_294, %mul3A_298 : vector<16xi32>
      %gather3A_300 = tpu.vector_load_idx %arg8[%mul3A_299] : memref<20000xf32, #tpu.memory_space<vmem>>[vector<16xi32>], vector<16xf32>,
      %mul3A_301 = arith.constant 2 : i32
      %mul3A_302 = vector.broadcast %mul3A_301 : i32 to vector<16xi32>
      %mul3A_303 = arith.muli %get3A_296, %mul3A_302 : vector<16xi32>
      %add3A_304 = arith.constant 1 : i32
      %add3A_305 = vector.broadcast %add3A_304 : i32 to vector<16xi32>
      %add3A_306 = arith.addi %mul3A_303, %add3A_305 : vector<16xi32>
      %gather3A_307 = tpu.vector_load_idx %arg8[%add3A_306] : memref<20000xf32, #tpu.memory_space<vmem>>[vector<16xi32>], vector<16xf32>,
      %add3A_308 = arith.addf %gather3A_300, %gather3A_307 : vector<16xf32>
      %ge3A_309 = arith.constant 0.000000e+00 : f32
      %ge3A_310 = vector.broadcast %ge3A_309 : f32 to vector<16xf32>
      %ge3A_311 = arith.cmpf oge, %add3A_308, %ge3A_310 : vector<16xf32>
      %mul3A_312 = arith.constant 2.000000e-01 : f32
      %mul3A_313 = vector.broadcast %mul3A_312 : f32 to vector<16xf32>
      %mul3A_314 = arith.mulf %add3A_308, %mul3A_313 : vector<16xf32>
      %select_n3A_315 = arith.select %ge3A_311, %add3A_308, %mul3A_314 : vector<16xi1>, vector<16xf32>
      %exp3A_316 = math.exp %select_n3A_315 : vector<16xf32>
      %mul3A_317 = arith.constant 10368 : i32
      %mul3A_318 = arith.muli %add3A, %mul3A_317 : i32
      %mul3A_319 = arith.constant 128 : i32
      %mul3A_320 = arith.muli %scan3A_64, %mul3A_319 : i32
      %add3A_321 = arith.addi %mul3A_318, %mul3A_320 : i32
      %add3A_322 = arith.constant 80 : i32
      %add3A_323 = arith.addi %add3A_321, %add3A_322 : i32
      %add3A_324 = vector.broadcast %add3A_323 : i32 to vector<16xi32>
      %add3A_325 = arith.addi %add3A_324, %iota3A : vector<16xi32>
      %lt3A_326 = arith.constant 330000 : i32
      %lt3A_327 = vector.broadcast %lt3A_326 : i32 to vector<16xi32>
      %lt3A_328 = arith.cmpi slt, %add3A_325, %lt3A_327 : vector<16xi32>
      %jit3A_329 = arith.constant 0.000000e+00 : f32
      %broadcast_in_dim3A_330 = vector.broadcast %jit3A_329 : f32 to vector<16xf32>
      %select_n3A_331 = arith.select %lt3A_328, %exp3A_316, %broadcast_in_dim3A_330 : vector<16xi1>, vector<16xf32>
      %swap3A_332 = arith.constant 80 : index
      %swap3A_333 = tpu.vector_load %arg11[%swap3A_332] {strides = array<i32>} : memref<128xf32, #tpu.memory_space<vmem>>, vector<16xf32>,
      tpu.vector_store %arg11[%swap3A_332], %select_n3A_331 {strides = array<i32>} : memref<128xf32, #tpu.memory_space<vmem>>, vector<16xf32>,
      %broadcast_in_dim3A_334 = arith.constant 0 : i32
      %broadcast_in_dim3A_335 = vector.broadcast %broadcast_in_dim3A_334 : i32 to vector<16xi32>
      tpu.vector_store_idx %arg12[%add3A_292, %broadcast_in_dim3A_335], %select_n3A_331 : memref<128x16xf32, #tpu.memory_space<vmem>>[vector<16xi32>, vector<16xi32>], vector<16xf32>,
      %broadcast_in_dim3A_336 = arith.constant 96 : i32
      %broadcast_in_dim3A_337 = vector.broadcast %broadcast_in_dim3A_336 : i32 to vector<16xi32>
      %add3A_338 = arith.addi %broadcast_in_dim3A_337, %iota3A : vector<16xi32>
      %get3A_339 = arith.constant 96 : index
      %get3A_340 = tpu.vector_load %arg9[%get3A_339] {strides = array<i32>} : memref<128xi32, #tpu.memory_space<vmem>>, vector<16xi32>,
      %get3A_341 = arith.constant 96 : index
      %get3A_342 = tpu.vector_load %arg10[%get3A_341] {strides = array<i32>} : memref<128xi32, #tpu.memory_space<vmem>>, vector<16xi32>,
      %mul3A_343 = arith.constant 2 : i32
      %mul3A_344 = vector.broadcast %mul3A_343 : i32 to vector<16xi32>
      %mul3A_345 = arith.muli %get3A_340, %mul3A_344 : vector<16xi32>
      %gather3A_346 = tpu.vector_load_idx %arg8[%mul3A_345] : memref<20000xf32, #tpu.memory_space<vmem>>[vector<16xi32>], vector<16xf32>,
      %mul3A_347 = arith.constant 2 : i32
      %mul3A_348 = vector.broadcast %mul3A_347 : i32 to vector<16xi32>
      %mul3A_349 = arith.muli %get3A_342, %mul3A_348 : vector<16xi32>
      %add3A_350 = arith.constant 1 : i32
      %add3A_351 = vector.broadcast %add3A_350 : i32 to vector<16xi32>
      %add3A_352 = arith.addi %mul3A_349, %add3A_351 : vector<16xi32>
      %gather3A_353 = tpu.vector_load_idx %arg8[%add3A_352] : memref<20000xf32, #tpu.memory_space<vmem>>[vector<16xi32>], vector<16xf32>,
      %add3A_354 = arith.addf %gather3A_346, %gather3A_353 : vector<16xf32>
      %ge3A_355 = arith.constant 0.000000e+00 : f32
      %ge3A_356 = vector.broadcast %ge3A_355 : f32 to vector<16xf32>
      %ge3A_357 = arith.cmpf oge, %add3A_354, %ge3A_356 : vector<16xf32>
      %mul3A_358 = arith.constant 2.000000e-01 : f32
      %mul3A_359 = vector.broadcast %mul3A_358 : f32 to vector<16xf32>
      %mul3A_360 = arith.mulf %add3A_354, %mul3A_359 : vector<16xf32>
      %select_n3A_361 = arith.select %ge3A_357, %add3A_354, %mul3A_360 : vector<16xi1>, vector<16xf32>
      %exp3A_362 = math.exp %select_n3A_361 : vector<16xf32>
      %mul3A_363 = arith.constant 10368 : i32
      %mul3A_364 = arith.muli %add3A, %mul3A_363 : i32
      %mul3A_365 = arith.constant 128 : i32
      %mul3A_366 = arith.muli %scan3A_64, %mul3A_365 : i32
      %add3A_367 = arith.addi %mul3A_364, %mul3A_366 : i32
      %add3A_368 = arith.constant 96 : i32
      %add3A_369 = arith.addi %add3A_367, %add3A_368 : i32
      %add3A_370 = vector.broadcast %add3A_369 : i32 to vector<16xi32>
      %add3A_371 = arith.addi %add3A_370, %iota3A : vector<16xi32>
      %lt3A_372 = arith.constant 330000 : i32
      %lt3A_373 = vector.broadcast %lt3A_372 : i32 to vector<16xi32>
      %lt3A_374 = arith.cmpi slt, %add3A_371, %lt3A_373 : vector<16xi32>
      %jit3A_375 = arith.constant 0.000000e+00 : f32
      %broadcast_in_dim3A_376 = vector.broadcast %jit3A_375 : f32 to vector<16xf32>
      %select_n3A_377 = arith.select %lt3A_374, %exp3A_362, %broadcast_in_dim3A_376 : vector<16xi1>, vector<16xf32>
      %swap3A_378 = arith.constant 96 : index
      %swap3A_379 = tpu.vector_load %arg11[%swap3A_378] {strides = array<i32>} : memref<128xf32, #tpu.memory_space<vmem>>, vector<16xf32>,
      tpu.vector_store %arg11[%swap3A_378], %select_n3A_377 {strides = array<i32>} : memref<128xf32, #tpu.memory_space<vmem>>, vector<16xf32>,
      %broadcast_in_dim3A_380 = arith.constant 0 : i32
      %broadcast_in_dim3A_381 = vector.broadcast %broadcast_in_dim3A_380 : i32 to vector<16xi32>
      tpu.vector_store_idx %arg12[%add3A_338, %broadcast_in_dim3A_381], %select_n3A_377 : memref<128x16xf32, #tpu.memory_space<vmem>>[vector<16xi32>, vector<16xi32>], vector<16xf32>,
      %broadcast_in_dim3A_382 = arith.constant 112 : i32
      %broadcast_in_dim3A_383 = vector.broadcast %broadcast_in_dim3A_382 : i32 to vector<16xi32>
      %add3A_384 = arith.addi %broadcast_in_dim3A_383, %iota3A : vector<16xi32>
      %get3A_385 = arith.constant 112 : index
      %get3A_386 = tpu.vector_load %arg9[%get3A_385] {strides = array<i32>} : memref<128xi32, #tpu.memory_space<vmem>>, vector<16xi32>,
      %get3A_387 = arith.constant 112 : index
      %get3A_388 = tpu.vector_load %arg10[%get3A_387] {strides = array<i32>} : memref<128xi32, #tpu.memory_space<vmem>>, vector<16xi32>,
      %mul3A_389 = arith.constant 2 : i32
      %mul3A_390 = vector.broadcast %mul3A_389 : i32 to vector<16xi32>
      %mul3A_391 = arith.muli %get3A_386, %mul3A_390 : vector<16xi32>
      %gather3A_392 = tpu.vector_load_idx %arg8[%mul3A_391] : memref<20000xf32, #tpu.memory_space<vmem>>[vector<16xi32>], vector<16xf32>,
      %mul3A_393 = arith.constant 2 : i32
      %mul3A_394 = vector.broadcast %mul3A_393 : i32 to vector<16xi32>
      %mul3A_395 = arith.muli %get3A_388, %mul3A_394 : vector<16xi32>
      %add3A_396 = arith.constant 1 : i32
      %add3A_397 = vector.broadcast %add3A_396 : i32 to vector<16xi32>
      %add3A_398 = arith.addi %mul3A_395, %add3A_397 : vector<16xi32>
      %gather3A_399 = tpu.vector_load_idx %arg8[%add3A_398] : memref<20000xf32, #tpu.memory_space<vmem>>[vector<16xi32>], vector<16xf32>,
      %add3A_400 = arith.addf %gather3A_392, %gather3A_399 : vector<16xf32>
      %ge3A_401 = arith.constant 0.000000e+00 : f32
      %ge3A_402 = vector.broadcast %ge3A_401 : f32 to vector<16xf32>
      %ge3A_403 = arith.cmpf oge, %add3A_400, %ge3A_402 : vector<16xf32>
      %mul3A_404 = arith.constant 2.000000e-01 : f32
      %mul3A_405 = vector.broadcast %mul3A_404 : f32 to vector<16xf32>
      %mul3A_406 = arith.mulf %add3A_400, %mul3A_405 : vector<16xf32>
      %select_n3A_407 = arith.select %ge3A_403, %add3A_400, %mul3A_406 : vector<16xi1>, vector<16xf32>
      %exp3A_408 = math.exp %select_n3A_407 : vector<16xf32>
      %mul3A_409 = arith.constant 10368 : i32
      %mul3A_410 = arith.muli %add3A, %mul3A_409 : i32
      %mul3A_411 = arith.constant 128 : i32
      %mul3A_412 = arith.muli %scan3A_64, %mul3A_411 : i32
      %add3A_413 = arith.addi %mul3A_410, %mul3A_412 : i32
      %add3A_414 = arith.constant 112 : i32
      %add3A_415 = arith.addi %add3A_413, %add3A_414 : i32
      %add3A_416 = vector.broadcast %add3A_415 : i32 to vector<16xi32>
      %add3A_417 = arith.addi %add3A_416, %iota3A : vector<16xi32>
      %lt3A_418 = arith.constant 330000 : i32
      %lt3A_419 = vector.broadcast %lt3A_418 : i32 to vector<16xi32>
      %lt3A_420 = arith.cmpi slt, %add3A_417, %lt3A_419 : vector<16xi32>
      %jit3A_421 = arith.constant 0.000000e+00 : f32
      %broadcast_in_dim3A_422 = vector.broadcast %jit3A_421 : f32 to vector<16xf32>
      %select_n3A_423 = arith.select %lt3A_420, %exp3A_408, %broadcast_in_dim3A_422 : vector<16xi1>, vector<16xf32>
      %swap3A_424 = arith.constant 112 : index
      %swap3A_425 = tpu.vector_load %arg11[%swap3A_424] {strides = array<i32>} : memref<128xf32, #tpu.memory_space<vmem>>, vector<16xf32>,
      tpu.vector_store %arg11[%swap3A_424], %select_n3A_423 {strides = array<i32>} : memref<128xf32, #tpu.memory_space<vmem>>, vector<16xf32>,
      %broadcast_in_dim3A_426 = arith.constant 0 : i32
      %broadcast_in_dim3A_427 = vector.broadcast %broadcast_in_dim3A_426 : i32 to vector<16xi32>
      tpu.vector_store_idx %arg12[%add3A_384, %broadcast_in_dim3A_427], %select_n3A_423 : memref<128x16xf32, #tpu.memory_space<vmem>>[vector<16xi32>, vector<16xi32>], vector<16xf32>,
      %dma_wait3A = arith.constant 0 : i32
      %dma_wait3A_428 = arith.constant 0 : i32
      %dma_wait3A_429 = tpu.memref_slice %arg5[%dma_wait3A, %dma_wait3A_428] : memref<10000x128xf32, #tpu.memory_space<hbm>> -> memref<10000x128xf32, #tpu.memory_space<hbm>>
      tpu.wait_indirect_dma semaphore(%arg16 : memref<!tpu.dma_semaphore, #tpu.memory_space<semaphore_mem>>) src(%dma_wait3A_429 : memref<10000x128xf32, #tpu.memory_space<hbm>>) dst(%arg13 : memref<128x128xf32, #tpu.memory_space<vmem>>)
      %scan3A_430 = arith.constant 0 : i32
      %scan3A_431 = arith.constant 0 : i32
      %scan3A_432 = arith.constant 32 : i32
      %scan3A_433 = arith.addi %scan3A_431, %scan3A_432 : i32
      %scan3A_434 = arith.constant 1 : i32
      %scan3A_435 = scf.for %scan3A_438 = %scan3A_431 to %scan3A_433 step %scan3A_434 iter_args(%scan3A_439 = %scan3A_430) -> (i32)  : i32 {
        %mul3A_440 = arith.constant 4 : i32
        %mul3A_441 = arith.muli %scan3A_438, %mul3A_440 : i32
        %add3A_442 = arith.constant 0 : i32
        %add3A_443 = arith.addi %mul3A_441, %add3A_442 : i32
        %broadcast_in_dim3A_444 = vector.broadcast %add3A_443 : i32 to vector<16xi32>
        %gather3A_445 = tpu.vector_load_idx %arg11[%broadcast_in_dim3A_444] : memref<128xf32, #tpu.memory_space<vmem>>[vector<16xi32>], vector<16xf32>,
        %get3A_446 = arith.index_cast %add3A_443 : i32 to index
        %get3A_447 = arith.constant 0 : index
        %get3A_448 = tpu.vector_load %arg13[%get3A_446, %get3A_447] {strides = array<i32>} : memref<128x128xf32, #tpu.memory_space<vmem>>, vector<16xf32>,
        %mul3A_449 = arith.mulf %get3A_448, %gather3A_445 : vector<16xf32>
        %swap3A_450 = arith.index_cast %add3A_443 : i32 to index
        %swap3A_451 = arith.constant 0 : index
        %swap3A_452 = tpu.vector_load %arg13[%swap3A_450, %swap3A_451] {strides = array<i32>} : memref<128x128xf32, #tpu.memory_space<vmem>>, vector<16xf32>,
        tpu.vector_store %arg13[%swap3A_450, %swap3A_451], %mul3A_449 {strides = array<i32>} : memref<128x128xf32, #tpu.memory_space<vmem>>, vector<16xf32>,
        %get3A_453 = arith.index_cast %add3A_443 : i32 to index
        %get3A_454 = arith.constant 16 : index
        %get3A_455 = tpu.vector_load %arg13[%get3A_453, %get3A_454] {strides = array<i32>} : memref<128x128xf32, #tpu.memory_space<vmem>>, vector<16xf32>,
        %mul3A_456 = arith.mulf %get3A_455, %gather3A_445 : vector<16xf32>
        %swap3A_457 = arith.index_cast %add3A_443 : i32 to index
        %swap3A_458 = arith.constant 16 : index
        %swap3A_459 = tpu.vector_load %arg13[%swap3A_457, %swap3A_458] {strides = array<i32>} : memref<128x128xf32, #tpu.memory_space<vmem>>, vector<16xf32>,
        tpu.vector_store %arg13[%swap3A_457, %swap3A_458], %mul3A_456 {strides = array<i32>} : memref<128x128xf32, #tpu.memory_space<vmem>>, vector<16xf32>,
        %get3A_460 = arith.index_cast %add3A_443 : i32 to index
        %get3A_461 = arith.constant 32 : index
        %get3A_462 = tpu.vector_load %arg13[%get3A_460, %get3A_461] {strides = array<i32>} : memref<128x128xf32, #tpu.memory_space<vmem>>, vector<16xf32>,
        %mul3A_463 = arith.mulf %get3A_462, %gather3A_445 : vector<16xf32>
        %swap3A_464 = arith.index_cast %add3A_443 : i32 to index
        %swap3A_465 = arith.constant 32 : index
        %swap3A_466 = tpu.vector_load %arg13[%swap3A_464, %swap3A_465] {strides = array<i32>} : memref<128x128xf32, #tpu.memory_space<vmem>>, vector<16xf32>,
        tpu.vector_store %arg13[%swap3A_464, %swap3A_465], %mul3A_463 {strides = array<i32>} : memref<128x128xf32, #tpu.memory_space<vmem>>, vector<16xf32>,
        %get3A_467 = arith.index_cast %add3A_443 : i32 to index
        %get3A_468 = arith.constant 48 : index
        %get3A_469 = tpu.vector_load %arg13[%get3A_467, %get3A_468] {strides = array<i32>} : memref<128x128xf32, #tpu.memory_space<vmem>>, vector<16xf32>,
        %mul3A_470 = arith.mulf %get3A_469, %gather3A_445 : vector<16xf32>
        %swap3A_471 = arith.index_cast %add3A_443 : i32 to index
        %swap3A_472 = arith.constant 48 : index
        %swap3A_473 = tpu.vector_load %arg13[%swap3A_471, %swap3A_472] {strides = array<i32>} : memref<128x128xf32, #tpu.memory_space<vmem>>, vector<16xf32>,
        tpu.vector_store %arg13[%swap3A_471, %swap3A_472], %mul3A_470 {strides = array<i32>} : memref<128x128xf32, #tpu.memory_space<vmem>>, vector<16xf32>,
        %get3A_474 = arith.index_cast %add3A_443 : i32 to index
        %get3A_475 = arith.constant 64 : index
        %get3A_476 = tpu.vector_load %arg13[%get3A_474, %get3A_475] {strides = array<i32>} : memref<128x128xf32, #tpu.memory_space<vmem>>, vector<16xf32>,
        %mul3A_477 = arith.mulf %get3A_476, %gather3A_445 : vector<16xf32>
        %swap3A_478 = arith.index_cast %add3A_443 : i32 to index
        %swap3A_479 = arith.constant 64 : index
        %swap3A_480 = tpu.vector_load %arg13[%swap3A_478, %swap3A_479] {strides = array<i32>} : memref<128x128xf32, #tpu.memory_space<vmem>>, vector<16xf32>,
        tpu.vector_store %arg13[%swap3A_478, %swap3A_479], %mul3A_477 {strides = array<i32>} : memref<128x128xf32, #tpu.memory_space<vmem>>, vector<16xf32>,
        %get3A_481 = arith.index_cast %add3A_443 : i32 to index
        %get3A_482 = arith.constant 80 : index
        %get3A_483 = tpu.vector_load %arg13[%get3A_481, %get3A_482] {strides = array<i32>} : memref<128x128xf32, #tpu.memory_space<vmem>>, vector<16xf32>,
        %mul3A_484 = arith.mulf %get3A_483, %gather3A_445 : vector<16xf32>
        %swap3A_485 = arith.index_cast %add3A_443 : i32 to index
        %swap3A_486 = arith.constant 80 : index
        %swap3A_487 = tpu.vector_load %arg13[%swap3A_485, %swap3A_486] {strides = array<i32>} : memref<128x128xf32, #tpu.memory_space<vmem>>, vector<16xf32>,
        tpu.vector_store %arg13[%swap3A_485, %swap3A_486], %mul3A_484 {strides = array<i32>} : memref<128x128xf32, #tpu.memory_space<vmem>>, vector<16xf32>,
        %get3A_488 = arith.index_cast %add3A_443 : i32 to index
        %get3A_489 = arith.constant 96 : index
        %get3A_490 = tpu.vector_load %arg13[%get3A_488, %get3A_489] {strides = array<i32>} : memref<128x128xf32, #tpu.memory_space<vmem>>, vector<16xf32>,
        %mul3A_491 = arith.mulf %get3A_490, %gather3A_445 : vector<16xf32>
        %swap3A_492 = arith.index_cast %add3A_443 : i32 to index
        %swap3A_493 = arith.constant 96 : index
        %swap3A_494 = tpu.vector_load %arg13[%swap3A_492, %swap3A_493] {strides = array<i32>} : memref<128x128xf32, #tpu.memory_space<vmem>>, vector<16xf32>,
        tpu.vector_store %arg13[%swap3A_492, %swap3A_493], %mul3A_491 {strides = array<i32>} : memref<128x128xf32, #tpu.memory_space<vmem>>, vector<16xf32>,
        %get3A_495 = arith.index_cast %add3A_443 : i32 to index
        %get3A_496 = arith.constant 112 : index
        %get3A_497 = tpu.vector_load %arg13[%get3A_495, %get3A_496] {strides = array<i32>} : memref<128x128xf32, #tpu.memory_space<vmem>>, vector<16xf32>,
        %mul3A_498 = arith.mulf %get3A_497, %gather3A_445 : vector<16xf32>
        %swap3A_499 = arith.index_cast %add3A_443 : i32 to index
        %swap3A_500 = arith.constant 112 : index
        %swap3A_501 = tpu.vector_load %arg13[%swap3A_499, %swap3A_500] {strides = array<i32>} : memref<128x128xf32, #tpu.memory_space<vmem>>, vector<16xf32>,
        tpu.vector_store %arg13[%swap3A_499, %swap3A_500], %mul3A_498 {strides = array<i32>} : memref<128x128xf32, #tpu.memory_space<vmem>>, vector<16xf32>,
        %mul3A_502 = arith.constant 4 : i32
        %mul3A_503 = arith.muli %scan3A_438, %mul3A_502 : i32
        %add3A_504 = arith.constant 1 : i32
        %add3A_505 = arith.addi %mul3A_503, %add3A_504 : i32
        %broadcast_in_dim3A_506 = vector.broadcast %add3A_505 : i32 to vector<16xi32>
        %gather3A_507 = tpu.vector_load_idx %arg11[%broadcast_in_dim3A_506] : memref<128xf32, #tpu.memory_space<vmem>>[vector<16xi32>], vector<16xf32>,
        %get3A_508 = arith.index_cast %add3A_505 : i32 to index
        %get3A_509 = arith.constant 0 : index
        %get3A_510 = tpu.vector_load %arg13[%get3A_508, %get3A_509] {strides = array<i32>} : memref<128x128xf32, #tpu.memory_space<vmem>>, vector<16xf32>,
        %mul3A_511 = arith.mulf %get3A_510, %gather3A_507 : vector<16xf32>
        %swap3A_512 = arith.index_cast %add3A_505 : i32 to index
        %swap3A_513 = arith.constant 0 : index
        %swap3A_514 = tpu.vector_load %arg13[%swap3A_512, %swap3A_513] {strides = array<i32>} : memref<128x128xf32, #tpu.memory_space<vmem>>, vector<16xf32>,
        tpu.vector_store %arg13[%swap3A_512, %swap3A_513], %mul3A_511 {strides = array<i32>} : memref<128x128xf32, #tpu.memory_space<vmem>>, vector<16xf32>,
        %get3A_515 = arith.index_cast %add3A_505 : i32 to index
        %get3A_516 = arith.constant 16 : index
        %get3A_517 = tpu.vector_load %arg13[%get3A_515, %get3A_516] {strides = array<i32>} : memref<128x128xf32, #tpu.memory_space<vmem>>, vector<16xf32>,
        %mul3A_518 = arith.mulf %get3A_517, %gather3A_507 : vector<16xf32>
        %swap3A_519 = arith.index_cast %add3A_505 : i32 to index
        %swap3A_520 = arith.constant 16 : index
        %swap3A_521 = tpu.vector_load %arg13[%swap3A_519, %swap3A_520] {strides = array<i32>} : memref<128x128xf32, #tpu.memory_space<vmem>>, vector<16xf32>,
        tpu.vector_store %arg13[%swap3A_519, %swap3A_520], %mul3A_518 {strides = array<i32>} : memref<128x128xf32, #tpu.memory_space<vmem>>, vector<16xf32>,
        %get3A_522 = arith.index_cast %add3A_505 : i32 to index
        %get3A_523 = arith.constant 32 : index
        %get3A_524 = tpu.vector_load %arg13[%get3A_522, %get3A_523] {strides = array<i32>} : memref<128x128xf32, #tpu.memory_space<vmem>>, vector<16xf32>,
        %mul3A_525 = arith.mulf %get3A_524, %gather3A_507 : vector<16xf32>
        %swap3A_526 = arith.index_cast %add3A_505 : i32 to index
        %swap3A_527 = arith.constant 32 : index
        %swap3A_528 = tpu.vector_load %arg13[%swap3A_526, %swap3A_527] {strides = array<i32>} : memref<128x128xf32, #tpu.memory_space<vmem>>, vector<16xf32>,
        tpu.vector_store %arg13[%swap3A_526, %swap3A_527], %mul3A_525 {strides = array<i32>} : memref<128x128xf32, #tpu.memory_space<vmem>>, vector<16xf32>,
        %get3A_529 = arith.index_cast %add3A_505 : i32 to index
        %get3A_530 = arith.constant 48 : index
        %get3A_531 = tpu.vector_load %arg13[%get3A_529, %get3A_530] {strides = array<i32>} : memref<128x128xf32, #tpu.memory_space<vmem>>, vector<16xf32>,
        %mul3A_532 = arith.mulf %get3A_531, %gather3A_507 : vector<16xf32>
        %swap3A_533 = arith.index_cast %add3A_505 : i32 to index
        %swap3A_534 = arith.constant 48 : index
        %swap3A_535 = tpu.vector_load %arg13[%swap3A_533, %swap3A_534] {strides = array<i32>} : memref<128x128xf32, #tpu.memory_space<vmem>>, vector<16xf32>,
        tpu.vector_store %arg13[%swap3A_533, %swap3A_534], %mul3A_532 {strides = array<i32>} : memref<128x128xf32, #tpu.memory_space<vmem>>, vector<16xf32>,
        %get3A_536 = arith.index_cast %add3A_505 : i32 to index
        %get3A_537 = arith.constant 64 : index
        %get3A_538 = tpu.vector_load %arg13[%get3A_536, %get3A_537] {strides = array<i32>} : memref<128x128xf32, #tpu.memory_space<vmem>>, vector<16xf32>,
        %mul3A_539 = arith.mulf %get3A_538, %gather3A_507 : vector<16xf32>
        %swap3A_540 = arith.index_cast %add3A_505 : i32 to index
        %swap3A_541 = arith.constant 64 : index
        %swap3A_542 = tpu.vector_load %arg13[%swap3A_540, %swap3A_541] {strides = array<i32>} : memref<128x128xf32, #tpu.memory_space<vmem>>, vector<16xf32>,
        tpu.vector_store %arg13[%swap3A_540, %swap3A_541], %mul3A_539 {strides = array<i32>} : memref<128x128xf32, #tpu.memory_space<vmem>>, vector<16xf32>,
        %get3A_543 = arith.index_cast %add3A_505 : i32 to index
        %get3A_544 = arith.constant 80 : index
        %get3A_545 = tpu.vector_load %arg13[%get3A_543, %get3A_544] {strides = array<i32>} : memref<128x128xf32, #tpu.memory_space<vmem>>, vector<16xf32>,
        %mul3A_546 = arith.mulf %get3A_545, %gather3A_507 : vector<16xf32>
        %swap3A_547 = arith.index_cast %add3A_505 : i32 to index
        %swap3A_548 = arith.constant 80 : index
        %swap3A_549 = tpu.vector_load %arg13[%swap3A_547, %swap3A_548] {strides = array<i32>} : memref<128x128xf32, #tpu.memory_space<vmem>>, vector<16xf32>,
        tpu.vector_store %arg13[%swap3A_547, %swap3A_548], %mul3A_546 {strides = array<i32>} : memref<128x128xf32, #tpu.memory_space<vmem>>, vector<16xf32>,
        %get3A_550 = arith.index_cast %add3A_505 : i32 to index
        %get3A_551 = arith.constant 96 : index
        %get3A_552 = tpu.vector_load %arg13[%get3A_550, %get3A_551] {strides = array<i32>} : memref<128x128xf32, #tpu.memory_space<vmem>>, vector<16xf32>,
        %mul3A_553 = arith.mulf %get3A_552, %gather3A_507 : vector<16xf32>
        %swap3A_554 = arith.index_cast %add3A_505 : i32 to index
        %swap3A_555 = arith.constant 96 : index
        %swap3A_556 = tpu.vector_load %arg13[%swap3A_554, %swap3A_555] {strides = array<i32>} : memref<128x128xf32, #tpu.memory_space<vmem>>, vector<16xf32>,
        tpu.vector_store %arg13[%swap3A_554, %swap3A_555], %mul3A_553 {strides = array<i32>} : memref<128x128xf32, #tpu.memory_space<vmem>>, vector<16xf32>,
        %get3A_557 = arith.index_cast %add3A_505 : i32 to index
        %get3A_558 = arith.constant 112 : index
        %get3A_559 = tpu.vector_load %arg13[%get3A_557, %get3A_558] {strides = array<i32>} : memref<128x128xf32, #tpu.memory_space<vmem>>, vector<16xf32>,
        %mul3A_560 = arith.mulf %get3A_559, %gather3A_507 : vector<16xf32>
        %swap3A_561 = arith.index_cast %add3A_505 : i32 to index
        %swap3A_562 = arith.constant 112 : index
        %swap3A_563 = tpu.vector_load %arg13[%swap3A_561, %swap3A_562] {strides = array<i32>} : memref<128x128xf32, #tpu.memory_space<vmem>>, vector<16xf32>,
        tpu.vector_store %arg13[%swap3A_561, %swap3A_562], %mul3A_560 {strides = array<i32>} : memref<128x128xf32, #tpu.memory_space<vmem>>, vector<16xf32>,
        %mul3A_564 = arith.constant 4 : i32
        %mul3A_565 = arith.muli %scan3A_438, %mul3A_564 : i32
        %add3A_566 = arith.constant 2 : i32
        %add3A_567 = arith.addi %mul3A_565, %add3A_566 : i32
        %broadcast_in_dim3A_568 = vector.broadcast %add3A_567 : i32 to vector<16xi32>
        %gather3A_569 = tpu.vector_load_idx %arg11[%broadcast_in_dim3A_568] : memref<128xf32, #tpu.memory_space<vmem>>[vector<16xi32>], vector<16xf32>,
        %get3A_570 = arith.index_cast %add3A_567 : i32 to index
        %get3A_571 = arith.constant 0 : index
        %get3A_572 = tpu.vector_load %arg13[%get3A_570, %get3A_571] {strides = array<i32>} : memref<128x128xf32, #tpu.memory_space<vmem>>, vector<16xf32>,
        %mul3A_573 = arith.mulf %get3A_572, %gather3A_569 : vector<16xf32>
        %swap3A_574 = arith.index_cast %add3A_567 : i32 to index
        %swap3A_575 = arith.constant 0 : index
        %swap3A_576 = tpu.vector_load %arg13[%swap3A_574, %swap3A_575] {strides = array<i32>} : memref<128x128xf32, #tpu.memory_space<vmem>>, vector<16xf32>,
        tpu.vector_store %arg13[%swap3A_574, %swap3A_575], %mul3A_573 {strides = array<i32>} : memref<128x128xf32, #tpu.memory_space<vmem>>, vector<16xf32>,
        %get3A_577 = arith.index_cast %add3A_567 : i32 to index
        %get3A_578 = arith.constant 16 : index
        %get3A_579 = tpu.vector_load %arg13[%get3A_577, %get3A_578] {strides = array<i32>} : memref<128x128xf32, #tpu.memory_space<vmem>>, vector<16xf32>,
        %mul3A_580 = arith.mulf %get3A_579, %gather3A_569 : vector<16xf32>
        %swap3A_581 = arith.index_cast %add3A_567 : i32 to index
        %swap3A_582 = arith.constant 16 : index
        %swap3A_583 = tpu.vector_load %arg13[%swap3A_581, %swap3A_582] {strides = array<i32>} : memref<128x128xf32, #tpu.memory_space<vmem>>, vector<16xf32>,
        tpu.vector_store %arg13[%swap3A_581, %swap3A_582], %mul3A_580 {strides = array<i32>} : memref<128x128xf32, #tpu.memory_space<vmem>>, vector<16xf32>,
        %get3A_584 = arith.index_cast %add3A_567 : i32 to index
        %get3A_585 = arith.constant 32 : index
        %get3A_586 = tpu.vector_load %arg13[%get3A_584, %get3A_585] {strides = array<i32>} : memref<128x128xf32, #tpu.memory_space<vmem>>, vector<16xf32>,
        %mul3A_587 = arith.mulf %get3A_586, %gather3A_569 : vector<16xf32>
        %swap3A_588 = arith.index_cast %add3A_567 : i32 to index
        %swap3A_589 = arith.constant 32 : index
        %swap3A_590 = tpu.vector_load %arg13[%swap3A_588, %swap3A_589] {strides = array<i32>} : memref<128x128xf32, #tpu.memory_space<vmem>>, vector<16xf32>,
        tpu.vector_store %arg13[%swap3A_588, %swap3A_589], %mul3A_587 {strides = array<i32>} : memref<128x128xf32, #tpu.memory_space<vmem>>, vector<16xf32>,
        %get3A_591 = arith.index_cast %add3A_567 : i32 to index
        %get3A_592 = arith.constant 48 : index
        %get3A_593 = tpu.vector_load %arg13[%get3A_591, %get3A_592] {strides = array<i32>} : memref<128x128xf32, #tpu.memory_space<vmem>>, vector<16xf32>,
        %mul3A_594 = arith.mulf %get3A_593, %gather3A_569 : vector<16xf32>
        %swap3A_595 = arith.index_cast %add3A_567 : i32 to index
        %swap3A_596 = arith.constant 48 : index
        %swap3A_597 = tpu.vector_load %arg13[%swap3A_595, %swap3A_596] {strides = array<i32>} : memref<128x128xf32, #tpu.memory_space<vmem>>, vector<16xf32>,
        tpu.vector_store %arg13[%swap3A_595, %swap3A_596], %mul3A_594 {strides = array<i32>} : memref<128x128xf32, #tpu.memory_space<vmem>>, vector<16xf32>,
        %get3A_598 = arith.index_cast %add3A_567 : i32 to index
        %get3A_599 = arith.constant 64 : index
        %get3A_600 = tpu.vector_load %arg13[%get3A_598, %get3A_599] {strides = array<i32>} : memref<128x128xf32, #tpu.memory_space<vmem>>, vector<16xf32>,
        %mul3A_601 = arith.mulf %get3A_600, %gather3A_569 : vector<16xf32>
        %swap3A_602 = arith.index_cast %add3A_567 : i32 to index
        %swap3A_603 = arith.constant 64 : index
        %swap3A_604 = tpu.vector_load %arg13[%swap3A_602, %swap3A_603] {strides = array<i32>} : memref<128x128xf32, #tpu.memory_space<vmem>>, vector<16xf32>,
        tpu.vector_store %arg13[%swap3A_602, %swap3A_603], %mul3A_601 {strides = array<i32>} : memref<128x128xf32, #tpu.memory_space<vmem>>, vector<16xf32>,
        %get3A_605 = arith.index_cast %add3A_567 : i32 to index
        %get3A_606 = arith.constant 80 : index
        %get3A_607 = tpu.vector_load %arg13[%get3A_605, %get3A_606] {strides = array<i32>} : memref<128x128xf32, #tpu.memory_space<vmem>>, vector<16xf32>,
        %mul3A_608 = arith.mulf %get3A_607, %gather3A_569 : vector<16xf32>
        %swap3A_609 = arith.index_cast %add3A_567 : i32 to index
        %swap3A_610 = arith.constant 80 : index
        %swap3A_611 = tpu.vector_load %arg13[%swap3A_609, %swap3A_610] {strides = array<i32>} : memref<128x128xf32, #tpu.memory_space<vmem>>, vector<16xf32>,
        tpu.vector_store %arg13[%swap3A_609, %swap3A_610], %mul3A_608 {strides = array<i32>} : memref<128x128xf32, #tpu.memory_space<vmem>>, vector<16xf32>,
        %get3A_612 = arith.index_cast %add3A_567 : i32 to index
        %get3A_613 = arith.constant 96 : index
        %get3A_614 = tpu.vector_load %arg13[%get3A_612, %get3A_613] {strides = array<i32>} : memref<128x128xf32, #tpu.memory_space<vmem>>, vector<16xf32>,
        %mul3A_615 = arith.mulf %get3A_614, %gather3A_569 : vector<16xf32>
        %swap3A_616 = arith.index_cast %add3A_567 : i32 to index
        %swap3A_617 = arith.constant 96 : index
        %swap3A_618 = tpu.vector_load %arg13[%swap3A_616, %swap3A_617] {strides = array<i32>} : memref<128x128xf32, #tpu.memory_space<vmem>>, vector<16xf32>,
        tpu.vector_store %arg13[%swap3A_616, %swap3A_617], %mul3A_615 {strides = array<i32>} : memref<128x128xf32, #tpu.memory_space<vmem>>, vector<16xf32>,
        %get3A_619 = arith.index_cast %add3A_567 : i32 to index
        %get3A_620 = arith.constant 112 : index
        %get3A_621 = tpu.vector_load %arg13[%get3A_619, %get3A_620] {strides = array<i32>} : memref<128x128xf32, #tpu.memory_space<vmem>>, vector<16xf32>,
        %mul3A_622 = arith.mulf %get3A_621, %gather3A_569 : vector<16xf32>
        %swap3A_623 = arith.index_cast %add3A_567 : i32 to index
        %swap3A_624 = arith.constant 112 : index
        %swap3A_625 = tpu.vector_load %arg13[%swap3A_623, %swap3A_624] {strides = array<i32>} : memref<128x128xf32, #tpu.memory_space<vmem>>, vector<16xf32>,
        tpu.vector_store %arg13[%swap3A_623, %swap3A_624], %mul3A_622 {strides = array<i32>} : memref<128x128xf32, #tpu.memory_space<vmem>>, vector<16xf32>,
        %mul3A_626 = arith.constant 4 : i32
        %mul3A_627 = arith.muli %scan3A_438, %mul3A_626 : i32
        %add3A_628 = arith.constant 3 : i32
        %add3A_629 = arith.addi %mul3A_627, %add3A_628 : i32
        %broadcast_in_dim3A_630 = vector.broadcast %add3A_629 : i32 to vector<16xi32>
        %gather3A_631 = tpu.vector_load_idx %arg11[%broadcast_in_dim3A_630] : memref<128xf32, #tpu.memory_space<vmem>>[vector<16xi32>], vector<16xf32>,
        %get3A_632 = arith.index_cast %add3A_629 : i32 to index
        %get3A_633 = arith.constant 0 : index
        %get3A_634 = tpu.vector_load %arg13[%get3A_632, %get3A_633] {strides = array<i32>} : memref<128x128xf32, #tpu.memory_space<vmem>>, vector<16xf32>,
        %mul3A_635 = arith.mulf %get3A_634, %gather3A_631 : vector<16xf32>
        %swap3A_636 = arith.index_cast %add3A_629 : i32 to index
        %swap3A_637 = arith.constant 0 : index
        %swap3A_638 = tpu.vector_load %arg13[%swap3A_636, %swap3A_637] {strides = array<i32>} : memref<128x128xf32, #tpu.memory_space<vmem>>, vector<16xf32>,
        tpu.vector_store %arg13[%swap3A_636, %swap3A_637], %mul3A_635 {strides = array<i32>} : memref<128x128xf32, #tpu.memory_space<vmem>>, vector<16xf32>,
        %get3A_639 = arith.index_cast %add3A_629 : i32 to index
        %get3A_640 = arith.constant 16 : index
        %get3A_641 = tpu.vector_load %arg13[%get3A_639, %get3A_640] {strides = array<i32>} : memref<128x128xf32, #tpu.memory_space<vmem>>, vector<16xf32>,
        %mul3A_642 = arith.mulf %get3A_641, %gather3A_631 : vector<16xf32>
        %swap3A_643 = arith.index_cast %add3A_629 : i32 to index
        %swap3A_644 = arith.constant 16 : index
        %swap3A_645 = tpu.vector_load %arg13[%swap3A_643, %swap3A_644] {strides = array<i32>} : memref<128x128xf32, #tpu.memory_space<vmem>>, vector<16xf32>,
        tpu.vector_store %arg13[%swap3A_643, %swap3A_644], %mul3A_642 {strides = array<i32>} : memref<128x128xf32, #tpu.memory_space<vmem>>, vector<16xf32>,
        %get3A_646 = arith.index_cast %add3A_629 : i32 to index
        %get3A_647 = arith.constant 32 : index
        %get3A_648 = tpu.vector_load %arg13[%get3A_646, %get3A_647] {strides = array<i32>} : memref<128x128xf32, #tpu.memory_space<vmem>>, vector<16xf32>,
        %mul3A_649 = arith.mulf %get3A_648, %gather3A_631 : vector<16xf32>
        %swap3A_650 = arith.index_cast %add3A_629 : i32 to index
        %swap3A_651 = arith.constant 32 : index
        %swap3A_652 = tpu.vector_load %arg13[%swap3A_650, %swap3A_651] {strides = array<i32>} : memref<128x128xf32, #tpu.memory_space<vmem>>, vector<16xf32>,
        tpu.vector_store %arg13[%swap3A_650, %swap3A_651], %mul3A_649 {strides = array<i32>} : memref<128x128xf32, #tpu.memory_space<vmem>>, vector<16xf32>,
        %get3A_653 = arith.index_cast %add3A_629 : i32 to index
        %get3A_654 = arith.constant 48 : index
        %get3A_655 = tpu.vector_load %arg13[%get3A_653, %get3A_654] {strides = array<i32>} : memref<128x128xf32, #tpu.memory_space<vmem>>, vector<16xf32>,
        %mul3A_656 = arith.mulf %get3A_655, %gather3A_631 : vector<16xf32>
        %swap3A_657 = arith.index_cast %add3A_629 : i32 to index
        %swap3A_658 = arith.constant 48 : index
        %swap3A_659 = tpu.vector_load %arg13[%swap3A_657, %swap3A_658] {strides = array<i32>} : memref<128x128xf32, #tpu.memory_space<vmem>>, vector<16xf32>,
        tpu.vector_store %arg13[%swap3A_657, %swap3A_658], %mul3A_656 {strides = array<i32>} : memref<128x128xf32, #tpu.memory_space<vmem>>, vector<16xf32>,
        %get3A_660 = arith.index_cast %add3A_629 : i32 to index
        %get3A_661 = arith.constant 64 : index
        %get3A_662 = tpu.vector_load %arg13[%get3A_660, %get3A_661] {strides = array<i32>} : memref<128x128xf32, #tpu.memory_space<vmem>>, vector<16xf32>,
        %mul3A_663 = arith.mulf %get3A_662, %gather3A_631 : vector<16xf32>
        %swap3A_664 = arith.index_cast %add3A_629 : i32 to index
        %swap3A_665 = arith.constant 64 : index
        %swap3A_666 = tpu.vector_load %arg13[%swap3A_664, %swap3A_665] {strides = array<i32>} : memref<128x128xf32, #tpu.memory_space<vmem>>, vector<16xf32>,
        tpu.vector_store %arg13[%swap3A_664, %swap3A_665], %mul3A_663 {strides = array<i32>} : memref<128x128xf32, #tpu.memory_space<vmem>>, vector<16xf32>,
        %get3A_667 = arith.index_cast %add3A_629 : i32 to index
        %get3A_668 = arith.constant 80 : index
        %get3A_669 = tpu.vector_load %arg13[%get3A_667, %get3A_668] {strides = array<i32>} : memref<128x128xf32, #tpu.memory_space<vmem>>, vector<16xf32>,
        %mul3A_670 = arith.mulf %get3A_669, %gather3A_631 : vector<16xf32>
        %swap3A_671 = arith.index_cast %add3A_629 : i32 to index
        %swap3A_672 = arith.constant 80 : index
        %swap3A_673 = tpu.vector_load %arg13[%swap3A_671, %swap3A_672] {strides = array<i32>} : memref<128x128xf32, #tpu.memory_space<vmem>>, vector<16xf32>,
        tpu.vector_store %arg13[%swap3A_671, %swap3A_672], %mul3A_670 {strides = array<i32>} : memref<128x128xf32, #tpu.memory_space<vmem>>, vector<16xf32>,
        %get3A_674 = arith.index_cast %add3A_629 : i32 to index
        %get3A_675 = arith.constant 96 : index
        %get3A_676 = tpu.vector_load %arg13[%get3A_674, %get3A_675] {strides = array<i32>} : memref<128x128xf32, #tpu.memory_space<vmem>>, vector<16xf32>,
        %mul3A_677 = arith.mulf %get3A_676, %gather3A_631 : vector<16xf32>
        %swap3A_678 = arith.index_cast %add3A_629 : i32 to index
        %swap3A_679 = arith.constant 96 : index
        %swap3A_680 = tpu.vector_load %arg13[%swap3A_678, %swap3A_679] {strides = array<i32>} : memref<128x128xf32, #tpu.memory_space<vmem>>, vector<16xf32>,
        tpu.vector_store %arg13[%swap3A_678, %swap3A_679], %mul3A_677 {strides = array<i32>} : memref<128x128xf32, #tpu.memory_space<vmem>>, vector<16xf32>,
        %get3A_681 = arith.index_cast %add3A_629 : i32 to index
        %get3A_682 = arith.constant 112 : index
        %get3A_683 = tpu.vector_load %arg13[%get3A_681, %get3A_682] {strides = array<i32>} : memref<128x128xf32, #tpu.memory_space<vmem>>, vector<16xf32>,
        %mul3A_684 = arith.mulf %get3A_683, %gather3A_631 : vector<16xf32>
        %swap3A_685 = arith.index_cast %add3A_629 : i32 to index
        %swap3A_686 = arith.constant 112 : index
        %swap3A_687 = tpu.vector_load %arg13[%swap3A_685, %swap3A_686] {strides = array<i32>} : memref<128x128xf32, #tpu.memory_space<vmem>>, vector<16xf32>,
        tpu.vector_store %arg13[%swap3A_685, %swap3A_686], %mul3A_684 {strides = array<i32>} : memref<128x128xf32, #tpu.memory_space<vmem>>, vector<16xf32>,
        %scan3A_688 = arith.constant 0 : i32
        scf.yield %scan3A_688 : i32
      }
      %scan3A_436 = arith.constant 32 : i32
      "tpu.region"() ({
        %run_scoped3A = tpu.sem_alloc : memref<!tpu.dma_semaphore, #tpu.memory_space<semaphore_mem>>
        %dma_start3A_438 = arith.constant 0 : i32
        %dma_start3A_439 = arith.constant 0 : i32
        %dma_start3A_440 = tpu.memref_slice %arg14[%dma_start3A_438, %dma_start3A_439] : memref<10240x128xf32, #tpu.memory_space<vmem_shared>> -> memref<10240x128xf32, #tpu.memory_space<vmem_shared>>
        tpu.enqueue_indirect_dma source(%arg13 : memref<128x128xf32, #tpu.memory_space<vmem>>) target(%dma_start3A_440 : memref<10240x128xf32, #tpu.memory_space<vmem_shared>>) offsets(%arg10 : memref<128xi32, #tpu.memory_space<vmem>>) semaphore(%run_scoped3A : memref<!tpu.dma_semaphore, #tpu.memory_space<semaphore_mem>>) {add = true}
        %dma_wait3A_441 = arith.constant 0 : i32
        %dma_wait3A_442 = arith.constant 0 : i32
        %dma_wait3A_443 = tpu.memref_slice %arg14[%dma_wait3A_441, %dma_wait3A_442] : memref<10240x128xf32, #tpu.memory_space<vmem_shared>> -> memref<10240x128xf32, #tpu.memory_space<vmem_shared>>
        tpu.wait_indirect_dma semaphore(%run_scoped3A : memref<!tpu.dma_semaphore, #tpu.memory_space<semaphore_mem>>) src(%arg13 : memref<128x128xf32, #tpu.memory_space<vmem>>) dst(%dma_wait3A_443 : memref<10240x128xf32, #tpu.memory_space<vmem_shared>>)
        tpu.yield
      }) : () -> ()
      "tpu.region"() ({
        %run_scoped3A = tpu.sem_alloc : memref<!tpu.dma_semaphore, #tpu.memory_space<semaphore_mem>>
        %dma_start3A_438 = arith.constant 0 : i32
        %dma_start3A_439 = arith.constant 0 : i32
        %dma_start3A_440 = tpu.memref_slice %arg15[%dma_start3A_438, %dma_start3A_439] : memref<10240x16xf32, #tpu.memory_space<vmem_shared>> -> memref<10240x16xf32, #tpu.memory_space<vmem_shared>>
        tpu.enqueue_indirect_dma source(%arg12 : memref<128x16xf32, #tpu.memory_space<vmem>>) target(%dma_start3A_440 : memref<10240x16xf32, #tpu.memory_space<vmem_shared>>) offsets(%arg10 : memref<128xi32, #tpu.memory_space<vmem>>) semaphore(%run_scoped3A : memref<!tpu.dma_semaphore, #tpu.memory_space<semaphore_mem>>) {add = true}
        %dma_wait3A_441 = arith.constant 0 : i32
        %dma_wait3A_442 = arith.constant 0 : i32
        %dma_wait3A_443 = tpu.memref_slice %arg15[%dma_wait3A_441, %dma_wait3A_442] : memref<10240x16xf32, #tpu.memory_space<vmem_shared>> -> memref<10240x16xf32, #tpu.memory_space<vmem_shared>>
        tpu.wait_indirect_dma semaphore(%run_scoped3A : memref<!tpu.dma_semaphore, #tpu.memory_space<semaphore_mem>>) src(%arg12 : memref<128x16xf32, #tpu.memory_space<vmem>>) dst(%dma_wait3A_443 : memref<10240x16xf32, #tpu.memory_space<vmem_shared>>)
        tpu.yield
      }) : () -> ()
      %scan3A_437 = arith.constant 0 : i32
      scf.yield %scan3A_437 : i32
    }
    %scan3A_54 = arith.constant 81 : i32
    %barrier3A_55 = arith.constant 0 : index
    tpu.barrier barrier_id(%barrier3A_55)
    %mul3A_56 = arith.constant 640 : i32
    %mul3A_57 = arith.muli %arg1, %mul3A_56 : i32
    %mul3A_58 = arith.constant 640 : i32
    %mul3A_59 = arith.muli %arg1, %mul3A_58 : i32
    "tpu.region"() ({
      %run_scoped3A = tpu.sem_alloc : memref<!tpu.dma_semaphore, #tpu.memory_space<semaphore_mem>>
      %dma_start3A = arith.constant 0 : i32
      %dma_start3A_64 = tpu.memref_slice %arg6[%arg0, %mul3A_59, %dma_start3A] : memref<2x10240x128xf32, #tpu.memory_space<hbm>> -> memref<1x640x128xf32, #tpu.memory_space<hbm>>
      %dma_start3A_65 = tpu.memref_squeeze %dma_start3A_64 : memref<1x640x128xf32, #tpu.memory_space<hbm>> -> memref<640x128xf32, #tpu.memory_space<hbm>>
      %dma_start3A_66 = arith.constant 0 : i32
      %dma_start3A_67 = tpu.memref_slice %arg14[%mul3A_57, %dma_start3A_66] : memref<10240x128xf32, #tpu.memory_space<vmem_shared>> -> memref<640x128xf32, #tpu.memory_space<vmem_shared>>
      tpu.enqueue_dma source(%dma_start3A_67 : memref<640x128xf32, #tpu.memory_space<vmem_shared>>) target(%dma_start3A_65 : memref<640x128xf32, #tpu.memory_space<hbm>>) target_semaphore(%run_scoped3A : memref<!tpu.dma_semaphore, #tpu.memory_space<semaphore_mem>>)
      %dma_wait3A = arith.constant 0 : i32
      %dma_wait3A_68 = tpu.memref_slice %arg6[%arg0, %mul3A_59, %dma_wait3A] : memref<2x10240x128xf32, #tpu.memory_space<hbm>> -> memref<1x640x128xf32, #tpu.memory_space<hbm>>
      %dma_wait3A_69 = tpu.memref_squeeze %dma_wait3A_68 : memref<1x640x128xf32, #tpu.memory_space<hbm>> -> memref<640x128xf32, #tpu.memory_space<hbm>>
      %dma_wait3A_70 = arith.constant 0 : i32
      %dma_wait3A_71 = tpu.memref_slice %arg14[%mul3A_57, %dma_wait3A_70] : memref<10240x128xf32, #tpu.memory_space<vmem_shared>> -> memref<640x128xf32, #tpu.memory_space<vmem_shared>>
      tpu.wait_dma2 semaphore(%run_scoped3A : memref<!tpu.dma_semaphore, #tpu.memory_space<semaphore_mem>>) src(%dma_wait3A_71 : memref<640x128xf32, #tpu.memory_space<vmem_shared>>) dst(%dma_wait3A_69 : memref<640x128xf32, #tpu.memory_space<hbm>>)
      tpu.yield
    }) : () -> ()
    %mul3A_60 = arith.constant 640 : i32
    %mul3A_61 = arith.muli %arg1, %mul3A_60 : i32
    %mul3A_62 = arith.constant 640 : i32
    %mul3A_63 = arith.muli %arg1, %mul3A_62 : i32
    "tpu.region"() ({
      %run_scoped3A = tpu.sem_alloc : memref<!tpu.dma_semaphore, #tpu.memory_space<semaphore_mem>>
      %dma_start3A = arith.constant 0 : i32
      %dma_start3A_64 = tpu.memref_slice %arg7[%arg0, %mul3A_63, %dma_start3A] : memref<2x10240x16xf32, #tpu.memory_space<hbm>> -> memref<1x640x16xf32, #tpu.memory_space<hbm>>
      %dma_start3A_65 = tpu.memref_squeeze %dma_start3A_64 : memref<1x640x16xf32, #tpu.memory_space<hbm>> -> memref<640x16xf32, #tpu.memory_space<hbm>>
      %dma_start3A_66 = arith.constant 0 : i32
      %dma_start3A_67 = tpu.memref_slice %arg15[%mul3A_61, %dma_start3A_66] : memref<10240x16xf32, #tpu.memory_space<vmem_shared>> -> memref<640x16xf32, #tpu.memory_space<vmem_shared>>
      tpu.enqueue_dma source(%dma_start3A_67 : memref<640x16xf32, #tpu.memory_space<vmem_shared>>) target(%dma_start3A_65 : memref<640x16xf32, #tpu.memory_space<hbm>>) target_semaphore(%run_scoped3A : memref<!tpu.dma_semaphore, #tpu.memory_space<semaphore_mem>>)
      %dma_wait3A = arith.constant 0 : i32
      %dma_wait3A_68 = tpu.memref_slice %arg7[%arg0, %mul3A_63, %dma_wait3A] : memref<2x10240x16xf32, #tpu.memory_space<hbm>> -> memref<1x640x16xf32, #tpu.memory_space<hbm>>
      %dma_wait3A_69 = tpu.memref_squeeze %dma_wait3A_68 : memref<1x640x16xf32, #tpu.memory_space<hbm>> -> memref<640x16xf32, #tpu.memory_space<hbm>>
      %dma_wait3A_70 = arith.constant 0 : i32
      %dma_wait3A_71 = tpu.memref_slice %arg15[%mul3A_61, %dma_wait3A_70] : memref<10240x16xf32, #tpu.memory_space<vmem_shared>> -> memref<640x16xf32, #tpu.memory_space<vmem_shared>>
      tpu.wait_dma2 semaphore(%run_scoped3A : memref<!tpu.dma_semaphore, #tpu.memory_space<semaphore_mem>>) src(%dma_wait3A_71 : memref<640x16xf32, #tpu.memory_space<vmem_shared>>) dst(%dma_wait3A_69 : memref<640x16xf32, #tpu.memory_space<hbm>>)
      tpu.yield
    }) : () -> ()
    return
  }
}

#map = affine_map<(d0, d1) -> (0, 0, 0)>
#map1 = affine_map<(d0, d1) -> (0)>
#map2 = affine_map<(d0, d1) -> (0, 0)>
module attributes {stable_mosaic.version = 14 : i64} {
  func.func @_edge_call(%arg0: i32, %arg1: i32, %arg2: memref<32x81x128xi32, #tpu.memory_space<hbm>>, %arg3: memref<32x81x128xi32, #tpu.memory_space<hbm>>, %arg4: memref<20000xf32, #tpu.memory_space<hbm>>, %arg5: memref<10000x128xf32, #tpu.memory_space<hbm>>, %arg6: memref<2x10240x128xf32, #tpu.memory_space<hbm>>, %arg7: memref<2x10240x16xf32, #tpu.memory_space<hbm>>, %arg8: memref<20000xf32, #tpu.memory_space<vmem>>, %arg9: memref<128xi32, #tpu.memory_space<vmem>>, %arg10: memref<128xi32, #tpu.memory_space<vmem>>, %arg11: memref<128xf32, #tpu.memory_space<vmem>>, %arg12: memref<128x16xf32, #tpu.memory_space<vmem>>, %arg13: memref<128x128xf32, #tpu.memory_space<vmem>>, %arg14: memref<10240x128xf32, #tpu.memory_space<vmem_shared>>, %arg15: memref<10240x16xf32, #tpu.memory_space<vmem_shared>>, %arg16: memref<!tpu.dma_semaphore, #tpu.memory_space<semaphore_mem>>) attributes {dimension_semantics = [#tpu.dimension_semantics<core_parallel>, #tpu.dimension_semantics<subcore_parallel>], iteration_bounds = array<i64: 2, 16>, scalar_prefetch = 0 : i64, scratch_operands = 9 : i64, tpu.core_type = #tpu.core_type<sc_vector_subcore>, window_params = [{transform_indices = #map}, {transform_indices = #map}, {transform_indices = #map1}, {transform_indices = #map2}, {transform_indices = #map}, {transform_indices = #map}]} {
    %mul3A = arith.constant 16 : i32
    %mul3A_0 = arith.muli %arg0, %mul3A : i32
    %add3A = arith.addi %mul3A_0, %arg1 : i32
    "tpu.region"() ({
      %run_scoped3A = tpu.sem_alloc : memref<!tpu.dma_semaphore, #tpu.memory_space<semaphore_mem>>
      tpu.enqueue_dma source(%arg4 : memref<20000xf32, #tpu.memory_space<hbm>>) target(%arg8 : memref<20000xf32, #tpu.memory_space<vmem>>) target_semaphore(%run_scoped3A : memref<!tpu.dma_semaphore, #tpu.memory_space<semaphore_mem>>)
      tpu.wait_dma2 semaphore(%run_scoped3A : memref<!tpu.dma_semaphore, #tpu.memory_space<semaphore_mem>>) src(%arg4 : memref<20000xf32, #tpu.memory_space<hbm>>) dst(%arg8 : memref<20000xf32, #tpu.memory_space<vmem>>)
      tpu.yield
    }) : () -> ()
    %broadcast_in_dim3A = arith.constant 0.000000e+00 : f32
    %broadcast_in_dim3A_1 = vector.broadcast %broadcast_in_dim3A : f32 to vector<16xf32>
    %scan3A = arith.constant 0 : i32
    %scan3A_2 = arith.constant 0 : i32
    %scan3A_3 = arith.constant 128 : i32
    %scan3A_4 = arith.addi %scan3A_2, %scan3A_3 : i32
    %scan3A_5 = arith.constant 1 : i32
    %scan3A_6 = scf.for %scan3A_64 = %scan3A_2 to %scan3A_4 step %scan3A_5 iter_args(%scan3A_65 = %scan3A) -> (i32)  : i32 {
      %swap3A = arith.index_cast %scan3A_64 : i32 to index
      %swap3A_66 = arith.constant 0 : index
      %swap3A_67 = tpu.vector_load %arg13[%swap3A, %swap3A_66] {strides = array<i32>} : memref<128x128xf32, #tpu.memory_space<vmem>>, vector<16xf32>,
      tpu.vector_store %arg13[%swap3A, %swap3A_66], %broadcast_in_dim3A_1 {strides = array<i32>} : memref<128x128xf32, #tpu.memory_space<vmem>>, vector<16xf32>,
      %swap3A_68 = arith.index_cast %scan3A_64 : i32 to index
      %swap3A_69 = arith.constant 16 : index
      %swap3A_70 = tpu.vector_load %arg13[%swap3A_68, %swap3A_69] {strides = array<i32>} : memref<128x128xf32, #tpu.memory_space<vmem>>, vector<16xf32>,
      tpu.vector_store %arg13[%swap3A_68, %swap3A_69], %broadcast_in_dim3A_1 {strides = array<i32>} : memref<128x128xf32, #tpu.memory_space<vmem>>, vector<16xf32>,
      %swap3A_71 = arith.index_cast %scan3A_64 : i32 to index
      %swap3A_72 = arith.constant 32 : index
      %swap3A_73 = tpu.vector_load %arg13[%swap3A_71, %swap3A_72] {strides = array<i32>} : memref<128x128xf32, #tpu.memory_space<vmem>>, vector<16xf32>,
      tpu.vector_store %arg13[%swap3A_71, %swap3A_72], %broadcast_in_dim3A_1 {strides = array<i32>} : memref<128x128xf32, #tpu.memory_space<vmem>>, vector<16xf32>,
      %swap3A_74 = arith.index_cast %scan3A_64 : i32 to index
      %swap3A_75 = arith.constant 48 : index
      %swap3A_76 = tpu.vector_load %arg13[%swap3A_74, %swap3A_75] {strides = array<i32>} : memref<128x128xf32, #tpu.memory_space<vmem>>, vector<16xf32>,
      tpu.vector_store %arg13[%swap3A_74, %swap3A_75], %broadcast_in_dim3A_1 {strides = array<i32>} : memref<128x128xf32, #tpu.memory_space<vmem>>, vector<16xf32>,
      %swap3A_77 = arith.index_cast %scan3A_64 : i32 to index
      %swap3A_78 = arith.constant 64 : index
      %swap3A_79 = tpu.vector_load %arg13[%swap3A_77, %swap3A_78] {strides = array<i32>} : memref<128x128xf32, #tpu.memory_space<vmem>>, vector<16xf32>,
      tpu.vector_store %arg13[%swap3A_77, %swap3A_78], %broadcast_in_dim3A_1 {strides = array<i32>} : memref<128x128xf32, #tpu.memory_space<vmem>>, vector<16xf32>,
      %swap3A_80 = arith.index_cast %scan3A_64 : i32 to index
      %swap3A_81 = arith.constant 80 : index
      %swap3A_82 = tpu.vector_load %arg13[%swap3A_80, %swap3A_81] {strides = array<i32>} : memref<128x128xf32, #tpu.memory_space<vmem>>, vector<16xf32>,
      tpu.vector_store %arg13[%swap3A_80, %swap3A_81], %broadcast_in_dim3A_1 {strides = array<i32>} : memref<128x128xf32, #tpu.memory_space<vmem>>, vector<16xf32>,
      %swap3A_83 = arith.index_cast %scan3A_64 : i32 to index
      %swap3A_84 = arith.constant 96 : index
      %swap3A_85 = tpu.vector_load %arg13[%swap3A_83, %swap3A_84] {strides = array<i32>} : memref<128x128xf32, #tpu.memory_space<vmem>>, vector<16xf32>,
      tpu.vector_store %arg13[%swap3A_83, %swap3A_84], %broadcast_in_dim3A_1 {strides = array<i32>} : memref<128x128xf32, #tpu.memory_space<vmem>>, vector<16xf32>,
      %swap3A_86 = arith.index_cast %scan3A_64 : i32 to index
      %swap3A_87 = arith.constant 112 : index
      %swap3A_88 = tpu.vector_load %arg13[%swap3A_86, %swap3A_87] {strides = array<i32>} : memref<128x128xf32, #tpu.memory_space<vmem>>, vector<16xf32>,
      tpu.vector_store %arg13[%swap3A_86, %swap3A_87], %broadcast_in_dim3A_1 {strides = array<i32>} : memref<128x128xf32, #tpu.memory_space<vmem>>, vector<16xf32>,
      %swap3A_89 = arith.index_cast %scan3A_64 : i32 to index
      %swap3A_90 = arith.constant 0 : index
      %swap3A_91 = tpu.vector_load %arg12[%swap3A_89, %swap3A_90] {strides = array<i32>} : memref<128x16xf32, #tpu.memory_space<vmem>>, vector<16xf32>,
      tpu.vector_store %arg12[%swap3A_89, %swap3A_90], %broadcast_in_dim3A_1 {strides = array<i32>} : memref<128x16xf32, #tpu.memory_space<vmem>>, vector<16xf32>,
      %scan3A_92 = arith.constant 0 : i32
      scf.yield %scan3A_92 : i32
    }
    %scan3A_7 = arith.constant 128 : i32
    %mul3A_8 = arith.constant 640 : i32
    %mul3A_9 = arith.muli %arg1, %mul3A_8 : i32
    %add3A_10 = arith.constant 0 : i32
    %add3A_11 = arith.addi %mul3A_9, %add3A_10 : i32
    "tpu.region"() ({
      %run_scoped3A = tpu.sem_alloc : memref<!tpu.dma_semaphore, #tpu.memory_space<semaphore_mem>>
      %dma_start3A = arith.constant 0 : i32
      %dma_start3A_64 = tpu.memref_slice %arg14[%add3A_11, %dma_start3A] : memref<10240x128xf32, #tpu.memory_space<vmem_shared>> -> memref<128x128xf32, #tpu.memory_space<vmem_shared>>
      %dma_start3A_65 = arith.constant 0 : i32
      %dma_start3A_66 = tpu.memref_slice %arg14[%add3A_11, %dma_start3A_65] : memref<10240x128xf32, #tpu.memory_space<vmem_shared>> -> memref<128x128xf32, #tpu.memory_space<vmem_shared>>
      tpu.enqueue_dma source(%arg13 : memref<128x128xf32, #tpu.memory_space<vmem>>) target(%dma_start3A_66 : memref<128x128xf32, #tpu.memory_space<vmem_shared>>) target_semaphore(%run_scoped3A : memref<!tpu.dma_semaphore, #tpu.memory_space<semaphore_mem>>)
      %dma_wait3A = arith.constant 0 : i32
      %dma_wait3A_67 = tpu.memref_slice %arg14[%add3A_11, %dma_wait3A] : memref<10240x128xf32, #tpu.memory_space<vmem_shared>> -> memref<128x128xf32, #tpu.memory_space<vmem_shared>>
      %dma_wait3A_68 = arith.constant 0 : i32
      %dma_wait3A_69 = tpu.memref_slice %arg14[%add3A_11, %dma_wait3A_68] : memref<10240x128xf32, #tpu.memory_space<vmem_shared>> -> memref<128x128xf32, #tpu.memory_space<vmem_shared>>
      tpu.wait_dma2 semaphore(%run_scoped3A : memref<!tpu.dma_semaphore, #tpu.memory_space<semaphore_mem>>) src(%arg13 : memref<128x128xf32, #tpu.memory_space<vmem>>) dst(%dma_wait3A_69 : memref<128x128xf32, #tpu.memory_space<vmem_shared>>)
      tpu.yield
    }) : () -> ()
    %mul3A_12 = arith.constant 640 : i32
    %mul3A_13 = arith.muli %arg1, %mul3A_12 : i32
    %add3A_14 = arith.constant 0 : i32
    %add3A_15 = arith.addi %mul3A_13, %add3A_14 : i32
    "tpu.region"() ({
      %run_scoped3A = tpu.sem_alloc : memref<!tpu.dma_semaphore, #tpu.memory_space<semaphore_mem>>
      %dma_start3A = arith.constant 0 : i32
      %dma_start3A_64 = tpu.memref_slice %arg15[%add3A_15, %dma_start3A] : memref<10240x16xf32, #tpu.memory_space<vmem_shared>> -> memref<128x16xf32, #tpu.memory_space<vmem_shared>>
      %dma_start3A_65 = arith.constant 0 : i32
      %dma_start3A_66 = tpu.memref_slice %arg15[%add3A_15, %dma_start3A_65] : memref<10240x16xf32, #tpu.memory_space<vmem_shared>> -> memref<128x16xf32, #tpu.memory_space<vmem_shared>>
      tpu.enqueue_dma source(%arg12 : memref<128x16xf32, #tpu.memory_space<vmem>>) target(%dma_start3A_66 : memref<128x16xf32, #tpu.memory_space<vmem_shared>>) target_semaphore(%run_scoped3A : memref<!tpu.dma_semaphore, #tpu.memory_space<semaphore_mem>>)
      %dma_wait3A = arith.constant 0 : i32
      %dma_wait3A_67 = tpu.memref_slice %arg15[%add3A_15, %dma_wait3A] : memref<10240x16xf32, #tpu.memory_space<vmem_shared>> -> memref<128x16xf32, #tpu.memory_space<vmem_shared>>
      %dma_wait3A_68 = arith.constant 0 : i32
      %dma_wait3A_69 = tpu.memref_slice %arg15[%add3A_15, %dma_wait3A_68] : memref<10240x16xf32, #tpu.memory_space<vmem_shared>> -> memref<128x16xf32, #tpu.memory_space<vmem_shared>>
      tpu.wait_dma2 semaphore(%run_scoped3A : memref<!tpu.dma_semaphore, #tpu.memory_space<semaphore_mem>>) src(%arg12 : memref<128x16xf32, #tpu.memory_space<vmem>>) dst(%dma_wait3A_69 : memref<128x16xf32, #tpu.memory_space<vmem_shared>>)
      tpu.yield
    }) : () -> ()
    %mul3A_16 = arith.constant 640 : i32
    %mul3A_17 = arith.muli %arg1, %mul3A_16 : i32
    %add3A_18 = arith.constant 128 : i32
    %add3A_19 = arith.addi %mul3A_17, %add3A_18 : i32
    "tpu.region"() ({
      %run_scoped3A = tpu.sem_alloc : memref<!tpu.dma_semaphore, #tpu.memory_space<semaphore_mem>>
      %dma_start3A = arith.constant 0 : i32
      %dma_start3A_64 = tpu.memref_slice %arg14[%add3A_19, %dma_start3A] : memref<10240x128xf32, #tpu.memory_space<vmem_shared>> -> memref<128x128xf32, #tpu.memory_space<vmem_shared>>
      %dma_start3A_65 = arith.constant 0 : i32
      %dma_start3A_66 = tpu.memref_slice %arg14[%add3A_19, %dma_start3A_65] : memref<10240x128xf32, #tpu.memory_space<vmem_shared>> -> memref<128x128xf32, #tpu.memory_space<vmem_shared>>
      tpu.enqueue_dma source(%arg13 : memref<128x128xf32, #tpu.memory_space<vmem>>) target(%dma_start3A_66 : memref<128x128xf32, #tpu.memory_space<vmem_shared>>) target_semaphore(%run_scoped3A : memref<!tpu.dma_semaphore, #tpu.memory_space<semaphore_mem>>)
      %dma_wait3A = arith.constant 0 : i32
      %dma_wait3A_67 = tpu.memref_slice %arg14[%add3A_19, %dma_wait3A] : memref<10240x128xf32, #tpu.memory_space<vmem_shared>> -> memref<128x128xf32, #tpu.memory_space<vmem_shared>>
      %dma_wait3A_68 = arith.constant 0 : i32
      %dma_wait3A_69 = tpu.memref_slice %arg14[%add3A_19, %dma_wait3A_68] : memref<10240x128xf32, #tpu.memory_space<vmem_shared>> -> memref<128x128xf32, #tpu.memory_space<vmem_shared>>
      tpu.wait_dma2 semaphore(%run_scoped3A : memref<!tpu.dma_semaphore, #tpu.memory_space<semaphore_mem>>) src(%arg13 : memref<128x128xf32, #tpu.memory_space<vmem>>) dst(%dma_wait3A_69 : memref<128x128xf32, #tpu.memory_space<vmem_shared>>)
      tpu.yield
    }) : () -> ()
    %mul3A_20 = arith.constant 640 : i32
    %mul3A_21 = arith.muli %arg1, %mul3A_20 : i32
    %add3A_22 = arith.constant 128 : i32
    %add3A_23 = arith.addi %mul3A_21, %add3A_22 : i32
    "tpu.region"() ({
      %run_scoped3A = tpu.sem_alloc : memref<!tpu.dma_semaphore, #tpu.memory_space<semaphore_mem>>
      %dma_start3A = arith.constant 0 : i32
      %dma_start3A_64 = tpu.memref_slice %arg15[%add3A_23, %dma_start3A] : memref<10240x16xf32, #tpu.memory_space<vmem_shared>> -> memref<128x16xf32, #tpu.memory_space<vmem_shared>>
      %dma_start3A_65 = arith.constant 0 : i32
      %dma_start3A_66 = tpu.memref_slice %arg15[%add3A_23, %dma_start3A_65] : memref<10240x16xf32, #tpu.memory_space<vmem_shared>> -> memref<128x16xf32, #tpu.memory_space<vmem_shared>>
      tpu.enqueue_dma source(%arg12 : memref<128x16xf32, #tpu.memory_space<vmem>>) target(%dma_start3A_66 : memref<128x16xf32, #tpu.memory_space<vmem_shared>>) target_semaphore(%run_scoped3A : memref<!tpu.dma_semaphore, #tpu.memory_space<semaphore_mem>>)
      %dma_wait3A = arith.constant 0 : i32
      %dma_wait3A_67 = tpu.memref_slice %arg15[%add3A_23, %dma_wait3A] : memref<10240x16xf32, #tpu.memory_space<vmem_shared>> -> memref<128x16xf32, #tpu.memory_space<vmem_shared>>
      %dma_wait3A_68 = arith.constant 0 : i32
      %dma_wait3A_69 = tpu.memref_slice %arg15[%add3A_23, %dma_wait3A_68] : memref<10240x16xf32, #tpu.memory_space<vmem_shared>> -> memref<128x16xf32, #tpu.memory_space<vmem_shared>>
      tpu.wait_dma2 semaphore(%run_scoped3A : memref<!tpu.dma_semaphore, #tpu.memory_space<semaphore_mem>>) src(%arg12 : memref<128x16xf32, #tpu.memory_space<vmem>>) dst(%dma_wait3A_69 : memref<128x16xf32, #tpu.memory_space<vmem_shared>>)
      tpu.yield
    }) : () -> ()
    %mul3A_24 = arith.constant 640 : i32
    %mul3A_25 = arith.muli %arg1, %mul3A_24 : i32
    %add3A_26 = arith.constant 256 : i32
    %add3A_27 = arith.addi %mul3A_25, %add3A_26 : i32
    "tpu.region"() ({
      %run_scoped3A = tpu.sem_alloc : memref<!tpu.dma_semaphore, #tpu.memory_space<semaphore_mem>>
      %dma_start3A = arith.constant 0 : i32
      %dma_start3A_64 = tpu.memref_slice %arg14[%add3A_27, %dma_start3A] : memref<10240x128xf32, #tpu.memory_space<vmem_shared>> -> memref<128x128xf32, #tpu.memory_space<vmem_shared>>
      %dma_start3A_65 = arith.constant 0 : i32
      %dma_start3A_66 = tpu.memref_slice %arg14[%add3A_27, %dma_start3A_65] : memref<10240x128xf32, #tpu.memory_space<vmem_shared>> -> memref<128x128xf32, #tpu.memory_space<vmem_shared>>
      tpu.enqueue_dma source(%arg13 : memref<128x128xf32, #tpu.memory_space<vmem>>) target(%dma_start3A_66 : memref<128x128xf32, #tpu.memory_space<vmem_shared>>) target_semaphore(%run_scoped3A : memref<!tpu.dma_semaphore, #tpu.memory_space<semaphore_mem>>)
      %dma_wait3A = arith.constant 0 : i32
      %dma_wait3A_67 = tpu.memref_slice %arg14[%add3A_27, %dma_wait3A] : memref<10240x128xf32, #tpu.memory_space<vmem_shared>> -> memref<128x128xf32, #tpu.memory_space<vmem_shared>>
      %dma_wait3A_68 = arith.constant 0 : i32
      %dma_wait3A_69 = tpu.memref_slice %arg14[%add3A_27, %dma_wait3A_68] : memref<10240x128xf32, #tpu.memory_space<vmem_shared>> -> memref<128x128xf32, #tpu.memory_space<vmem_shared>>
      tpu.wait_dma2 semaphore(%run_scoped3A : memref<!tpu.dma_semaphore, #tpu.memory_space<semaphore_mem>>) src(%arg13 : memref<128x128xf32, #tpu.memory_space<vmem>>) dst(%dma_wait3A_69 : memref<128x128xf32, #tpu.memory_space<vmem_shared>>)
      tpu.yield
    }) : () -> ()
    %mul3A_28 = arith.constant 640 : i32
    %mul3A_29 = arith.muli %arg1, %mul3A_28 : i32
    %add3A_30 = arith.constant 256 : i32
    %add3A_31 = arith.addi %mul3A_29, %add3A_30 : i32
    "tpu.region"() ({
      %run_scoped3A = tpu.sem_alloc : memref<!tpu.dma_semaphore, #tpu.memory_space<semaphore_mem>>
      %dma_start3A = arith.constant 0 : i32
      %dma_start3A_64 = tpu.memref_slice %arg15[%add3A_31, %dma_start3A] : memref<10240x16xf32, #tpu.memory_space<vmem_shared>> -> memref<128x16xf32, #tpu.memory_space<vmem_shared>>
      %dma_start3A_65 = arith.constant 0 : i32
      %dma_start3A_66 = tpu.memref_slice %arg15[%add3A_31, %dma_start3A_65] : memref<10240x16xf32, #tpu.memory_space<vmem_shared>> -> memref<128x16xf32, #tpu.memory_space<vmem_shared>>
      tpu.enqueue_dma source(%arg12 : memref<128x16xf32, #tpu.memory_space<vmem>>) target(%dma_start3A_66 : memref<128x16xf32, #tpu.memory_space<vmem_shared>>) target_semaphore(%run_scoped3A : memref<!tpu.dma_semaphore, #tpu.memory_space<semaphore_mem>>)
      %dma_wait3A = arith.constant 0 : i32
      %dma_wait3A_67 = tpu.memref_slice %arg15[%add3A_31, %dma_wait3A] : memref<10240x16xf32, #tpu.memory_space<vmem_shared>> -> memref<128x16xf32, #tpu.memory_space<vmem_shared>>
      %dma_wait3A_68 = arith.constant 0 : i32
      %dma_wait3A_69 = tpu.memref_slice %arg15[%add3A_31, %dma_wait3A_68] : memref<10240x16xf32, #tpu.memory_space<vmem_shared>> -> memref<128x16xf32, #tpu.memory_space<vmem_shared>>
      tpu.wait_dma2 semaphore(%run_scoped3A : memref<!tpu.dma_semaphore, #tpu.memory_space<semaphore_mem>>) src(%arg12 : memref<128x16xf32, #tpu.memory_space<vmem>>) dst(%dma_wait3A_69 : memref<128x16xf32, #tpu.memory_space<vmem_shared>>)
      tpu.yield
    }) : () -> ()
    %mul3A_32 = arith.constant 640 : i32
    %mul3A_33 = arith.muli %arg1, %mul3A_32 : i32
    %add3A_34 = arith.constant 384 : i32
    %add3A_35 = arith.addi %mul3A_33, %add3A_34 : i32
    "tpu.region"() ({
      %run_scoped3A = tpu.sem_alloc : memref<!tpu.dma_semaphore, #tpu.memory_space<semaphore_mem>>
      %dma_start3A = arith.constant 0 : i32
      %dma_start3A_64 = tpu.memref_slice %arg14[%add3A_35, %dma_start3A] : memref<10240x128xf32, #tpu.memory_space<vmem_shared>> -> memref<128x128xf32, #tpu.memory_space<vmem_shared>>
      %dma_start3A_65 = arith.constant 0 : i32
      %dma_start3A_66 = tpu.memref_slice %arg14[%add3A_35, %dma_start3A_65] : memref<10240x128xf32, #tpu.memory_space<vmem_shared>> -> memref<128x128xf32, #tpu.memory_space<vmem_shared>>
      tpu.enqueue_dma source(%arg13 : memref<128x128xf32, #tpu.memory_space<vmem>>) target(%dma_start3A_66 : memref<128x128xf32, #tpu.memory_space<vmem_shared>>) target_semaphore(%run_scoped3A : memref<!tpu.dma_semaphore, #tpu.memory_space<semaphore_mem>>)
      %dma_wait3A = arith.constant 0 : i32
      %dma_wait3A_67 = tpu.memref_slice %arg14[%add3A_35, %dma_wait3A] : memref<10240x128xf32, #tpu.memory_space<vmem_shared>> -> memref<128x128xf32, #tpu.memory_space<vmem_shared>>
      %dma_wait3A_68 = arith.constant 0 : i32
      %dma_wait3A_69 = tpu.memref_slice %arg14[%add3A_35, %dma_wait3A_68] : memref<10240x128xf32, #tpu.memory_space<vmem_shared>> -> memref<128x128xf32, #tpu.memory_space<vmem_shared>>
      tpu.wait_dma2 semaphore(%run_scoped3A : memref<!tpu.dma_semaphore, #tpu.memory_space<semaphore_mem>>) src(%arg13 : memref<128x128xf32, #tpu.memory_space<vmem>>) dst(%dma_wait3A_69 : memref<128x128xf32, #tpu.memory_space<vmem_shared>>)
      tpu.yield
    }) : () -> ()
    %mul3A_36 = arith.constant 640 : i32
    %mul3A_37 = arith.muli %arg1, %mul3A_36 : i32
    %add3A_38 = arith.constant 384 : i32
    %add3A_39 = arith.addi %mul3A_37, %add3A_38 : i32
    "tpu.region"() ({
      %run_scoped3A = tpu.sem_alloc : memref<!tpu.dma_semaphore, #tpu.memory_space<semaphore_mem>>
      %dma_start3A = arith.constant 0 : i32
      %dma_start3A_64 = tpu.memref_slice %arg15[%add3A_39, %dma_start3A] : memref<10240x16xf32, #tpu.memory_space<vmem_shared>> -> memref<128x16xf32, #tpu.memory_space<vmem_shared>>
      %dma_start3A_65 = arith.constant 0 : i32
      %dma_start3A_66 = tpu.memref_slice %arg15[%add3A_39, %dma_start3A_65] : memref<10240x16xf32, #tpu.memory_space<vmem_shared>> -> memref<128x16xf32, #tpu.memory_space<vmem_shared>>
      tpu.enqueue_dma source(%arg12 : memref<128x16xf32, #tpu.memory_space<vmem>>) target(%dma_start3A_66 : memref<128x16xf32, #tpu.memory_space<vmem_shared>>) target_semaphore(%run_scoped3A : memref<!tpu.dma_semaphore, #tpu.memory_space<semaphore_mem>>)
      %dma_wait3A = arith.constant 0 : i32
      %dma_wait3A_67 = tpu.memref_slice %arg15[%add3A_39, %dma_wait3A] : memref<10240x16xf32, #tpu.memory_space<vmem_shared>> -> memref<128x16xf32, #tpu.memory_space<vmem_shared>>
      %dma_wait3A_68 = arith.constant 0 : i32
      %dma_wait3A_69 = tpu.memref_slice %arg15[%add3A_39, %dma_wait3A_68] : memref<10240x16xf32, #tpu.memory_space<vmem_shared>> -> memref<128x16xf32, #tpu.memory_space<vmem_shared>>
      tpu.wait_dma2 semaphore(%run_scoped3A : memref<!tpu.dma_semaphore, #tpu.memory_space<semaphore_mem>>) src(%arg12 : memref<128x16xf32, #tpu.memory_space<vmem>>) dst(%dma_wait3A_69 : memref<128x16xf32, #tpu.memory_space<vmem_shared>>)
      tpu.yield
    }) : () -> ()
    %mul3A_40 = arith.constant 640 : i32
    %mul3A_41 = arith.muli %arg1, %mul3A_40 : i32
    %add3A_42 = arith.constant 512 : i32
    %add3A_43 = arith.addi %mul3A_41, %add3A_42 : i32
    "tpu.region"() ({
      %run_scoped3A = tpu.sem_alloc : memref<!tpu.dma_semaphore, #tpu.memory_space<semaphore_mem>>
      %dma_start3A = arith.constant 0 : i32
      %dma_start3A_64 = tpu.memref_slice %arg14[%add3A_43, %dma_start3A] : memref<10240x128xf32, #tpu.memory_space<vmem_shared>> -> memref<128x128xf32, #tpu.memory_space<vmem_shared>>
      %dma_start3A_65 = arith.constant 0 : i32
      %dma_start3A_66 = tpu.memref_slice %arg14[%add3A_43, %dma_start3A_65] : memref<10240x128xf32, #tpu.memory_space<vmem_shared>> -> memref<128x128xf32, #tpu.memory_space<vmem_shared>>
      tpu.enqueue_dma source(%arg13 : memref<128x128xf32, #tpu.memory_space<vmem>>) target(%dma_start3A_66 : memref<128x128xf32, #tpu.memory_space<vmem_shared>>) target_semaphore(%run_scoped3A : memref<!tpu.dma_semaphore, #tpu.memory_space<semaphore_mem>>)
      %dma_wait3A = arith.constant 0 : i32
      %dma_wait3A_67 = tpu.memref_slice %arg14[%add3A_43, %dma_wait3A] : memref<10240x128xf32, #tpu.memory_space<vmem_shared>> -> memref<128x128xf32, #tpu.memory_space<vmem_shared>>
      %dma_wait3A_68 = arith.constant 0 : i32
      %dma_wait3A_69 = tpu.memref_slice %arg14[%add3A_43, %dma_wait3A_68] : memref<10240x128xf32, #tpu.memory_space<vmem_shared>> -> memref<128x128xf32, #tpu.memory_space<vmem_shared>>
      tpu.wait_dma2 semaphore(%run_scoped3A : memref<!tpu.dma_semaphore, #tpu.memory_space<semaphore_mem>>) src(%arg13 : memref<128x128xf32, #tpu.memory_space<vmem>>) dst(%dma_wait3A_69 : memref<128x128xf32, #tpu.memory_space<vmem_shared>>)
      tpu.yield
    }) : () -> ()
    %mul3A_44 = arith.constant 640 : i32
    %mul3A_45 = arith.muli %arg1, %mul3A_44 : i32
    %add3A_46 = arith.constant 512 : i32
    %add3A_47 = arith.addi %mul3A_45, %add3A_46 : i32
    "tpu.region"() ({
      %run_scoped3A = tpu.sem_alloc : memref<!tpu.dma_semaphore, #tpu.memory_space<semaphore_mem>>
      %dma_start3A = arith.constant 0 : i32
      %dma_start3A_64 = tpu.memref_slice %arg15[%add3A_47, %dma_start3A] : memref<10240x16xf32, #tpu.memory_space<vmem_shared>> -> memref<128x16xf32, #tpu.memory_space<vmem_shared>>
      %dma_start3A_65 = arith.constant 0 : i32
      %dma_start3A_66 = tpu.memref_slice %arg15[%add3A_47, %dma_start3A_65] : memref<10240x16xf32, #tpu.memory_space<vmem_shared>> -> memref<128x16xf32, #tpu.memory_space<vmem_shared>>
      tpu.enqueue_dma source(%arg12 : memref<128x16xf32, #tpu.memory_space<vmem>>) target(%dma_start3A_66 : memref<128x16xf32, #tpu.memory_space<vmem_shared>>) target_semaphore(%run_scoped3A : memref<!tpu.dma_semaphore, #tpu.memory_space<semaphore_mem>>)
      %dma_wait3A = arith.constant 0 : i32
      %dma_wait3A_67 = tpu.memref_slice %arg15[%add3A_47, %dma_wait3A] : memref<10240x16xf32, #tpu.memory_space<vmem_shared>> -> memref<128x16xf32, #tpu.memory_space<vmem_shared>>
      %dma_wait3A_68 = arith.constant 0 : i32
      %dma_wait3A_69 = tpu.memref_slice %arg15[%add3A_47, %dma_wait3A_68] : memref<10240x16xf32, #tpu.memory_space<vmem_shared>> -> memref<128x16xf32, #tpu.memory_space<vmem_shared>>
      tpu.wait_dma2 semaphore(%run_scoped3A : memref<!tpu.dma_semaphore, #tpu.memory_space<semaphore_mem>>) src(%arg12 : memref<128x16xf32, #tpu.memory_space<vmem>>) dst(%dma_wait3A_69 : memref<128x16xf32, #tpu.memory_space<vmem_shared>>)
      tpu.yield
    }) : () -> ()
    %barrier3A = arith.constant 0 : index
    tpu.barrier barrier_id(%barrier3A)
    %iota3A = tpu.iota {dimensions = array<i32: 0>} : vector<16xi32>
    %scan3A_48 = arith.constant 0 : i32
    %scan3A_49 = arith.constant 0 : i32
    %scan3A_50 = arith.constant 81 : i32
    %scan3A_51 = arith.addi %scan3A_49, %scan3A_50 : i32
    %scan3A_52 = arith.constant 1 : i32
    %scan3A_53 = scf.for %scan3A_64 = %scan3A_49 to %scan3A_51 step %scan3A_52 iter_args(%scan3A_65 = %scan3A_48) -> (i32)  : i32 {
      "tpu.region"() ({
        %run_scoped3A = tpu.sem_alloc : memref<!tpu.dma_semaphore, #tpu.memory_space<semaphore_mem>>
        %dma_start3A_438 = arith.constant 0 : i32
        %dma_start3A_439 = tpu.memref_slice %arg2[%add3A, %scan3A_64, %dma_start3A_438] : memref<32x81x128xi32, #tpu.memory_space<hbm>> -> memref<1x1x128xi32, #tpu.memory_space<hbm>>
        %dma_start3A_440 = tpu.memref_squeeze %dma_start3A_439 : memref<1x1x128xi32, #tpu.memory_space<hbm>> -> memref<128xi32, #tpu.memory_space<hbm>>
        %dma_start3A_441 = arith.constant 0 : i32
        %dma_start3A_442 = tpu.memref_slice %arg2[%add3A, %scan3A_64, %dma_start3A_441] : memref<32x81x128xi32, #tpu.memory_space<hbm>> -> memref<1x1x128xi32, #tpu.memory_space<hbm>>
        %dma_start3A_443 = tpu.memref_squeeze %dma_start3A_442 : memref<1x1x128xi32, #tpu.memory_space<hbm>> -> memref<128xi32, #tpu.memory_space<hbm>>
        tpu.enqueue_dma source(%dma_start3A_443 : memref<128xi32, #tpu.memory_space<hbm>>) target(%arg9 : memref<128xi32, #tpu.memory_space<vmem>>) target_semaphore(%run_scoped3A : memref<!tpu.dma_semaphore, #tpu.memory_space<semaphore_mem>>)
        %dma_wait3A_444 = arith.constant 0 : i32
        %dma_wait3A_445 = tpu.memref_slice %arg2[%add3A, %scan3A_64, %dma_wait3A_444] : memref<32x81x128xi32, #tpu.memory_space<hbm>> -> memref<1x1x128xi32, #tpu.memory_space<hbm>>
        %dma_wait3A_446 = tpu.memref_squeeze %dma_wait3A_445 : memref<1x1x128xi32, #tpu.memory_space<hbm>> -> memref<128xi32, #tpu.memory_space<hbm>>
        %dma_wait3A_447 = arith.constant 0 : i32
        %dma_wait3A_448 = tpu.memref_slice %arg2[%add3A, %scan3A_64, %dma_wait3A_447] : memref<32x81x128xi32, #tpu.memory_space<hbm>> -> memref<1x1x128xi32, #tpu.memory_space<hbm>>
        %dma_wait3A_449 = tpu.memref_squeeze %dma_wait3A_448 : memref<1x1x128xi32, #tpu.memory_space<hbm>> -> memref<128xi32, #tpu.memory_space<hbm>>
        tpu.wait_dma2 semaphore(%run_scoped3A : memref<!tpu.dma_semaphore, #tpu.memory_space<semaphore_mem>>) src(%dma_wait3A_449 : memref<128xi32, #tpu.memory_space<hbm>>) dst(%arg9 : memref<128xi32, #tpu.memory_space<vmem>>)
        tpu.yield
      }) : () -> ()
      "tpu.region"() ({
        %run_scoped3A = tpu.sem_alloc : memref<!tpu.dma_semaphore, #tpu.memory_space<semaphore_mem>>
        %dma_start3A_438 = arith.constant 0 : i32
        %dma_start3A_439 = tpu.memref_slice %arg3[%add3A, %scan3A_64, %dma_start3A_438] : memref<32x81x128xi32, #tpu.memory_space<hbm>> -> memref<1x1x128xi32, #tpu.memory_space<hbm>>
        %dma_start3A_440 = tpu.memref_squeeze %dma_start3A_439 : memref<1x1x128xi32, #tpu.memory_space<hbm>> -> memref<128xi32, #tpu.memory_space<hbm>>
        %dma_start3A_441 = arith.constant 0 : i32
        %dma_start3A_442 = tpu.memref_slice %arg3[%add3A, %scan3A_64, %dma_start3A_441] : memref<32x81x128xi32, #tpu.memory_space<hbm>> -> memref<1x1x128xi32, #tpu.memory_space<hbm>>
        %dma_start3A_443 = tpu.memref_squeeze %dma_start3A_442 : memref<1x1x128xi32, #tpu.memory_space<hbm>> -> memref<128xi32, #tpu.memory_space<hbm>>
        tpu.enqueue_dma source(%dma_start3A_443 : memref<128xi32, #tpu.memory_space<hbm>>) target(%arg10 : memref<128xi32, #tpu.memory_space<vmem>>) target_semaphore(%run_scoped3A : memref<!tpu.dma_semaphore, #tpu.memory_space<semaphore_mem>>)
        %dma_wait3A_444 = arith.constant 0 : i32
        %dma_wait3A_445 = tpu.memref_slice %arg3[%add3A, %scan3A_64, %dma_wait3A_444] : memref<32x81x128xi32, #tpu.memory_space<hbm>> -> memref<1x1x128xi32, #tpu.memory_space<hbm>>
        %dma_wait3A_446 = tpu.memref_squeeze %dma_wait3A_445 : memref<1x1x128xi32, #tpu.memory_space<hbm>> -> memref<128xi32, #tpu.memory_space<hbm>>
        %dma_wait3A_447 = arith.constant 0 : i32
        %dma_wait3A_448 = tpu.memref_slice %arg3[%add3A, %scan3A_64, %dma_wait3A_447] : memref<32x81x128xi32, #tpu.memory_space<hbm>> -> memref<1x1x128xi32, #tpu.memory_space<hbm>>
        %dma_wait3A_449 = tpu.memref_squeeze %dma_wait3A_448 : memref<1x1x128xi32, #tpu.memory_space<hbm>> -> memref<128xi32, #tpu.memory_space<hbm>>
        tpu.wait_dma2 semaphore(%run_scoped3A : memref<!tpu.dma_semaphore, #tpu.memory_space<semaphore_mem>>) src(%dma_wait3A_449 : memref<128xi32, #tpu.memory_space<hbm>>) dst(%arg10 : memref<128xi32, #tpu.memory_space<vmem>>)
        tpu.yield
      }) : () -> ()
      %dma_start3A = arith.constant 0 : i32
      %dma_start3A_66 = arith.constant 0 : i32
      %dma_start3A_67 = tpu.memref_slice %arg5[%dma_start3A, %dma_start3A_66] : memref<10000x128xf32, #tpu.memory_space<hbm>> -> memref<10000x128xf32, #tpu.memory_space<hbm>>
      tpu.enqueue_indirect_dma source(%dma_start3A_67 : memref<10000x128xf32, #tpu.memory_space<hbm>>) target(%arg13 : memref<128x128xf32, #tpu.memory_space<vmem>>) offsets(%arg9 : memref<128xi32, #tpu.memory_space<vmem>>) semaphore(%arg16 : memref<!tpu.dma_semaphore, #tpu.memory_space<semaphore_mem>>)
      %broadcast_in_dim3A_68 = arith.constant 0 : i32
      %broadcast_in_dim3A_69 = vector.broadcast %broadcast_in_dim3A_68 : i32 to vector<16xi32>
      %add3A_70 = arith.addi %broadcast_in_dim3A_69, %iota3A : vector<16xi32>
      %get3A = arith.constant 0 : index
      %get3A_71 = tpu.vector_load %arg9[%get3A] {strides = array<i32>} : memref<128xi32, #tpu.memory_space<vmem>>, vector<16xi32>,
      %get3A_72 = arith.constant 0 : index
      %get3A_73 = tpu.vector_load %arg10[%get3A_72] {strides = array<i32>} : memref<128xi32, #tpu.memory_space<vmem>>, vector<16xi32>,
      %mul3A_74 = arith.constant 2 : i32
      %mul3A_75 = vector.broadcast %mul3A_74 : i32 to vector<16xi32>
      %mul3A_76 = arith.muli %get3A_71, %mul3A_75 : vector<16xi32>
      %gather3A = tpu.vector_load_idx %arg8[%mul3A_76] : memref<20000xf32, #tpu.memory_space<vmem>>[vector<16xi32>], vector<16xf32>,
      %mul3A_77 = arith.constant 2 : i32
      %mul3A_78 = vector.broadcast %mul3A_77 : i32 to vector<16xi32>
      %mul3A_79 = arith.muli %get3A_73, %mul3A_78 : vector<16xi32>
      %add3A_80 = arith.constant 1 : i32
      %add3A_81 = vector.broadcast %add3A_80 : i32 to vector<16xi32>
      %add3A_82 = arith.addi %mul3A_79, %add3A_81 : vector<16xi32>
      %gather3A_83 = tpu.vector_load_idx %arg8[%add3A_82] : memref<20000xf32, #tpu.memory_space<vmem>>[vector<16xi32>], vector<16xf32>,
      %add3A_84 = arith.addf %gather3A, %gather3A_83 : vector<16xf32>
      %ge3A = arith.constant 0.000000e+00 : f32
      %ge3A_85 = vector.broadcast %ge3A : f32 to vector<16xf32>
      %ge3A_86 = arith.cmpf oge, %add3A_84, %ge3A_85 : vector<16xf32>
      %mul3A_87 = arith.constant 2.000000e-01 : f32
      %mul3A_88 = vector.broadcast %mul3A_87 : f32 to vector<16xf32>
      %mul3A_89 = arith.mulf %add3A_84, %mul3A_88 : vector<16xf32>
      %select_n3A = arith.select %ge3A_86, %add3A_84, %mul3A_89 : vector<16xi1>, vector<16xf32>
      %exp3A = math.exp %select_n3A : vector<16xf32>
      %mul3A_90 = arith.constant 10368 : i32
      %mul3A_91 = arith.muli %add3A, %mul3A_90 : i32
      %mul3A_92 = arith.constant 128 : i32
      %mul3A_93 = arith.muli %scan3A_64, %mul3A_92 : i32
      %add3A_94 = arith.addi %mul3A_91, %mul3A_93 : i32
      %add3A_95 = arith.constant 0 : i32
      %add3A_96 = arith.addi %add3A_94, %add3A_95 : i32
      %add3A_97 = vector.broadcast %add3A_96 : i32 to vector<16xi32>
      %add3A_98 = arith.addi %add3A_97, %iota3A : vector<16xi32>
      %lt3A = arith.constant 330000 : i32
      %lt3A_99 = vector.broadcast %lt3A : i32 to vector<16xi32>
      %lt3A_100 = arith.cmpi slt, %add3A_98, %lt3A_99 : vector<16xi32>
      %jit3A = arith.constant 0.000000e+00 : f32
      %broadcast_in_dim3A_101 = vector.broadcast %jit3A : f32 to vector<16xf32>
      %select_n3A_102 = arith.select %lt3A_100, %exp3A, %broadcast_in_dim3A_101 : vector<16xi1>, vector<16xf32>
      %swap3A = arith.constant 0 : index
      %swap3A_103 = tpu.vector_load %arg11[%swap3A] {strides = array<i32>} : memref<128xf32, #tpu.memory_space<vmem>>, vector<16xf32>,
      tpu.vector_store %arg11[%swap3A], %select_n3A_102 {strides = array<i32>} : memref<128xf32, #tpu.memory_space<vmem>>, vector<16xf32>,
      %broadcast_in_dim3A_104 = arith.constant 0 : i32
      %broadcast_in_dim3A_105 = vector.broadcast %broadcast_in_dim3A_104 : i32 to vector<16xi32>
      tpu.vector_store_idx %arg12[%add3A_70, %broadcast_in_dim3A_105], %select_n3A_102 : memref<128x16xf32, #tpu.memory_space<vmem>>[vector<16xi32>, vector<16xi32>], vector<16xf32>,
      %broadcast_in_dim3A_106 = arith.constant 16 : i32
      %broadcast_in_dim3A_107 = vector.broadcast %broadcast_in_dim3A_106 : i32 to vector<16xi32>
      %add3A_108 = arith.addi %broadcast_in_dim3A_107, %iota3A : vector<16xi32>
      %get3A_109 = arith.constant 16 : index
      %get3A_110 = tpu.vector_load %arg9[%get3A_109] {strides = array<i32>} : memref<128xi32, #tpu.memory_space<vmem>>, vector<16xi32>,
      %get3A_111 = arith.constant 16 : index
      %get3A_112 = tpu.vector_load %arg10[%get3A_111] {strides = array<i32>} : memref<128xi32, #tpu.memory_space<vmem>>, vector<16xi32>,
      %mul3A_113 = arith.constant 2 : i32
      %mul3A_114 = vector.broadcast %mul3A_113 : i32 to vector<16xi32>
      %mul3A_115 = arith.muli %get3A_110, %mul3A_114 : vector<16xi32>
      %gather3A_116 = tpu.vector_load_idx %arg8[%mul3A_115] : memref<20000xf32, #tpu.memory_space<vmem>>[vector<16xi32>], vector<16xf32>,
      %mul3A_117 = arith.constant 2 : i32
      %mul3A_118 = vector.broadcast %mul3A_117 : i32 to vector<16xi32>
      %mul3A_119 = arith.muli %get3A_112, %mul3A_118 : vector<16xi32>
      %add3A_120 = arith.constant 1 : i32
      %add3A_121 = vector.broadcast %add3A_120 : i32 to vector<16xi32>
      %add3A_122 = arith.addi %mul3A_119, %add3A_121 : vector<16xi32>
      %gather3A_123 = tpu.vector_load_idx %arg8[%add3A_122] : memref<20000xf32, #tpu.memory_space<vmem>>[vector<16xi32>], vector<16xf32>,
      %add3A_124 = arith.addf %gather3A_116, %gather3A_123 : vector<16xf32>
      %ge3A_125 = arith.constant 0.000000e+00 : f32
      %ge3A_126 = vector.broadcast %ge3A_125 : f32 to vector<16xf32>
      %ge3A_127 = arith.cmpf oge, %add3A_124, %ge3A_126 : vector<16xf32>
      %mul3A_128 = arith.constant 2.000000e-01 : f32
      %mul3A_129 = vector.broadcast %mul3A_128 : f32 to vector<16xf32>
      %mul3A_130 = arith.mulf %add3A_124, %mul3A_129 : vector<16xf32>
      %select_n3A_131 = arith.select %ge3A_127, %add3A_124, %mul3A_130 : vector<16xi1>, vector<16xf32>
      %exp3A_132 = math.exp %select_n3A_131 : vector<16xf32>
      %mul3A_133 = arith.constant 10368 : i32
      %mul3A_134 = arith.muli %add3A, %mul3A_133 : i32
      %mul3A_135 = arith.constant 128 : i32
      %mul3A_136 = arith.muli %scan3A_64, %mul3A_135 : i32
      %add3A_137 = arith.addi %mul3A_134, %mul3A_136 : i32
      %add3A_138 = arith.constant 16 : i32
      %add3A_139 = arith.addi %add3A_137, %add3A_138 : i32
      %add3A_140 = vector.broadcast %add3A_139 : i32 to vector<16xi32>
      %add3A_141 = arith.addi %add3A_140, %iota3A : vector<16xi32>
      %lt3A_142 = arith.constant 330000 : i32
      %lt3A_143 = vector.broadcast %lt3A_142 : i32 to vector<16xi32>
      %lt3A_144 = arith.cmpi slt, %add3A_141, %lt3A_143 : vector<16xi32>
      %jit3A_145 = arith.constant 0.000000e+00 : f32
      %broadcast_in_dim3A_146 = vector.broadcast %jit3A_145 : f32 to vector<16xf32>
      %select_n3A_147 = arith.select %lt3A_144, %exp3A_132, %broadcast_in_dim3A_146 : vector<16xi1>, vector<16xf32>
      %swap3A_148 = arith.constant 16 : index
      %swap3A_149 = tpu.vector_load %arg11[%swap3A_148] {strides = array<i32>} : memref<128xf32, #tpu.memory_space<vmem>>, vector<16xf32>,
      tpu.vector_store %arg11[%swap3A_148], %select_n3A_147 {strides = array<i32>} : memref<128xf32, #tpu.memory_space<vmem>>, vector<16xf32>,
      %broadcast_in_dim3A_150 = arith.constant 0 : i32
      %broadcast_in_dim3A_151 = vector.broadcast %broadcast_in_dim3A_150 : i32 to vector<16xi32>
      tpu.vector_store_idx %arg12[%add3A_108, %broadcast_in_dim3A_151], %select_n3A_147 : memref<128x16xf32, #tpu.memory_space<vmem>>[vector<16xi32>, vector<16xi32>], vector<16xf32>,
      %broadcast_in_dim3A_152 = arith.constant 32 : i32
      %broadcast_in_dim3A_153 = vector.broadcast %broadcast_in_dim3A_152 : i32 to vector<16xi32>
      %add3A_154 = arith.addi %broadcast_in_dim3A_153, %iota3A : vector<16xi32>
      %get3A_155 = arith.constant 32 : index
      %get3A_156 = tpu.vector_load %arg9[%get3A_155] {strides = array<i32>} : memref<128xi32, #tpu.memory_space<vmem>>, vector<16xi32>,
      %get3A_157 = arith.constant 32 : index
      %get3A_158 = tpu.vector_load %arg10[%get3A_157] {strides = array<i32>} : memref<128xi32, #tpu.memory_space<vmem>>, vector<16xi32>,
      %mul3A_159 = arith.constant 2 : i32
      %mul3A_160 = vector.broadcast %mul3A_159 : i32 to vector<16xi32>
      %mul3A_161 = arith.muli %get3A_156, %mul3A_160 : vector<16xi32>
      %gather3A_162 = tpu.vector_load_idx %arg8[%mul3A_161] : memref<20000xf32, #tpu.memory_space<vmem>>[vector<16xi32>], vector<16xf32>,
      %mul3A_163 = arith.constant 2 : i32
      %mul3A_164 = vector.broadcast %mul3A_163 : i32 to vector<16xi32>
      %mul3A_165 = arith.muli %get3A_158, %mul3A_164 : vector<16xi32>
      %add3A_166 = arith.constant 1 : i32
      %add3A_167 = vector.broadcast %add3A_166 : i32 to vector<16xi32>
      %add3A_168 = arith.addi %mul3A_165, %add3A_167 : vector<16xi32>
      %gather3A_169 = tpu.vector_load_idx %arg8[%add3A_168] : memref<20000xf32, #tpu.memory_space<vmem>>[vector<16xi32>], vector<16xf32>,
      %add3A_170 = arith.addf %gather3A_162, %gather3A_169 : vector<16xf32>
      %ge3A_171 = arith.constant 0.000000e+00 : f32
      %ge3A_172 = vector.broadcast %ge3A_171 : f32 to vector<16xf32>
      %ge3A_173 = arith.cmpf oge, %add3A_170, %ge3A_172 : vector<16xf32>
      %mul3A_174 = arith.constant 2.000000e-01 : f32
      %mul3A_175 = vector.broadcast %mul3A_174 : f32 to vector<16xf32>
      %mul3A_176 = arith.mulf %add3A_170, %mul3A_175 : vector<16xf32>
      %select_n3A_177 = arith.select %ge3A_173, %add3A_170, %mul3A_176 : vector<16xi1>, vector<16xf32>
      %exp3A_178 = math.exp %select_n3A_177 : vector<16xf32>
      %mul3A_179 = arith.constant 10368 : i32
      %mul3A_180 = arith.muli %add3A, %mul3A_179 : i32
      %mul3A_181 = arith.constant 128 : i32
      %mul3A_182 = arith.muli %scan3A_64, %mul3A_181 : i32
      %add3A_183 = arith.addi %mul3A_180, %mul3A_182 : i32
      %add3A_184 = arith.constant 32 : i32
      %add3A_185 = arith.addi %add3A_183, %add3A_184 : i32
      %add3A_186 = vector.broadcast %add3A_185 : i32 to vector<16xi32>
      %add3A_187 = arith.addi %add3A_186, %iota3A : vector<16xi32>
      %lt3A_188 = arith.constant 330000 : i32
      %lt3A_189 = vector.broadcast %lt3A_188 : i32 to vector<16xi32>
      %lt3A_190 = arith.cmpi slt, %add3A_187, %lt3A_189 : vector<16xi32>
      %jit3A_191 = arith.constant 0.000000e+00 : f32
      %broadcast_in_dim3A_192 = vector.broadcast %jit3A_191 : f32 to vector<16xf32>
      %select_n3A_193 = arith.select %lt3A_190, %exp3A_178, %broadcast_in_dim3A_192 : vector<16xi1>, vector<16xf32>
      %swap3A_194 = arith.constant 32 : index
      %swap3A_195 = tpu.vector_load %arg11[%swap3A_194] {strides = array<i32>} : memref<128xf32, #tpu.memory_space<vmem>>, vector<16xf32>,
      tpu.vector_store %arg11[%swap3A_194], %select_n3A_193 {strides = array<i32>} : memref<128xf32, #tpu.memory_space<vmem>>, vector<16xf32>,
      %broadcast_in_dim3A_196 = arith.constant 0 : i32
      %broadcast_in_dim3A_197 = vector.broadcast %broadcast_in_dim3A_196 : i32 to vector<16xi32>
      tpu.vector_store_idx %arg12[%add3A_154, %broadcast_in_dim3A_197], %select_n3A_193 : memref<128x16xf32, #tpu.memory_space<vmem>>[vector<16xi32>, vector<16xi32>], vector<16xf32>,
      %broadcast_in_dim3A_198 = arith.constant 48 : i32
      %broadcast_in_dim3A_199 = vector.broadcast %broadcast_in_dim3A_198 : i32 to vector<16xi32>
      %add3A_200 = arith.addi %broadcast_in_dim3A_199, %iota3A : vector<16xi32>
      %get3A_201 = arith.constant 48 : index
      %get3A_202 = tpu.vector_load %arg9[%get3A_201] {strides = array<i32>} : memref<128xi32, #tpu.memory_space<vmem>>, vector<16xi32>,
      %get3A_203 = arith.constant 48 : index
      %get3A_204 = tpu.vector_load %arg10[%get3A_203] {strides = array<i32>} : memref<128xi32, #tpu.memory_space<vmem>>, vector<16xi32>,
      %mul3A_205 = arith.constant 2 : i32
      %mul3A_206 = vector.broadcast %mul3A_205 : i32 to vector<16xi32>
      %mul3A_207 = arith.muli %get3A_202, %mul3A_206 : vector<16xi32>
      %gather3A_208 = tpu.vector_load_idx %arg8[%mul3A_207] : memref<20000xf32, #tpu.memory_space<vmem>>[vector<16xi32>], vector<16xf32>,
      %mul3A_209 = arith.constant 2 : i32
      %mul3A_210 = vector.broadcast %mul3A_209 : i32 to vector<16xi32>
      %mul3A_211 = arith.muli %get3A_204, %mul3A_210 : vector<16xi32>
      %add3A_212 = arith.constant 1 : i32
      %add3A_213 = vector.broadcast %add3A_212 : i32 to vector<16xi32>
      %add3A_214 = arith.addi %mul3A_211, %add3A_213 : vector<16xi32>
      %gather3A_215 = tpu.vector_load_idx %arg8[%add3A_214] : memref<20000xf32, #tpu.memory_space<vmem>>[vector<16xi32>], vector<16xf32>,
      %add3A_216 = arith.addf %gather3A_208, %gather3A_215 : vector<16xf32>
      %ge3A_217 = arith.constant 0.000000e+00 : f32
      %ge3A_218 = vector.broadcast %ge3A_217 : f32 to vector<16xf32>
      %ge3A_219 = arith.cmpf oge, %add3A_216, %ge3A_218 : vector<16xf32>
      %mul3A_220 = arith.constant 2.000000e-01 : f32
      %mul3A_221 = vector.broadcast %mul3A_220 : f32 to vector<16xf32>
      %mul3A_222 = arith.mulf %add3A_216, %mul3A_221 : vector<16xf32>
      %select_n3A_223 = arith.select %ge3A_219, %add3A_216, %mul3A_222 : vector<16xi1>, vector<16xf32>
      %exp3A_224 = math.exp %select_n3A_223 : vector<16xf32>
      %mul3A_225 = arith.constant 10368 : i32
      %mul3A_226 = arith.muli %add3A, %mul3A_225 : i32
      %mul3A_227 = arith.constant 128 : i32
      %mul3A_228 = arith.muli %scan3A_64, %mul3A_227 : i32
      %add3A_229 = arith.addi %mul3A_226, %mul3A_228 : i32
      %add3A_230 = arith.constant 48 : i32
      %add3A_231 = arith.addi %add3A_229, %add3A_230 : i32
      %add3A_232 = vector.broadcast %add3A_231 : i32 to vector<16xi32>
      %add3A_233 = arith.addi %add3A_232, %iota3A : vector<16xi32>
      %lt3A_234 = arith.constant 330000 : i32
      %lt3A_235 = vector.broadcast %lt3A_234 : i32 to vector<16xi32>
      %lt3A_236 = arith.cmpi slt, %add3A_233, %lt3A_235 : vector<16xi32>
      %jit3A_237 = arith.constant 0.000000e+00 : f32
      %broadcast_in_dim3A_238 = vector.broadcast %jit3A_237 : f32 to vector<16xf32>
      %select_n3A_239 = arith.select %lt3A_236, %exp3A_224, %broadcast_in_dim3A_238 : vector<16xi1>, vector<16xf32>
      %swap3A_240 = arith.constant 48 : index
      %swap3A_241 = tpu.vector_load %arg11[%swap3A_240] {strides = array<i32>} : memref<128xf32, #tpu.memory_space<vmem>>, vector<16xf32>,
      tpu.vector_store %arg11[%swap3A_240], %select_n3A_239 {strides = array<i32>} : memref<128xf32, #tpu.memory_space<vmem>>, vector<16xf32>,
      %broadcast_in_dim3A_242 = arith.constant 0 : i32
      %broadcast_in_dim3A_243 = vector.broadcast %broadcast_in_dim3A_242 : i32 to vector<16xi32>
      tpu.vector_store_idx %arg12[%add3A_200, %broadcast_in_dim3A_243], %select_n3A_239 : memref<128x16xf32, #tpu.memory_space<vmem>>[vector<16xi32>, vector<16xi32>], vector<16xf32>,
      %broadcast_in_dim3A_244 = arith.constant 64 : i32
      %broadcast_in_dim3A_245 = vector.broadcast %broadcast_in_dim3A_244 : i32 to vector<16xi32>
      %add3A_246 = arith.addi %broadcast_in_dim3A_245, %iota3A : vector<16xi32>
      %get3A_247 = arith.constant 64 : index
      %get3A_248 = tpu.vector_load %arg9[%get3A_247] {strides = array<i32>} : memref<128xi32, #tpu.memory_space<vmem>>, vector<16xi32>,
      %get3A_249 = arith.constant 64 : index
      %get3A_250 = tpu.vector_load %arg10[%get3A_249] {strides = array<i32>} : memref<128xi32, #tpu.memory_space<vmem>>, vector<16xi32>,
      %mul3A_251 = arith.constant 2 : i32
      %mul3A_252 = vector.broadcast %mul3A_251 : i32 to vector<16xi32>
      %mul3A_253 = arith.muli %get3A_248, %mul3A_252 : vector<16xi32>
      %gather3A_254 = tpu.vector_load_idx %arg8[%mul3A_253] : memref<20000xf32, #tpu.memory_space<vmem>>[vector<16xi32>], vector<16xf32>,
      %mul3A_255 = arith.constant 2 : i32
      %mul3A_256 = vector.broadcast %mul3A_255 : i32 to vector<16xi32>
      %mul3A_257 = arith.muli %get3A_250, %mul3A_256 : vector<16xi32>
      %add3A_258 = arith.constant 1 : i32
      %add3A_259 = vector.broadcast %add3A_258 : i32 to vector<16xi32>
      %add3A_260 = arith.addi %mul3A_257, %add3A_259 : vector<16xi32>
      %gather3A_261 = tpu.vector_load_idx %arg8[%add3A_260] : memref<20000xf32, #tpu.memory_space<vmem>>[vector<16xi32>], vector<16xf32>,
      %add3A_262 = arith.addf %gather3A_254, %gather3A_261 : vector<16xf32>
      %ge3A_263 = arith.constant 0.000000e+00 : f32
      %ge3A_264 = vector.broadcast %ge3A_263 : f32 to vector<16xf32>
      %ge3A_265 = arith.cmpf oge, %add3A_262, %ge3A_264 : vector<16xf32>
      %mul3A_266 = arith.constant 2.000000e-01 : f32
      %mul3A_267 = vector.broadcast %mul3A_266 : f32 to vector<16xf32>
      %mul3A_268 = arith.mulf %add3A_262, %mul3A_267 : vector<16xf32>
      %select_n3A_269 = arith.select %ge3A_265, %add3A_262, %mul3A_268 : vector<16xi1>, vector<16xf32>
      %exp3A_270 = math.exp %select_n3A_269 : vector<16xf32>
      %mul3A_271 = arith.constant 10368 : i32
      %mul3A_272 = arith.muli %add3A, %mul3A_271 : i32
      %mul3A_273 = arith.constant 128 : i32
      %mul3A_274 = arith.muli %scan3A_64, %mul3A_273 : i32
      %add3A_275 = arith.addi %mul3A_272, %mul3A_274 : i32
      %add3A_276 = arith.constant 64 : i32
      %add3A_277 = arith.addi %add3A_275, %add3A_276 : i32
      %add3A_278 = vector.broadcast %add3A_277 : i32 to vector<16xi32>
      %add3A_279 = arith.addi %add3A_278, %iota3A : vector<16xi32>
      %lt3A_280 = arith.constant 330000 : i32
      %lt3A_281 = vector.broadcast %lt3A_280 : i32 to vector<16xi32>
      %lt3A_282 = arith.cmpi slt, %add3A_279, %lt3A_281 : vector<16xi32>
      %jit3A_283 = arith.constant 0.000000e+00 : f32
      %broadcast_in_dim3A_284 = vector.broadcast %jit3A_283 : f32 to vector<16xf32>
      %select_n3A_285 = arith.select %lt3A_282, %exp3A_270, %broadcast_in_dim3A_284 : vector<16xi1>, vector<16xf32>
      %swap3A_286 = arith.constant 64 : index
      %swap3A_287 = tpu.vector_load %arg11[%swap3A_286] {strides = array<i32>} : memref<128xf32, #tpu.memory_space<vmem>>, vector<16xf32>,
      tpu.vector_store %arg11[%swap3A_286], %select_n3A_285 {strides = array<i32>} : memref<128xf32, #tpu.memory_space<vmem>>, vector<16xf32>,
      %broadcast_in_dim3A_288 = arith.constant 0 : i32
      %broadcast_in_dim3A_289 = vector.broadcast %broadcast_in_dim3A_288 : i32 to vector<16xi32>
      tpu.vector_store_idx %arg12[%add3A_246, %broadcast_in_dim3A_289], %select_n3A_285 : memref<128x16xf32, #tpu.memory_space<vmem>>[vector<16xi32>, vector<16xi32>], vector<16xf32>,
      %broadcast_in_dim3A_290 = arith.constant 80 : i32
      %broadcast_in_dim3A_291 = vector.broadcast %broadcast_in_dim3A_290 : i32 to vector<16xi32>
      %add3A_292 = arith.addi %broadcast_in_dim3A_291, %iota3A : vector<16xi32>
      %get3A_293 = arith.constant 80 : index
      %get3A_294 = tpu.vector_load %arg9[%get3A_293] {strides = array<i32>} : memref<128xi32, #tpu.memory_space<vmem>>, vector<16xi32>,
      %get3A_295 = arith.constant 80 : index
      %get3A_296 = tpu.vector_load %arg10[%get3A_295] {strides = array<i32>} : memref<128xi32, #tpu.memory_space<vmem>>, vector<16xi32>,
      %mul3A_297 = arith.constant 2 : i32
      %mul3A_298 = vector.broadcast %mul3A_297 : i32 to vector<16xi32>
      %mul3A_299 = arith.muli %get3A_294, %mul3A_298 : vector<16xi32>
      %gather3A_300 = tpu.vector_load_idx %arg8[%mul3A_299] : memref<20000xf32, #tpu.memory_space<vmem>>[vector<16xi32>], vector<16xf32>,
      %mul3A_301 = arith.constant 2 : i32
      %mul3A_302 = vector.broadcast %mul3A_301 : i32 to vector<16xi32>
      %mul3A_303 = arith.muli %get3A_296, %mul3A_302 : vector<16xi32>
      %add3A_304 = arith.constant 1 : i32
      %add3A_305 = vector.broadcast %add3A_304 : i32 to vector<16xi32>
      %add3A_306 = arith.addi %mul3A_303, %add3A_305 : vector<16xi32>
      %gather3A_307 = tpu.vector_load_idx %arg8[%add3A_306] : memref<20000xf32, #tpu.memory_space<vmem>>[vector<16xi32>], vector<16xf32>,
      %add3A_308 = arith.addf %gather3A_300, %gather3A_307 : vector<16xf32>
      %ge3A_309 = arith.constant 0.000000e+00 : f32
      %ge3A_310 = vector.broadcast %ge3A_309 : f32 to vector<16xf32>
      %ge3A_311 = arith.cmpf oge, %add3A_308, %ge3A_310 : vector<16xf32>
      %mul3A_312 = arith.constant 2.000000e-01 : f32
      %mul3A_313 = vector.broadcast %mul3A_312 : f32 to vector<16xf32>
      %mul3A_314 = arith.mulf %add3A_308, %mul3A_313 : vector<16xf32>
      %select_n3A_315 = arith.select %ge3A_311, %add3A_308, %mul3A_314 : vector<16xi1>, vector<16xf32>
      %exp3A_316 = math.exp %select_n3A_315 : vector<16xf32>
      %mul3A_317 = arith.constant 10368 : i32
      %mul3A_318 = arith.muli %add3A, %mul3A_317 : i32
      %mul3A_319 = arith.constant 128 : i32
      %mul3A_320 = arith.muli %scan3A_64, %mul3A_319 : i32
      %add3A_321 = arith.addi %mul3A_318, %mul3A_320 : i32
      %add3A_322 = arith.constant 80 : i32
      %add3A_323 = arith.addi %add3A_321, %add3A_322 : i32
      %add3A_324 = vector.broadcast %add3A_323 : i32 to vector<16xi32>
      %add3A_325 = arith.addi %add3A_324, %iota3A : vector<16xi32>
      %lt3A_326 = arith.constant 330000 : i32
      %lt3A_327 = vector.broadcast %lt3A_326 : i32 to vector<16xi32>
      %lt3A_328 = arith.cmpi slt, %add3A_325, %lt3A_327 : vector<16xi32>
      %jit3A_329 = arith.constant 0.000000e+00 : f32
      %broadcast_in_dim3A_330 = vector.broadcast %jit3A_329 : f32 to vector<16xf32>
      %select_n3A_331 = arith.select %lt3A_328, %exp3A_316, %broadcast_in_dim3A_330 : vector<16xi1>, vector<16xf32>
      %swap3A_332 = arith.constant 80 : index
      %swap3A_333 = tpu.vector_load %arg11[%swap3A_332] {strides = array<i32>} : memref<128xf32, #tpu.memory_space<vmem>>, vector<16xf32>,
      tpu.vector_store %arg11[%swap3A_332], %select_n3A_331 {strides = array<i32>} : memref<128xf32, #tpu.memory_space<vmem>>, vector<16xf32>,
      %broadcast_in_dim3A_334 = arith.constant 0 : i32
      %broadcast_in_dim3A_335 = vector.broadcast %broadcast_in_dim3A_334 : i32 to vector<16xi32>
      tpu.vector_store_idx %arg12[%add3A_292, %broadcast_in_dim3A_335], %select_n3A_331 : memref<128x16xf32, #tpu.memory_space<vmem>>[vector<16xi32>, vector<16xi32>], vector<16xf32>,
      %broadcast_in_dim3A_336 = arith.constant 96 : i32
      %broadcast_in_dim3A_337 = vector.broadcast %broadcast_in_dim3A_336 : i32 to vector<16xi32>
      %add3A_338 = arith.addi %broadcast_in_dim3A_337, %iota3A : vector<16xi32>
      %get3A_339 = arith.constant 96 : index
      %get3A_340 = tpu.vector_load %arg9[%get3A_339] {strides = array<i32>} : memref<128xi32, #tpu.memory_space<vmem>>, vector<16xi32>,
      %get3A_341 = arith.constant 96 : index
      %get3A_342 = tpu.vector_load %arg10[%get3A_341] {strides = array<i32>} : memref<128xi32, #tpu.memory_space<vmem>>, vector<16xi32>,
      %mul3A_343 = arith.constant 2 : i32
      %mul3A_344 = vector.broadcast %mul3A_343 : i32 to vector<16xi32>
      %mul3A_345 = arith.muli %get3A_340, %mul3A_344 : vector<16xi32>
      %gather3A_346 = tpu.vector_load_idx %arg8[%mul3A_345] : memref<20000xf32, #tpu.memory_space<vmem>>[vector<16xi32>], vector<16xf32>,
      %mul3A_347 = arith.constant 2 : i32
      %mul3A_348 = vector.broadcast %mul3A_347 : i32 to vector<16xi32>
      %mul3A_349 = arith.muli %get3A_342, %mul3A_348 : vector<16xi32>
      %add3A_350 = arith.constant 1 : i32
      %add3A_351 = vector.broadcast %add3A_350 : i32 to vector<16xi32>
      %add3A_352 = arith.addi %mul3A_349, %add3A_351 : vector<16xi32>
      %gather3A_353 = tpu.vector_load_idx %arg8[%add3A_352] : memref<20000xf32, #tpu.memory_space<vmem>>[vector<16xi32>], vector<16xf32>,
      %add3A_354 = arith.addf %gather3A_346, %gather3A_353 : vector<16xf32>
      %ge3A_355 = arith.constant 0.000000e+00 : f32
      %ge3A_356 = vector.broadcast %ge3A_355 : f32 to vector<16xf32>
      %ge3A_357 = arith.cmpf oge, %add3A_354, %ge3A_356 : vector<16xf32>
      %mul3A_358 = arith.constant 2.000000e-01 : f32
      %mul3A_359 = vector.broadcast %mul3A_358 : f32 to vector<16xf32>
      %mul3A_360 = arith.mulf %add3A_354, %mul3A_359 : vector<16xf32>
      %select_n3A_361 = arith.select %ge3A_357, %add3A_354, %mul3A_360 : vector<16xi1>, vector<16xf32>
      %exp3A_362 = math.exp %select_n3A_361 : vector<16xf32>
      %mul3A_363 = arith.constant 10368 : i32
      %mul3A_364 = arith.muli %add3A, %mul3A_363 : i32
      %mul3A_365 = arith.constant 128 : i32
      %mul3A_366 = arith.muli %scan3A_64, %mul3A_365 : i32
      %add3A_367 = arith.addi %mul3A_364, %mul3A_366 : i32
      %add3A_368 = arith.constant 96 : i32
      %add3A_369 = arith.addi %add3A_367, %add3A_368 : i32
      %add3A_370 = vector.broadcast %add3A_369 : i32 to vector<16xi32>
      %add3A_371 = arith.addi %add3A_370, %iota3A : vector<16xi32>
      %lt3A_372 = arith.constant 330000 : i32
      %lt3A_373 = vector.broadcast %lt3A_372 : i32 to vector<16xi32>
      %lt3A_374 = arith.cmpi slt, %add3A_371, %lt3A_373 : vector<16xi32>
      %jit3A_375 = arith.constant 0.000000e+00 : f32
      %broadcast_in_dim3A_376 = vector.broadcast %jit3A_375 : f32 to vector<16xf32>
      %select_n3A_377 = arith.select %lt3A_374, %exp3A_362, %broadcast_in_dim3A_376 : vector<16xi1>, vector<16xf32>
      %swap3A_378 = arith.constant 96 : index
      %swap3A_379 = tpu.vector_load %arg11[%swap3A_378] {strides = array<i32>} : memref<128xf32, #tpu.memory_space<vmem>>, vector<16xf32>,
      tpu.vector_store %arg11[%swap3A_378], %select_n3A_377 {strides = array<i32>} : memref<128xf32, #tpu.memory_space<vmem>>, vector<16xf32>,
      %broadcast_in_dim3A_380 = arith.constant 0 : i32
      %broadcast_in_dim3A_381 = vector.broadcast %broadcast_in_dim3A_380 : i32 to vector<16xi32>
      tpu.vector_store_idx %arg12[%add3A_338, %broadcast_in_dim3A_381], %select_n3A_377 : memref<128x16xf32, #tpu.memory_space<vmem>>[vector<16xi32>, vector<16xi32>], vector<16xf32>,
      %broadcast_in_dim3A_382 = arith.constant 112 : i32
      %broadcast_in_dim3A_383 = vector.broadcast %broadcast_in_dim3A_382 : i32 to vector<16xi32>
      %add3A_384 = arith.addi %broadcast_in_dim3A_383, %iota3A : vector<16xi32>
      %get3A_385 = arith.constant 112 : index
      %get3A_386 = tpu.vector_load %arg9[%get3A_385] {strides = array<i32>} : memref<128xi32, #tpu.memory_space<vmem>>, vector<16xi32>,
      %get3A_387 = arith.constant 112 : index
      %get3A_388 = tpu.vector_load %arg10[%get3A_387] {strides = array<i32>} : memref<128xi32, #tpu.memory_space<vmem>>, vector<16xi32>,
      %mul3A_389 = arith.constant 2 : i32
      %mul3A_390 = vector.broadcast %mul3A_389 : i32 to vector<16xi32>
      %mul3A_391 = arith.muli %get3A_386, %mul3A_390 : vector<16xi32>
      %gather3A_392 = tpu.vector_load_idx %arg8[%mul3A_391] : memref<20000xf32, #tpu.memory_space<vmem>>[vector<16xi32>], vector<16xf32>,
      %mul3A_393 = arith.constant 2 : i32
      %mul3A_394 = vector.broadcast %mul3A_393 : i32 to vector<16xi32>
      %mul3A_395 = arith.muli %get3A_388, %mul3A_394 : vector<16xi32>
      %add3A_396 = arith.constant 1 : i32
      %add3A_397 = vector.broadcast %add3A_396 : i32 to vector<16xi32>
      %add3A_398 = arith.addi %mul3A_395, %add3A_397 : vector<16xi32>
      %gather3A_399 = tpu.vector_load_idx %arg8[%add3A_398] : memref<20000xf32, #tpu.memory_space<vmem>>[vector<16xi32>], vector<16xf32>,
      %add3A_400 = arith.addf %gather3A_392, %gather3A_399 : vector<16xf32>
      %ge3A_401 = arith.constant 0.000000e+00 : f32
      %ge3A_402 = vector.broadcast %ge3A_401 : f32 to vector<16xf32>
      %ge3A_403 = arith.cmpf oge, %add3A_400, %ge3A_402 : vector<16xf32>
      %mul3A_404 = arith.constant 2.000000e-01 : f32
      %mul3A_405 = vector.broadcast %mul3A_404 : f32 to vector<16xf32>
      %mul3A_406 = arith.mulf %add3A_400, %mul3A_405 : vector<16xf32>
      %select_n3A_407 = arith.select %ge3A_403, %add3A_400, %mul3A_406 : vector<16xi1>, vector<16xf32>
      %exp3A_408 = math.exp %select_n3A_407 : vector<16xf32>
      %mul3A_409 = arith.constant 10368 : i32
      %mul3A_410 = arith.muli %add3A, %mul3A_409 : i32
      %mul3A_411 = arith.constant 128 : i32
      %mul3A_412 = arith.muli %scan3A_64, %mul3A_411 : i32
      %add3A_413 = arith.addi %mul3A_410, %mul3A_412 : i32
      %add3A_414 = arith.constant 112 : i32
      %add3A_415 = arith.addi %add3A_413, %add3A_414 : i32
      %add3A_416 = vector.broadcast %add3A_415 : i32 to vector<16xi32>
      %add3A_417 = arith.addi %add3A_416, %iota3A : vector<16xi32>
      %lt3A_418 = arith.constant 330000 : i32
      %lt3A_419 = vector.broadcast %lt3A_418 : i32 to vector<16xi32>
      %lt3A_420 = arith.cmpi slt, %add3A_417, %lt3A_419 : vector<16xi32>
      %jit3A_421 = arith.constant 0.000000e+00 : f32
      %broadcast_in_dim3A_422 = vector.broadcast %jit3A_421 : f32 to vector<16xf32>
      %select_n3A_423 = arith.select %lt3A_420, %exp3A_408, %broadcast_in_dim3A_422 : vector<16xi1>, vector<16xf32>
      %swap3A_424 = arith.constant 112 : index
      %swap3A_425 = tpu.vector_load %arg11[%swap3A_424] {strides = array<i32>} : memref<128xf32, #tpu.memory_space<vmem>>, vector<16xf32>,
      tpu.vector_store %arg11[%swap3A_424], %select_n3A_423 {strides = array<i32>} : memref<128xf32, #tpu.memory_space<vmem>>, vector<16xf32>,
      %broadcast_in_dim3A_426 = arith.constant 0 : i32
      %broadcast_in_dim3A_427 = vector.broadcast %broadcast_in_dim3A_426 : i32 to vector<16xi32>
      tpu.vector_store_idx %arg12[%add3A_384, %broadcast_in_dim3A_427], %select_n3A_423 : memref<128x16xf32, #tpu.memory_space<vmem>>[vector<16xi32>, vector<16xi32>], vector<16xf32>,
      %dma_wait3A = arith.constant 0 : i32
      %dma_wait3A_428 = arith.constant 0 : i32
      %dma_wait3A_429 = tpu.memref_slice %arg5[%dma_wait3A, %dma_wait3A_428] : memref<10000x128xf32, #tpu.memory_space<hbm>> -> memref<10000x128xf32, #tpu.memory_space<hbm>>
      tpu.wait_indirect_dma semaphore(%arg16 : memref<!tpu.dma_semaphore, #tpu.memory_space<semaphore_mem>>) src(%dma_wait3A_429 : memref<10000x128xf32, #tpu.memory_space<hbm>>) dst(%arg13 : memref<128x128xf32, #tpu.memory_space<vmem>>)
      %scan3A_430 = arith.constant 0 : i32
      %scan3A_431 = arith.constant 0 : i32
      %scan3A_432 = arith.constant 32 : i32
      %scan3A_433 = arith.addi %scan3A_431, %scan3A_432 : i32
      %scan3A_434 = arith.constant 1 : i32
      %scan3A_435 = scf.for %scan3A_438 = %scan3A_431 to %scan3A_433 step %scan3A_434 iter_args(%scan3A_439 = %scan3A_430) -> (i32)  : i32 {
        %mul3A_440 = arith.constant 4 : i32
        %mul3A_441 = arith.muli %scan3A_438, %mul3A_440 : i32
        %add3A_442 = arith.constant 0 : i32
        %add3A_443 = arith.addi %mul3A_441, %add3A_442 : i32
        %broadcast_in_dim3A_444 = vector.broadcast %add3A_443 : i32 to vector<16xi32>
        %gather3A_445 = tpu.vector_load_idx %arg11[%broadcast_in_dim3A_444] : memref<128xf32, #tpu.memory_space<vmem>>[vector<16xi32>], vector<16xf32>,
        %get3A_446 = arith.index_cast %add3A_443 : i32 to index
        %get3A_447 = arith.constant 0 : index
        %get3A_448 = tpu.vector_load %arg13[%get3A_446, %get3A_447] {strides = array<i32>} : memref<128x128xf32, #tpu.memory_space<vmem>>, vector<16xf32>,
        %mul3A_449 = arith.mulf %get3A_448, %gather3A_445 : vector<16xf32>
        %swap3A_450 = arith.index_cast %add3A_443 : i32 to index
        %swap3A_451 = arith.constant 0 : index
        %swap3A_452 = tpu.vector_load %arg13[%swap3A_450, %swap3A_451] {strides = array<i32>} : memref<128x128xf32, #tpu.memory_space<vmem>>, vector<16xf32>,
        tpu.vector_store %arg13[%swap3A_450, %swap3A_451], %mul3A_449 {strides = array<i32>} : memref<128x128xf32, #tpu.memory_space<vmem>>, vector<16xf32>,
        %get3A_453 = arith.index_cast %add3A_443 : i32 to index
        %get3A_454 = arith.constant 16 : index
        %get3A_455 = tpu.vector_load %arg13[%get3A_453, %get3A_454] {strides = array<i32>} : memref<128x128xf32, #tpu.memory_space<vmem>>, vector<16xf32>,
        %mul3A_456 = arith.mulf %get3A_455, %gather3A_445 : vector<16xf32>
        %swap3A_457 = arith.index_cast %add3A_443 : i32 to index
        %swap3A_458 = arith.constant 16 : index
        %swap3A_459 = tpu.vector_load %arg13[%swap3A_457, %swap3A_458] {strides = array<i32>} : memref<128x128xf32, #tpu.memory_space<vmem>>, vector<16xf32>,
        tpu.vector_store %arg13[%swap3A_457, %swap3A_458], %mul3A_456 {strides = array<i32>} : memref<128x128xf32, #tpu.memory_space<vmem>>, vector<16xf32>,
        %get3A_460 = arith.index_cast %add3A_443 : i32 to index
        %get3A_461 = arith.constant 32 : index
        %get3A_462 = tpu.vector_load %arg13[%get3A_460, %get3A_461] {strides = array<i32>} : memref<128x128xf32, #tpu.memory_space<vmem>>, vector<16xf32>,
        %mul3A_463 = arith.mulf %get3A_462, %gather3A_445 : vector<16xf32>
        %swap3A_464 = arith.index_cast %add3A_443 : i32 to index
        %swap3A_465 = arith.constant 32 : index
        %swap3A_466 = tpu.vector_load %arg13[%swap3A_464, %swap3A_465] {strides = array<i32>} : memref<128x128xf32, #tpu.memory_space<vmem>>, vector<16xf32>,
        tpu.vector_store %arg13[%swap3A_464, %swap3A_465], %mul3A_463 {strides = array<i32>} : memref<128x128xf32, #tpu.memory_space<vmem>>, vector<16xf32>,
        %get3A_467 = arith.index_cast %add3A_443 : i32 to index
        %get3A_468 = arith.constant 48 : index
        %get3A_469 = tpu.vector_load %arg13[%get3A_467, %get3A_468] {strides = array<i32>} : memref<128x128xf32, #tpu.memory_space<vmem>>, vector<16xf32>,
        %mul3A_470 = arith.mulf %get3A_469, %gather3A_445 : vector<16xf32>
        %swap3A_471 = arith.index_cast %add3A_443 : i32 to index
        %swap3A_472 = arith.constant 48 : index
        %swap3A_473 = tpu.vector_load %arg13[%swap3A_471, %swap3A_472] {strides = array<i32>} : memref<128x128xf32, #tpu.memory_space<vmem>>, vector<16xf32>,
        tpu.vector_store %arg13[%swap3A_471, %swap3A_472], %mul3A_470 {strides = array<i32>} : memref<128x128xf32, #tpu.memory_space<vmem>>, vector<16xf32>,
        %get3A_474 = arith.index_cast %add3A_443 : i32 to index
        %get3A_475 = arith.constant 64 : index
        %get3A_476 = tpu.vector_load %arg13[%get3A_474, %get3A_475] {strides = array<i32>} : memref<128x128xf32, #tpu.memory_space<vmem>>, vector<16xf32>,
        %mul3A_477 = arith.mulf %get3A_476, %gather3A_445 : vector<16xf32>
        %swap3A_478 = arith.index_cast %add3A_443 : i32 to index
        %swap3A_479 = arith.constant 64 : index
        %swap3A_480 = tpu.vector_load %arg13[%swap3A_478, %swap3A_479] {strides = array<i32>} : memref<128x128xf32, #tpu.memory_space<vmem>>, vector<16xf32>,
        tpu.vector_store %arg13[%swap3A_478, %swap3A_479], %mul3A_477 {strides = array<i32>} : memref<128x128xf32, #tpu.memory_space<vmem>>, vector<16xf32>,
        %get3A_481 = arith.index_cast %add3A_443 : i32 to index
        %get3A_482 = arith.constant 80 : index
        %get3A_483 = tpu.vector_load %arg13[%get3A_481, %get3A_482] {strides = array<i32>} : memref<128x128xf32, #tpu.memory_space<vmem>>, vector<16xf32>,
        %mul3A_484 = arith.mulf %get3A_483, %gather3A_445 : vector<16xf32>
        %swap3A_485 = arith.index_cast %add3A_443 : i32 to index
        %swap3A_486 = arith.constant 80 : index
        %swap3A_487 = tpu.vector_load %arg13[%swap3A_485, %swap3A_486] {strides = array<i32>} : memref<128x128xf32, #tpu.memory_space<vmem>>, vector<16xf32>,
        tpu.vector_store %arg13[%swap3A_485, %swap3A_486], %mul3A_484 {strides = array<i32>} : memref<128x128xf32, #tpu.memory_space<vmem>>, vector<16xf32>,
        %get3A_488 = arith.index_cast %add3A_443 : i32 to index
        %get3A_489 = arith.constant 96 : index
        %get3A_490 = tpu.vector_load %arg13[%get3A_488, %get3A_489] {strides = array<i32>} : memref<128x128xf32, #tpu.memory_space<vmem>>, vector<16xf32>,
        %mul3A_491 = arith.mulf %get3A_490, %gather3A_445 : vector<16xf32>
        %swap3A_492 = arith.index_cast %add3A_443 : i32 to index
        %swap3A_493 = arith.constant 96 : index
        %swap3A_494 = tpu.vector_load %arg13[%swap3A_492, %swap3A_493] {strides = array<i32>} : memref<128x128xf32, #tpu.memory_space<vmem>>, vector<16xf32>,
        tpu.vector_store %arg13[%swap3A_492, %swap3A_493], %mul3A_491 {strides = array<i32>} : memref<128x128xf32, #tpu.memory_space<vmem>>, vector<16xf32>,
        %get3A_495 = arith.index_cast %add3A_443 : i32 to index
        %get3A_496 = arith.constant 112 : index
        %get3A_497 = tpu.vector_load %arg13[%get3A_495, %get3A_496] {strides = array<i32>} : memref<128x128xf32, #tpu.memory_space<vmem>>, vector<16xf32>,
        %mul3A_498 = arith.mulf %get3A_497, %gather3A_445 : vector<16xf32>
        %swap3A_499 = arith.index_cast %add3A_443 : i32 to index
        %swap3A_500 = arith.constant 112 : index
        %swap3A_501 = tpu.vector_load %arg13[%swap3A_499, %swap3A_500] {strides = array<i32>} : memref<128x128xf32, #tpu.memory_space<vmem>>, vector<16xf32>,
        tpu.vector_store %arg13[%swap3A_499, %swap3A_500], %mul3A_498 {strides = array<i32>} : memref<128x128xf32, #tpu.memory_space<vmem>>, vector<16xf32>,
        %mul3A_502 = arith.constant 4 : i32
        %mul3A_503 = arith.muli %scan3A_438, %mul3A_502 : i32
        %add3A_504 = arith.constant 1 : i32
        %add3A_505 = arith.addi %mul3A_503, %add3A_504 : i32
        %broadcast_in_dim3A_506 = vector.broadcast %add3A_505 : i32 to vector<16xi32>
        %gather3A_507 = tpu.vector_load_idx %arg11[%broadcast_in_dim3A_506] : memref<128xf32, #tpu.memory_space<vmem>>[vector<16xi32>], vector<16xf32>,
        %get3A_508 = arith.index_cast %add3A_505 : i32 to index
        %get3A_509 = arith.constant 0 : index
        %get3A_510 = tpu.vector_load %arg13[%get3A_508, %get3A_509] {strides = array<i32>} : memref<128x128xf32, #tpu.memory_space<vmem>>, vector<16xf32>,
        %mul3A_511 = arith.mulf %get3A_510, %gather3A_507 : vector<16xf32>
        %swap3A_512 = arith.index_cast %add3A_505 : i32 to index
        %swap3A_513 = arith.constant 0 : index
        %swap3A_514 = tpu.vector_load %arg13[%swap3A_512, %swap3A_513] {strides = array<i32>} : memref<128x128xf32, #tpu.memory_space<vmem>>, vector<16xf32>,
        tpu.vector_store %arg13[%swap3A_512, %swap3A_513], %mul3A_511 {strides = array<i32>} : memref<128x128xf32, #tpu.memory_space<vmem>>, vector<16xf32>,
        %get3A_515 = arith.index_cast %add3A_505 : i32 to index
        %get3A_516 = arith.constant 16 : index
        %get3A_517 = tpu.vector_load %arg13[%get3A_515, %get3A_516] {strides = array<i32>} : memref<128x128xf32, #tpu.memory_space<vmem>>, vector<16xf32>,
        %mul3A_518 = arith.mulf %get3A_517, %gather3A_507 : vector<16xf32>
        %swap3A_519 = arith.index_cast %add3A_505 : i32 to index
        %swap3A_520 = arith.constant 16 : index
        %swap3A_521 = tpu.vector_load %arg13[%swap3A_519, %swap3A_520] {strides = array<i32>} : memref<128x128xf32, #tpu.memory_space<vmem>>, vector<16xf32>,
        tpu.vector_store %arg13[%swap3A_519, %swap3A_520], %mul3A_518 {strides = array<i32>} : memref<128x128xf32, #tpu.memory_space<vmem>>, vector<16xf32>,
        %get3A_522 = arith.index_cast %add3A_505 : i32 to index
        %get3A_523 = arith.constant 32 : index
        %get3A_524 = tpu.vector_load %arg13[%get3A_522, %get3A_523] {strides = array<i32>} : memref<128x128xf32, #tpu.memory_space<vmem>>, vector<16xf32>,
        %mul3A_525 = arith.mulf %get3A_524, %gather3A_507 : vector<16xf32>
        %swap3A_526 = arith.index_cast %add3A_505 : i32 to index
        %swap3A_527 = arith.constant 32 : index
        %swap3A_528 = tpu.vector_load %arg13[%swap3A_526, %swap3A_527] {strides = array<i32>} : memref<128x128xf32, #tpu.memory_space<vmem>>, vector<16xf32>,
        tpu.vector_store %arg13[%swap3A_526, %swap3A_527], %mul3A_525 {strides = array<i32>} : memref<128x128xf32, #tpu.memory_space<vmem>>, vector<16xf32>,
        %get3A_529 = arith.index_cast %add3A_505 : i32 to index
        %get3A_530 = arith.constant 48 : index
        %get3A_531 = tpu.vector_load %arg13[%get3A_529, %get3A_530] {strides = array<i32>} : memref<128x128xf32, #tpu.memory_space<vmem>>, vector<16xf32>,
        %mul3A_532 = arith.mulf %get3A_531, %gather3A_507 : vector<16xf32>
        %swap3A_533 = arith.index_cast %add3A_505 : i32 to index
        %swap3A_534 = arith.constant 48 : index
        %swap3A_535 = tpu.vector_load %arg13[%swap3A_533, %swap3A_534] {strides = array<i32>} : memref<128x128xf32, #tpu.memory_space<vmem>>, vector<16xf32>,
        tpu.vector_store %arg13[%swap3A_533, %swap3A_534], %mul3A_532 {strides = array<i32>} : memref<128x128xf32, #tpu.memory_space<vmem>>, vector<16xf32>,
        %get3A_536 = arith.index_cast %add3A_505 : i32 to index
        %get3A_537 = arith.constant 64 : index
        %get3A_538 = tpu.vector_load %arg13[%get3A_536, %get3A_537] {strides = array<i32>} : memref<128x128xf32, #tpu.memory_space<vmem>>, vector<16xf32>,
        %mul3A_539 = arith.mulf %get3A_538, %gather3A_507 : vector<16xf32>
        %swap3A_540 = arith.index_cast %add3A_505 : i32 to index
        %swap3A_541 = arith.constant 64 : index
        %swap3A_542 = tpu.vector_load %arg13[%swap3A_540, %swap3A_541] {strides = array<i32>} : memref<128x128xf32, #tpu.memory_space<vmem>>, vector<16xf32>,
        tpu.vector_store %arg13[%swap3A_540, %swap3A_541], %mul3A_539 {strides = array<i32>} : memref<128x128xf32, #tpu.memory_space<vmem>>, vector<16xf32>,
        %get3A_543 = arith.index_cast %add3A_505 : i32 to index
        %get3A_544 = arith.constant 80 : index
        %get3A_545 = tpu.vector_load %arg13[%get3A_543, %get3A_544] {strides = array<i32>} : memref<128x128xf32, #tpu.memory_space<vmem>>, vector<16xf32>,
        %mul3A_546 = arith.mulf %get3A_545, %gather3A_507 : vector<16xf32>
        %swap3A_547 = arith.index_cast %add3A_505 : i32 to index
        %swap3A_548 = arith.constant 80 : index
        %swap3A_549 = tpu.vector_load %arg13[%swap3A_547, %swap3A_548] {strides = array<i32>} : memref<128x128xf32, #tpu.memory_space<vmem>>, vector<16xf32>,
        tpu.vector_store %arg13[%swap3A_547, %swap3A_548], %mul3A_546 {strides = array<i32>} : memref<128x128xf32, #tpu.memory_space<vmem>>, vector<16xf32>,
        %get3A_550 = arith.index_cast %add3A_505 : i32 to index
        %get3A_551 = arith.constant 96 : index
        %get3A_552 = tpu.vector_load %arg13[%get3A_550, %get3A_551] {strides = array<i32>} : memref<128x128xf32, #tpu.memory_space<vmem>>, vector<16xf32>,
        %mul3A_553 = arith.mulf %get3A_552, %gather3A_507 : vector<16xf32>
        %swap3A_554 = arith.index_cast %add3A_505 : i32 to index
        %swap3A_555 = arith.constant 96 : index
        %swap3A_556 = tpu.vector_load %arg13[%swap3A_554, %swap3A_555] {strides = array<i32>} : memref<128x128xf32, #tpu.memory_space<vmem>>, vector<16xf32>,
        tpu.vector_store %arg13[%swap3A_554, %swap3A_555], %mul3A_553 {strides = array<i32>} : memref<128x128xf32, #tpu.memory_space<vmem>>, vector<16xf32>,
        %get3A_557 = arith.index_cast %add3A_505 : i32 to index
        %get3A_558 = arith.constant 112 : index
        %get3A_559 = tpu.vector_load %arg13[%get3A_557, %get3A_558] {strides = array<i32>} : memref<128x128xf32, #tpu.memory_space<vmem>>, vector<16xf32>,
        %mul3A_560 = arith.mulf %get3A_559, %gather3A_507 : vector<16xf32>
        %swap3A_561 = arith.index_cast %add3A_505 : i32 to index
        %swap3A_562 = arith.constant 112 : index
        %swap3A_563 = tpu.vector_load %arg13[%swap3A_561, %swap3A_562] {strides = array<i32>} : memref<128x128xf32, #tpu.memory_space<vmem>>, vector<16xf32>,
        tpu.vector_store %arg13[%swap3A_561, %swap3A_562], %mul3A_560 {strides = array<i32>} : memref<128x128xf32, #tpu.memory_space<vmem>>, vector<16xf32>,
        %mul3A_564 = arith.constant 4 : i32
        %mul3A_565 = arith.muli %scan3A_438, %mul3A_564 : i32
        %add3A_566 = arith.constant 2 : i32
        %add3A_567 = arith.addi %mul3A_565, %add3A_566 : i32
        %broadcast_in_dim3A_568 = vector.broadcast %add3A_567 : i32 to vector<16xi32>
        %gather3A_569 = tpu.vector_load_idx %arg11[%broadcast_in_dim3A_568] : memref<128xf32, #tpu.memory_space<vmem>>[vector<16xi32>], vector<16xf32>,
        %get3A_570 = arith.index_cast %add3A_567 : i32 to index
        %get3A_571 = arith.constant 0 : index
        %get3A_572 = tpu.vector_load %arg13[%get3A_570, %get3A_571] {strides = array<i32>} : memref<128x128xf32, #tpu.memory_space<vmem>>, vector<16xf32>,
        %mul3A_573 = arith.mulf %get3A_572, %gather3A_569 : vector<16xf32>
        %swap3A_574 = arith.index_cast %add3A_567 : i32 to index
        %swap3A_575 = arith.constant 0 : index
        %swap3A_576 = tpu.vector_load %arg13[%swap3A_574, %swap3A_575] {strides = array<i32>} : memref<128x128xf32, #tpu.memory_space<vmem>>, vector<16xf32>,
        tpu.vector_store %arg13[%swap3A_574, %swap3A_575], %mul3A_573 {strides = array<i32>} : memref<128x128xf32, #tpu.memory_space<vmem>>, vector<16xf32>,
        %get3A_577 = arith.index_cast %add3A_567 : i32 to index
        %get3A_578 = arith.constant 16 : index
        %get3A_579 = tpu.vector_load %arg13[%get3A_577, %get3A_578] {strides = array<i32>} : memref<128x128xf32, #tpu.memory_space<vmem>>, vector<16xf32>,
        %mul3A_580 = arith.mulf %get3A_579, %gather3A_569 : vector<16xf32>
        %swap3A_581 = arith.index_cast %add3A_567 : i32 to index
        %swap3A_582 = arith.constant 16 : index
        %swap3A_583 = tpu.vector_load %arg13[%swap3A_581, %swap3A_582] {strides = array<i32>} : memref<128x128xf32, #tpu.memory_space<vmem>>, vector<16xf32>,
        tpu.vector_store %arg13[%swap3A_581, %swap3A_582], %mul3A_580 {strides = array<i32>} : memref<128x128xf32, #tpu.memory_space<vmem>>, vector<16xf32>,
        %get3A_584 = arith.index_cast %add3A_567 : i32 to index
        %get3A_585 = arith.constant 32 : index
        %get3A_586 = tpu.vector_load %arg13[%get3A_584, %get3A_585] {strides = array<i32>} : memref<128x128xf32, #tpu.memory_space<vmem>>, vector<16xf32>,
        %mul3A_587 = arith.mulf %get3A_586, %gather3A_569 : vector<16xf32>
        %swap3A_588 = arith.index_cast %add3A_567 : i32 to index
        %swap3A_589 = arith.constant 32 : index
        %swap3A_590 = tpu.vector_load %arg13[%swap3A_588, %swap3A_589] {strides = array<i32>} : memref<128x128xf32, #tpu.memory_space<vmem>>, vector<16xf32>,
        tpu.vector_store %arg13[%swap3A_588, %swap3A_589], %mul3A_587 {strides = array<i32>} : memref<128x128xf32, #tpu.memory_space<vmem>>, vector<16xf32>,
        %get3A_591 = arith.index_cast %add3A_567 : i32 to index
        %get3A_592 = arith.constant 48 : index
        %get3A_593 = tpu.vector_load %arg13[%get3A_591, %get3A_592] {strides = array<i32>} : memref<128x128xf32, #tpu.memory_space<vmem>>, vector<16xf32>,
        %mul3A_594 = arith.mulf %get3A_593, %gather3A_569 : vector<16xf32>
        %swap3A_595 = arith.index_cast %add3A_567 : i32 to index
        %swap3A_596 = arith.constant 48 : index
        %swap3A_597 = tpu.vector_load %arg13[%swap3A_595, %swap3A_596] {strides = array<i32>} : memref<128x128xf32, #tpu.memory_space<vmem>>, vector<16xf32>,
        tpu.vector_store %arg13[%swap3A_595, %swap3A_596], %mul3A_594 {strides = array<i32>} : memref<128x128xf32, #tpu.memory_space<vmem>>, vector<16xf32>,
        %get3A_598 = arith.index_cast %add3A_567 : i32 to index
        %get3A_599 = arith.constant 64 : index
        %get3A_600 = tpu.vector_load %arg13[%get3A_598, %get3A_599] {strides = array<i32>} : memref<128x128xf32, #tpu.memory_space<vmem>>, vector<16xf32>,
        %mul3A_601 = arith.mulf %get3A_600, %gather3A_569 : vector<16xf32>
        %swap3A_602 = arith.index_cast %add3A_567 : i32 to index
        %swap3A_603 = arith.constant 64 : index
        %swap3A_604 = tpu.vector_load %arg13[%swap3A_602, %swap3A_603] {strides = array<i32>} : memref<128x128xf32, #tpu.memory_space<vmem>>, vector<16xf32>,
        tpu.vector_store %arg13[%swap3A_602, %swap3A_603], %mul3A_601 {strides = array<i32>} : memref<128x128xf32, #tpu.memory_space<vmem>>, vector<16xf32>,
        %get3A_605 = arith.index_cast %add3A_567 : i32 to index
        %get3A_606 = arith.constant 80 : index
        %get3A_607 = tpu.vector_load %arg13[%get3A_605, %get3A_606] {strides = array<i32>} : memref<128x128xf32, #tpu.memory_space<vmem>>, vector<16xf32>,
        %mul3A_608 = arith.mulf %get3A_607, %gather3A_569 : vector<16xf32>
        %swap3A_609 = arith.index_cast %add3A_567 : i32 to index
        %swap3A_610 = arith.constant 80 : index
        %swap3A_611 = tpu.vector_load %arg13[%swap3A_609, %swap3A_610] {strides = array<i32>} : memref<128x128xf32, #tpu.memory_space<vmem>>, vector<16xf32>,
        tpu.vector_store %arg13[%swap3A_609, %swap3A_610], %mul3A_608 {strides = array<i32>} : memref<128x128xf32, #tpu.memory_space<vmem>>, vector<16xf32>,
        %get3A_612 = arith.index_cast %add3A_567 : i32 to index
        %get3A_613 = arith.constant 96 : index
        %get3A_614 = tpu.vector_load %arg13[%get3A_612, %get3A_613] {strides = array<i32>} : memref<128x128xf32, #tpu.memory_space<vmem>>, vector<16xf32>,
        %mul3A_615 = arith.mulf %get3A_614, %gather3A_569 : vector<16xf32>
        %swap3A_616 = arith.index_cast %add3A_567 : i32 to index
        %swap3A_617 = arith.constant 96 : index
        %swap3A_618 = tpu.vector_load %arg13[%swap3A_616, %swap3A_617] {strides = array<i32>} : memref<128x128xf32, #tpu.memory_space<vmem>>, vector<16xf32>,
        tpu.vector_store %arg13[%swap3A_616, %swap3A_617], %mul3A_615 {strides = array<i32>} : memref<128x128xf32, #tpu.memory_space<vmem>>, vector<16xf32>,
        %get3A_619 = arith.index_cast %add3A_567 : i32 to index
        %get3A_620 = arith.constant 112 : index
        %get3A_621 = tpu.vector_load %arg13[%get3A_619, %get3A_620] {strides = array<i32>} : memref<128x128xf32, #tpu.memory_space<vmem>>, vector<16xf32>,
        %mul3A_622 = arith.mulf %get3A_621, %gather3A_569 : vector<16xf32>
        %swap3A_623 = arith.index_cast %add3A_567 : i32 to index
        %swap3A_624 = arith.constant 112 : index
        %swap3A_625 = tpu.vector_load %arg13[%swap3A_623, %swap3A_624] {strides = array<i32>} : memref<128x128xf32, #tpu.memory_space<vmem>>, vector<16xf32>,
        tpu.vector_store %arg13[%swap3A_623, %swap3A_624], %mul3A_622 {strides = array<i32>} : memref<128x128xf32, #tpu.memory_space<vmem>>, vector<16xf32>,
        %mul3A_626 = arith.constant 4 : i32
        %mul3A_627 = arith.muli %scan3A_438, %mul3A_626 : i32
        %add3A_628 = arith.constant 3 : i32
        %add3A_629 = arith.addi %mul3A_627, %add3A_628 : i32
        %broadcast_in_dim3A_630 = vector.broadcast %add3A_629 : i32 to vector<16xi32>
        %gather3A_631 = tpu.vector_load_idx %arg11[%broadcast_in_dim3A_630] : memref<128xf32, #tpu.memory_space<vmem>>[vector<16xi32>], vector<16xf32>,
        %get3A_632 = arith.index_cast %add3A_629 : i32 to index
        %get3A_633 = arith.constant 0 : index
        %get3A_634 = tpu.vector_load %arg13[%get3A_632, %get3A_633] {strides = array<i32>} : memref<128x128xf32, #tpu.memory_space<vmem>>, vector<16xf32>,
        %mul3A_635 = arith.mulf %get3A_634, %gather3A_631 : vector<16xf32>
        %swap3A_636 = arith.index_cast %add3A_629 : i32 to index
        %swap3A_637 = arith.constant 0 : index
        %swap3A_638 = tpu.vector_load %arg13[%swap3A_636, %swap3A_637] {strides = array<i32>} : memref<128x128xf32, #tpu.memory_space<vmem>>, vector<16xf32>,
        tpu.vector_store %arg13[%swap3A_636, %swap3A_637], %mul3A_635 {strides = array<i32>} : memref<128x128xf32, #tpu.memory_space<vmem>>, vector<16xf32>,
        %get3A_639 = arith.index_cast %add3A_629 : i32 to index
        %get3A_640 = arith.constant 16 : index
        %get3A_641 = tpu.vector_load %arg13[%get3A_639, %get3A_640] {strides = array<i32>} : memref<128x128xf32, #tpu.memory_space<vmem>>, vector<16xf32>,
        %mul3A_642 = arith.mulf %get3A_641, %gather3A_631 : vector<16xf32>
        %swap3A_643 = arith.index_cast %add3A_629 : i32 to index
        %swap3A_644 = arith.constant 16 : index
        %swap3A_645 = tpu.vector_load %arg13[%swap3A_643, %swap3A_644] {strides = array<i32>} : memref<128x128xf32, #tpu.memory_space<vmem>>, vector<16xf32>,
        tpu.vector_store %arg13[%swap3A_643, %swap3A_644], %mul3A_642 {strides = array<i32>} : memref<128x128xf32, #tpu.memory_space<vmem>>, vector<16xf32>,
        %get3A_646 = arith.index_cast %add3A_629 : i32 to index
        %get3A_647 = arith.constant 32 : index
        %get3A_648 = tpu.vector_load %arg13[%get3A_646, %get3A_647] {strides = array<i32>} : memref<128x128xf32, #tpu.memory_space<vmem>>, vector<16xf32>,
        %mul3A_649 = arith.mulf %get3A_648, %gather3A_631 : vector<16xf32>
        %swap3A_650 = arith.index_cast %add3A_629 : i32 to index
        %swap3A_651 = arith.constant 32 : index
        %swap3A_652 = tpu.vector_load %arg13[%swap3A_650, %swap3A_651] {strides = array<i32>} : memref<128x128xf32, #tpu.memory_space<vmem>>, vector<16xf32>,
        tpu.vector_store %arg13[%swap3A_650, %swap3A_651], %mul3A_649 {strides = array<i32>} : memref<128x128xf32, #tpu.memory_space<vmem>>, vector<16xf32>,
        %get3A_653 = arith.index_cast %add3A_629 : i32 to index
        %get3A_654 = arith.constant 48 : index
        %get3A_655 = tpu.vector_load %arg13[%get3A_653, %get3A_654] {strides = array<i32>} : memref<128x128xf32, #tpu.memory_space<vmem>>, vector<16xf32>,
        %mul3A_656 = arith.mulf %get3A_655, %gather3A_631 : vector<16xf32>
        %swap3A_657 = arith.index_cast %add3A_629 : i32 to index
        %swap3A_658 = arith.constant 48 : index
        %swap3A_659 = tpu.vector_load %arg13[%swap3A_657, %swap3A_658] {strides = array<i32>} : memref<128x128xf32, #tpu.memory_space<vmem>>, vector<16xf32>,
        tpu.vector_store %arg13[%swap3A_657, %swap3A_658], %mul3A_656 {strides = array<i32>} : memref<128x128xf32, #tpu.memory_space<vmem>>, vector<16xf32>,
        %get3A_660 = arith.index_cast %add3A_629 : i32 to index
        %get3A_661 = arith.constant 64 : index
        %get3A_662 = tpu.vector_load %arg13[%get3A_660, %get3A_661] {strides = array<i32>} : memref<128x128xf32, #tpu.memory_space<vmem>>, vector<16xf32>,
        %mul3A_663 = arith.mulf %get3A_662, %gather3A_631 : vector<16xf32>
        %swap3A_664 = arith.index_cast %add3A_629 : i32 to index
        %swap3A_665 = arith.constant 64 : index
        %swap3A_666 = tpu.vector_load %arg13[%swap3A_664, %swap3A_665] {strides = array<i32>} : memref<128x128xf32, #tpu.memory_space<vmem>>, vector<16xf32>,
        tpu.vector_store %arg13[%swap3A_664, %swap3A_665], %mul3A_663 {strides = array<i32>} : memref<128x128xf32, #tpu.memory_space<vmem>>, vector<16xf32>,
        %get3A_667 = arith.index_cast %add3A_629 : i32 to index
        %get3A_668 = arith.constant 80 : index
        %get3A_669 = tpu.vector_load %arg13[%get3A_667, %get3A_668] {strides = array<i32>} : memref<128x128xf32, #tpu.memory_space<vmem>>, vector<16xf32>,
        %mul3A_670 = arith.mulf %get3A_669, %gather3A_631 : vector<16xf32>
        %swap3A_671 = arith.index_cast %add3A_629 : i32 to index
        %swap3A_672 = arith.constant 80 : index
        %swap3A_673 = tpu.vector_load %arg13[%swap3A_671, %swap3A_672] {strides = array<i32>} : memref<128x128xf32, #tpu.memory_space<vmem>>, vector<16xf32>,
        tpu.vector_store %arg13[%swap3A_671, %swap3A_672], %mul3A_670 {strides = array<i32>} : memref<128x128xf32, #tpu.memory_space<vmem>>, vector<16xf32>,
        %get3A_674 = arith.index_cast %add3A_629 : i32 to index
        %get3A_675 = arith.constant 96 : index
        %get3A_676 = tpu.vector_load %arg13[%get3A_674, %get3A_675] {strides = array<i32>} : memref<128x128xf32, #tpu.memory_space<vmem>>, vector<16xf32>,
        %mul3A_677 = arith.mulf %get3A_676, %gather3A_631 : vector<16xf32>
        %swap3A_678 = arith.index_cast %add3A_629 : i32 to index
        %swap3A_679 = arith.constant 96 : index
        %swap3A_680 = tpu.vector_load %arg13[%swap3A_678, %swap3A_679] {strides = array<i32>} : memref<128x128xf32, #tpu.memory_space<vmem>>, vector<16xf32>,
        tpu.vector_store %arg13[%swap3A_678, %swap3A_679], %mul3A_677 {strides = array<i32>} : memref<128x128xf32, #tpu.memory_space<vmem>>, vector<16xf32>,
        %get3A_681 = arith.index_cast %add3A_629 : i32 to index
        %get3A_682 = arith.constant 112 : index
        %get3A_683 = tpu.vector_load %arg13[%get3A_681, %get3A_682] {strides = array<i32>} : memref<128x128xf32, #tpu.memory_space<vmem>>, vector<16xf32>,
        %mul3A_684 = arith.mulf %get3A_683, %gather3A_631 : vector<16xf32>
        %swap3A_685 = arith.index_cast %add3A_629 : i32 to index
        %swap3A_686 = arith.constant 112 : index
        %swap3A_687 = tpu.vector_load %arg13[%swap3A_685, %swap3A_686] {strides = array<i32>} : memref<128x128xf32, #tpu.memory_space<vmem>>, vector<16xf32>,
        tpu.vector_store %arg13[%swap3A_685, %swap3A_686], %mul3A_684 {strides = array<i32>} : memref<128x128xf32, #tpu.memory_space<vmem>>, vector<16xf32>,
        %scan3A_688 = arith.constant 0 : i32
        scf.yield %scan3A_688 : i32
      }
      %scan3A_436 = arith.constant 32 : i32
      "tpu.region"() ({
        %run_scoped3A = tpu.sem_alloc : memref<!tpu.dma_semaphore, #tpu.memory_space<semaphore_mem>>
        %dma_start3A_438 = arith.constant 0 : i32
        %dma_start3A_439 = arith.constant 0 : i32
        %dma_start3A_440 = tpu.memref_slice %arg14[%dma_start3A_438, %dma_start3A_439] : memref<10240x128xf32, #tpu.memory_space<vmem_shared>> -> memref<10240x128xf32, #tpu.memory_space<vmem_shared>>
        tpu.enqueue_indirect_dma source(%arg13 : memref<128x128xf32, #tpu.memory_space<vmem>>) target(%dma_start3A_440 : memref<10240x128xf32, #tpu.memory_space<vmem_shared>>) offsets(%arg10 : memref<128xi32, #tpu.memory_space<vmem>>) semaphore(%run_scoped3A : memref<!tpu.dma_semaphore, #tpu.memory_space<semaphore_mem>>) {add = true}
        %dma_wait3A_441 = arith.constant 0 : i32
        %dma_wait3A_442 = arith.constant 0 : i32
        %dma_wait3A_443 = tpu.memref_slice %arg14[%dma_wait3A_441, %dma_wait3A_442] : memref<10240x128xf32, #tpu.memory_space<vmem_shared>> -> memref<10240x128xf32, #tpu.memory_space<vmem_shared>>
        tpu.wait_indirect_dma semaphore(%run_scoped3A : memref<!tpu.dma_semaphore, #tpu.memory_space<semaphore_mem>>) src(%arg13 : memref<128x128xf32, #tpu.memory_space<vmem>>) dst(%dma_wait3A_443 : memref<10240x128xf32, #tpu.memory_space<vmem_shared>>)
        tpu.yield
      }) : () -> ()
      "tpu.region"() ({
        %run_scoped3A = tpu.sem_alloc : memref<!tpu.dma_semaphore, #tpu.memory_space<semaphore_mem>>
        %dma_start3A_438 = arith.constant 0 : i32
        %dma_start3A_439 = arith.constant 0 : i32
        %dma_start3A_440 = tpu.memref_slice %arg15[%dma_start3A_438, %dma_start3A_439] : memref<10240x16xf32, #tpu.memory_space<vmem_shared>> -> memref<10240x16xf32, #tpu.memory_space<vmem_shared>>
        tpu.enqueue_indirect_dma source(%arg12 : memref<128x16xf32, #tpu.memory_space<vmem>>) target(%dma_start3A_440 : memref<10240x16xf32, #tpu.memory_space<vmem_shared>>) offsets(%arg10 : memref<128xi32, #tpu.memory_space<vmem>>) semaphore(%run_scoped3A : memref<!tpu.dma_semaphore, #tpu.memory_space<semaphore_mem>>) {add = true}
        %dma_wait3A_441 = arith.constant 0 : i32
        %dma_wait3A_442 = arith.constant 0 : i32
        %dma_wait3A_443 = tpu.memref_slice %arg15[%dma_wait3A_441, %dma_wait3A_442] : memref<10240x16xf32, #tpu.memory_space<vmem_shared>> -> memref<10240x16xf32, #tpu.memory_space<vmem_shared>>
        tpu.wait_indirect_dma semaphore(%run_scoped3A : memref<!tpu.dma_semaphore, #tpu.memory_space<semaphore_mem>>) src(%arg12 : memref<128x16xf32, #tpu.memory_space<vmem>>) dst(%dma_wait3A_443 : memref<10240x16xf32, #tpu.memory_space<vmem_shared>>)
        tpu.yield
      }) : () -> ()
      %scan3A_437 = arith.constant 0 : i32
      scf.yield %scan3A_437 : i32
    }
    %scan3A_54 = arith.constant 81 : i32
    %barrier3A_55 = arith.constant 0 : index
    tpu.barrier barrier_id(%barrier3A_55)
    %mul3A_56 = arith.constant 640 : i32
    %mul3A_57 = arith.muli %arg1, %mul3A_56 : i32
    %mul3A_58 = arith.constant 640 : i32
    %mul3A_59 = arith.muli %arg1, %mul3A_58 : i32
    "tpu.region"() ({
      %run_scoped3A = tpu.sem_alloc : memref<!tpu.dma_semaphore, #tpu.memory_space<semaphore_mem>>
      %dma_start3A = arith.constant 0 : i32
      %dma_start3A_64 = tpu.memref_slice %arg6[%arg0, %mul3A_59, %dma_start3A] : memref<2x10240x128xf32, #tpu.memory_space<hbm>> -> memref<1x640x128xf32, #tpu.memory_space<hbm>>
      %dma_start3A_65 = tpu.memref_squeeze %dma_start3A_64 : memref<1x640x128xf32, #tpu.memory_space<hbm>> -> memref<640x128xf32, #tpu.memory_space<hbm>>
      %dma_start3A_66 = arith.constant 0 : i32
      %dma_start3A_67 = tpu.memref_slice %arg14[%mul3A_57, %dma_start3A_66] : memref<10240x128xf32, #tpu.memory_space<vmem_shared>> -> memref<640x128xf32, #tpu.memory_space<vmem_shared>>
      tpu.enqueue_dma source(%dma_start3A_67 : memref<640x128xf32, #tpu.memory_space<vmem_shared>>) target(%dma_start3A_65 : memref<640x128xf32, #tpu.memory_space<hbm>>) target_semaphore(%run_scoped3A : memref<!tpu.dma_semaphore, #tpu.memory_space<semaphore_mem>>)
      %dma_wait3A = arith.constant 0 : i32
      %dma_wait3A_68 = tpu.memref_slice %arg6[%arg0, %mul3A_59, %dma_wait3A] : memref<2x10240x128xf32, #tpu.memory_space<hbm>> -> memref<1x640x128xf32, #tpu.memory_space<hbm>>
      %dma_wait3A_69 = tpu.memref_squeeze %dma_wait3A_68 : memref<1x640x128xf32, #tpu.memory_space<hbm>> -> memref<640x128xf32, #tpu.memory_space<hbm>>
      %dma_wait3A_70 = arith.constant 0 : i32
      %dma_wait3A_71 = tpu.memref_slice %arg14[%mul3A_57, %dma_wait3A_70] : memref<10240x128xf32, #tpu.memory_space<vmem_shared>> -> memref<640x128xf32, #tpu.memory_space<vmem_shared>>
      tpu.wait_dma2 semaphore(%run_scoped3A : memref<!tpu.dma_semaphore, #tpu.memory_space<semaphore_mem>>) src(%dma_wait3A_71 : memref<640x128xf32, #tpu.memory_space<vmem_shared>>) dst(%dma_wait3A_69 : memref<640x128xf32, #tpu.memory_space<hbm>>)
      tpu.yield
    }) : () -> ()
    %mul3A_60 = arith.constant 640 : i32
    %mul3A_61 = arith.muli %arg1, %mul3A_60 : i32
    %mul3A_62 = arith.constant 640 : i32
    %mul3A_63 = arith.muli %arg1, %mul3A_62 : i32
    "tpu.region"() ({
      %run_scoped3A = tpu.sem_alloc : memref<!tpu.dma_semaphore, #tpu.memory_space<semaphore_mem>>
      %dma_start3A = arith.constant 0 : i32
      %dma_start3A_64 = tpu.memref_slice %arg7[%arg0, %mul3A_63, %dma_start3A] : memref<2x10240x16xf32, #tpu.memory_space<hbm>> -> memref<1x640x16xf32, #tpu.memory_space<hbm>>
      %dma_start3A_65 = tpu.memref_squeeze %dma_start3A_64 : memref<1x640x16xf32, #tpu.memory_space<hbm>> -> memref<640x16xf32, #tpu.memory_space<hbm>>
      %dma_start3A_66 = arith.constant 0 : i32
      %dma_start3A_67 = tpu.memref_slice %arg15[%mul3A_61, %dma_start3A_66] : memref<10240x16xf32, #tpu.memory_space<vmem_shared>> -> memref<640x16xf32, #tpu.memory_space<vmem_shared>>
      tpu.enqueue_dma source(%dma_start3A_67 : memref<640x16xf32, #tpu.memory_space<vmem_shared>>) target(%dma_start3A_65 : memref<640x16xf32, #tpu.memory_space<hbm>>) target_semaphore(%run_scoped3A : memref<!tpu.dma_semaphore, #tpu.memory_space<semaphore_mem>>)
      %dma_wait3A = arith.constant 0 : i32
      %dma_wait3A_68 = tpu.memref_slice %arg7[%arg0, %mul3A_63, %dma_wait3A] : memref<2x10240x16xf32, #tpu.memory_space<hbm>> -> memref<1x640x16xf32, #tpu.memory_space<hbm>>
      %dma_wait3A_69 = tpu.memref_squeeze %dma_wait3A_68 : memref<1x640x16xf32, #tpu.memory_space<hbm>> -> memref<640x16xf32, #tpu.memory_space<hbm>>
      %dma_wait3A_70 = arith.constant 0 : i32
      %dma_wait3A_71 = tpu.memref_slice %arg15[%mul3A_61, %dma_wait3A_70] : memref<10240x16xf32, #tpu.memory_space<vmem_shared>> -> memref<640x16xf32, #tpu.memory_space<vmem_shared>>
      tpu.wait_dma2 semaphore(%run_scoped3A : memref<!tpu.dma_semaphore, #tpu.memory_space<semaphore_mem>>) src(%dma_wait3A_71 : memref<640x16xf32, #tpu.memory_space<vmem_shared>>) dst(%dma_wait3A_69 : memref<640x16xf32, #tpu.memory_space<hbm>>)
      tpu.yield
    }) : () -> ()
    return
  }
}

module attributes {stable_mosaic.version = 14 : i64} {
  func.func @_pre_body(%arg0: i32, %arg1: memref<1000x128xf32, #tpu.memory_space<vmem>>, %arg2: memref<128x128xf32, #tpu.memory_space<vmem>>, %arg3: memref<1x128xf32, #tpu.memory_space<vmem>>, %arg4: memref<1x128xf32, #tpu.memory_space<vmem>>, %arg5: memref<1000x128xf32, #tpu.memory_space<vmem>>, %arg6: memref<1000x2xf32, #tpu.memory_space<vmem>>) attributes {dimension_semantics = [#tpu.dimension_semantics<arbitrary>], iteration_bounds = array<i64: 10>, scalar_prefetch = 0 : i64, scratch_operands = 0 : i64, tpu.core_type = #tpu.core_type<tc>, window_params = [{transform_indices = @transform_0, window_bounds = array<i64: 1000, 128>}, {pipeline_mode = #tpu.pipeline_mode<synchronous>, transform_indices = @transform_1, window_bounds = array<i64: 128, 128>}, {pipeline_mode = #tpu.pipeline_mode<synchronous>, transform_indices = @transform_2, window_bounds = array<i64: 1, 128>}, {pipeline_mode = #tpu.pipeline_mode<synchronous>, transform_indices = @transform_3, window_bounds = array<i64: 1, 128>}, {transform_indices = @transform_4, window_bounds = array<i64: 1000, 128>}, {transform_indices = @transform_5, window_bounds = array<i64: 1000, 2>}]} {
    %get3A = arith.constant 0 : index
    %get3A_0 = arith.constant 0 : index
    %get3A_1 = vector.load %arg1[%get3A, %get3A_0] : memref<1000x128xf32, #tpu.memory_space<vmem>>, vector<1000x128xf32>
    %get3A_2 = arith.constant 0 : index
    %get3A_3 = arith.constant 0 : index
    %get3A_4 = vector.load %arg2[%get3A_2, %get3A_3] : memref<128x128xf32, #tpu.memory_space<vmem>>, vector<128x128xf32>
    %dot_general3A = arith.constant dense<0.000000e+00> : vector<1000x128xf32>
    %dot_general3A_5 = tpu.matmul %get3A_1, %get3A_4, %dot_general3A {dimension_numbers = #tpu.dot_dimension_numbers<[1], [0], [0], [1], [0, 0, 1, 1], [], []>, transpose_lhs_hint = false} : vector<1000x128xf32>, vector<128x128xf32>, vector<1000x128xf32> -> vector<1000x128xf32>
    %swap3A = arith.constant 0 : index
    %swap3A_6 = arith.constant 0 : index
    %swap3A_7 = vector.load %arg5[%swap3A, %swap3A_6] : memref<1000x128xf32, #tpu.memory_space<vmem>>, vector<1000x128xf32>
    tpu.vector_store %arg5[%swap3A, %swap3A_6], %dot_general3A_5 {strides = array<i32>} : memref<1000x128xf32, #tpu.memory_space<vmem>>, vector<1000x128xf32>,
    %get3A_8 = arith.constant 0 : index
    %get3A_9 = arith.constant 0 : index
    %get3A_10 = vector.load %arg3[%get3A_8, %get3A_9] : memref<1x128xf32, #tpu.memory_space<vmem>>, vector<1x128xf32>
    %mul3A = vector.broadcast %get3A_10 : vector<1x128xf32> to vector<1000x128xf32>
    %mul3A_11 = arith.mulf %dot_general3A_5, %mul3A : vector<1000x128xf32>
    %reduce_sum3A = arith.constant dense<0.000000e+00> : vector<1000xf32>
    %reduce_sum3A_12 = vector.multi_reduction <add>, %mul3A_11, %reduce_sum3A [1] : vector<1000x128xf32> to vector<1000xf32>
    %broadcast_in_dim3A = vector.shape_cast %reduce_sum3A_12 : vector<1000xf32> to vector<1000x1xf32>
    %get3A_13 = arith.constant 0 : index
    %get3A_14 = arith.constant 0 : index
    %get3A_15 = vector.load %arg4[%get3A_13, %get3A_14] : memref<1x128xf32, #tpu.memory_space<vmem>>, vector<1x128xf32>
    %mul3A_16 = vector.broadcast %get3A_15 : vector<1x128xf32> to vector<1000x128xf32>
    %mul3A_17 = arith.mulf %dot_general3A_5, %mul3A_16 : vector<1000x128xf32>
    %reduce_sum3A_18 = arith.constant dense<0.000000e+00> : vector<1000xf32>
    %reduce_sum3A_19 = vector.multi_reduction <add>, %mul3A_17, %reduce_sum3A_18 [1] : vector<1000x128xf32> to vector<1000xf32>
    %broadcast_in_dim3A_20 = vector.shape_cast %reduce_sum3A_19 : vector<1000xf32> to vector<1000x1xf32>
    %concatenate3A = tpu.concatenate %broadcast_in_dim3A, %broadcast_in_dim3A_20 in 1 : vector<1000x1xf32>, vector<1000x1xf32> -> vector<1000x2xf32>
    %swap3A_21 = arith.constant 0 : index
    %swap3A_22 = arith.constant 0 : index
    %swap3A_23 = vector.load %arg6[%swap3A_21, %swap3A_22] : memref<1000x2xf32, #tpu.memory_space<vmem>>, vector<1000x2xf32>
    tpu.vector_store %arg6[%swap3A_21, %swap3A_22], %concatenate3A {strides = array<i32>} : memref<1000x2xf32, #tpu.memory_space<vmem>>, vector<1000x2xf32>,
    return
  }
  func.func @transform_0(%arg0: i32) -> (i32, i32) {
    %c0_i32 = arith.constant 0 : i32
    %c0_i32_0 = arith.constant 0 : i32
    return %arg0, %c0_i32 : i32, i32
  }
  func.func @transform_1(%arg0: i32) -> (i32, i32) {
    %c0_i32 = arith.constant 0 : i32
    %c0_i32_0 = arith.constant 0 : i32
    %c0_i32_1 = arith.constant 0 : i32
    return %c0_i32, %c0_i32_0 : i32, i32
  }
  func.func @transform_2(%arg0: i32) -> (i32, i32) {
    %c0_i32 = arith.constant 0 : i32
    %c0_i32_0 = arith.constant 0 : i32
    %c0_i32_1 = arith.constant 0 : i32
    return %c0_i32, %c0_i32_0 : i32, i32
  }
  func.func @transform_3(%arg0: i32) -> (i32, i32) {
    %c0_i32 = arith.constant 0 : i32
    %c0_i32_0 = arith.constant 0 : i32
    %c0_i32_1 = arith.constant 0 : i32
    return %c0_i32, %c0_i32_0 : i32, i32
  }
  func.func @transform_4(%arg0: i32) -> (i32, i32) {
    %c0_i32 = arith.constant 0 : i32
    %c0_i32_0 = arith.constant 0 : i32
    return %arg0, %c0_i32 : i32, i32
  }
  func.func @transform_5(%arg0: i32) -> (i32, i32) {
    %c0_i32 = arith.constant 0 : i32
    %c0_i32_0 = arith.constant 0 : i32
    return %arg0, %c0_i32 : i32, i32
  }
}

module attributes {stable_mosaic.version = 14 : i64} {
  func.func @_post1_body(%arg0: i32, %arg1: memref<2x1000x128xf32, #tpu.memory_space<vmem>>, %arg2: memref<2x1000x16xf32, #tpu.memory_space<vmem>>, %arg3: memref<1x128xf32, #tpu.memory_space<vmem>>, %arg4: memref<1x128xf32, #tpu.memory_space<vmem>>, %arg5: memref<1x128xf32, #tpu.memory_space<vmem>>, %arg6: memref<1000x128xf32, #tpu.memory_space<vmem>>) attributes {dimension_semantics = [#tpu.dimension_semantics<arbitrary>], iteration_bounds = array<i64: 10>, scalar_prefetch = 0 : i64, scratch_operands = 0 : i64, tpu.core_type = #tpu.core_type<tc>, window_params = [{transform_indices = @transform_0, window_bounds = array<i64: 2, 1000, 128>}, {transform_indices = @transform_1, window_bounds = array<i64: 2, 1000, 16>}, {pipeline_mode = #tpu.pipeline_mode<synchronous>, transform_indices = @transform_2, window_bounds = array<i64: 1, 128>}, {pipeline_mode = #tpu.pipeline_mode<synchronous>, transform_indices = @transform_3, window_bounds = array<i64: 1, 128>}, {pipeline_mode = #tpu.pipeline_mode<synchronous>, transform_indices = @transform_4, window_bounds = array<i64: 1, 128>}, {transform_indices = @transform_5, window_bounds = array<i64: 1000, 128>}]} {
    %get3A = arith.constant 0 : index
    %get3A_0 = arith.constant 0 : index
    %get3A_1 = arith.constant 0 : index
    %get3A_2 = vector.load %arg1[%get3A, %get3A_0, %get3A_1] : memref<2x1000x128xf32, #tpu.memory_space<vmem>>, vector<1x1000x128xf32>
    %get3A_3 = vector.shape_cast %get3A_2 : vector<1x1000x128xf32> to vector<1000x128xf32>
    %get3A_4 = arith.constant 1 : index
    %get3A_5 = arith.constant 0 : index
    %get3A_6 = arith.constant 0 : index
    %get3A_7 = vector.load %arg1[%get3A_4, %get3A_5, %get3A_6] : memref<2x1000x128xf32, #tpu.memory_space<vmem>>, vector<1x1000x128xf32>
    %get3A_8 = vector.shape_cast %get3A_7 : vector<1x1000x128xf32> to vector<1000x128xf32>
    %add3A = arith.addf %get3A_3, %get3A_8 : vector<1000x128xf32>
    %get3A_9 = arith.constant 0 : index
    %get3A_10 = arith.constant 0 : index
    %get3A_11 = arith.constant 0 : index
    %get3A_12 = vector.load %arg2[%get3A_9, %get3A_10, %get3A_11] : memref<2x1000x16xf32, #tpu.memory_space<vmem>>, vector<1x1000x1xf32>
    %get3A_13 = vector.shape_cast %get3A_12 : vector<1x1000x1xf32> to vector<1000x1xf32>
    %get3A_14 = arith.constant 1 : index
    %get3A_15 = arith.constant 0 : index
    %get3A_16 = arith.constant 0 : index
    %get3A_17 = vector.load %arg2[%get3A_14, %get3A_15, %get3A_16] : memref<2x1000x16xf32, #tpu.memory_space<vmem>>, vector<1x1000x1xf32>
    %get3A_18 = vector.shape_cast %get3A_17 : vector<1x1000x1xf32> to vector<1000x1xf32>
    %add3A_19 = arith.addf %get3A_13, %get3A_18 : vector<1000x1xf32>
    %add3A_20 = arith.constant 1.000000e-16 : f32
    %add3A_21 = vector.broadcast %add3A_20 : f32 to vector<1000x1xf32>
    %add3A_22 = arith.addf %add3A_19, %add3A_21 : vector<1000x1xf32>
    %div3A = vector.broadcast %add3A_22 : vector<1000x1xf32> to vector<1000x128xf32>
    %div3A_23 = arith.divf %add3A, %div3A : vector<1000x128xf32>
    %get3A_24 = arith.constant 0 : index
    %get3A_25 = arith.constant 0 : index
    %get3A_26 = vector.load %arg3[%get3A_24, %get3A_25] : memref<1x128xf32, #tpu.memory_space<vmem>>, vector<1x128xf32>
    %add3A_27 = vector.broadcast %get3A_26 : vector<1x128xf32> to vector<1000x128xf32>
    %add3A_28 = arith.addf %div3A_23, %add3A_27 : vector<1000x128xf32>
    %max3A = arith.constant 0.000000e+00 : f32
    %max3A_29 = vector.broadcast %max3A : f32 to vector<1000x128xf32>
    %max3A_30 = arith.maximumf %add3A_28, %max3A_29 : vector<1000x128xf32>
    %reduce_sum3A = arith.constant dense<0.000000e+00> : vector<1000xf32>
    %reduce_sum3A_31 = vector.multi_reduction <add>, %max3A_30, %reduce_sum3A [1] : vector<1000x128xf32> to vector<1000xf32>
    %broadcast_in_dim3A = vector.shape_cast %reduce_sum3A_31 : vector<1000xf32> to vector<1000x1xf32>
    %div3A_32 = arith.constant 1.280000e+02 : f32
    %div3A_33 = vector.broadcast %div3A_32 : f32 to vector<1000x1xf32>
    %div3A_34 = arith.divf %broadcast_in_dim3A, %div3A_33 : vector<1000x1xf32>
    %sub3A = vector.broadcast %div3A_34 : vector<1000x1xf32> to vector<1000x128xf32>
    %sub3A_35 = arith.subf %max3A_30, %sub3A : vector<1000x128xf32>
    %integer_pow3A = arith.mulf %sub3A_35, %sub3A_35 : vector<1000x128xf32>
    %reduce_sum3A_36 = arith.constant dense<0.000000e+00> : vector<1000xf32>
    %reduce_sum3A_37 = vector.multi_reduction <add>, %integer_pow3A, %reduce_sum3A_36 [1] : vector<1000x128xf32> to vector<1000xf32>
    %broadcast_in_dim3A_38 = vector.shape_cast %reduce_sum3A_37 : vector<1000xf32> to vector<1000x1xf32>
    %div3A_39 = arith.constant 1.280000e+02 : f32
    %div3A_40 = vector.broadcast %div3A_39 : f32 to vector<1000x1xf32>
    %div3A_41 = arith.divf %broadcast_in_dim3A_38, %div3A_40 : vector<1000x1xf32>
    %sub3A_42 = vector.broadcast %div3A_34 : vector<1000x1xf32> to vector<1000x128xf32>
    %sub3A_43 = arith.subf %max3A_30, %sub3A_42 : vector<1000x128xf32>
    %add3A_44 = arith.constant 9.99999974E-6 : f32
    %add3A_45 = vector.broadcast %add3A_44 : f32 to vector<1000x1xf32>
    %add3A_46 = arith.addf %div3A_41, %add3A_45 : vector<1000x1xf32>
    %rsqrt3A = math.rsqrt %add3A_46 : vector<1000x1xf32>
    %mul3A = vector.broadcast %rsqrt3A : vector<1000x1xf32> to vector<1000x128xf32>
    %mul3A_47 = arith.mulf %sub3A_43, %mul3A : vector<1000x128xf32>
    %get3A_48 = arith.constant 0 : index
    %get3A_49 = arith.constant 0 : index
    %get3A_50 = vector.load %arg4[%get3A_48, %get3A_49] : memref<1x128xf32, #tpu.memory_space<vmem>>, vector<1x128xf32>
    %mul3A_51 = vector.broadcast %get3A_50 : vector<1x128xf32> to vector<1000x128xf32>
    %mul3A_52 = arith.mulf %mul3A_47, %mul3A_51 : vector<1000x128xf32>
    %get3A_53 = arith.constant 0 : index
    %get3A_54 = arith.constant 0 : index
    %get3A_55 = vector.load %arg5[%get3A_53, %get3A_54] : memref<1x128xf32, #tpu.memory_space<vmem>>, vector<1x128xf32>
    %add3A_56 = vector.broadcast %get3A_55 : vector<1x128xf32> to vector<1000x128xf32>
    %add3A_57 = arith.addf %mul3A_52, %add3A_56 : vector<1000x128xf32>
    %swap3A = arith.constant 0 : index
    %swap3A_58 = arith.constant 0 : index
    %swap3A_59 = vector.load %arg6[%swap3A, %swap3A_58] : memref<1000x128xf32, #tpu.memory_space<vmem>>, vector<1000x128xf32>
    tpu.vector_store %arg6[%swap3A, %swap3A_58], %add3A_57 {strides = array<i32>} : memref<1000x128xf32, #tpu.memory_space<vmem>>, vector<1000x128xf32>,
    return
  }
  func.func @transform_0(%arg0: i32) -> (i32, i32, i32) {
    %c0_i32 = arith.constant 0 : i32
    %c0_i32_0 = arith.constant 0 : i32
    %c0_i32_1 = arith.constant 0 : i32
    return %c0_i32, %arg0, %c0_i32_0 : i32, i32, i32
  }
  func.func @transform_1(%arg0: i32) -> (i32, i32, i32) {
    %c0_i32 = arith.constant 0 : i32
    %c0_i32_0 = arith.constant 0 : i32
    %c0_i32_1 = arith.constant 0 : i32
    return %c0_i32, %arg0, %c0_i32_0 : i32, i32, i32
  }
  func.func @transform_2(%arg0: i32) -> (i32, i32) {
    %c0_i32 = arith.constant 0 : i32
    %c0_i32_0 = arith.constant 0 : i32
    %c0_i32_1 = arith.constant 0 : i32
    return %c0_i32, %c0_i32_0 : i32, i32
  }
  func.func @transform_3(%arg0: i32) -> (i32, i32) {
    %c0_i32 = arith.constant 0 : i32
    %c0_i32_0 = arith.constant 0 : i32
    %c0_i32_1 = arith.constant 0 : i32
    return %c0_i32, %c0_i32_0 : i32, i32
  }
  func.func @transform_4(%arg0: i32) -> (i32, i32) {
    %c0_i32 = arith.constant 0 : i32
    %c0_i32_0 = arith.constant 0 : i32
    %c0_i32_1 = arith.constant 0 : i32
    return %c0_i32, %c0_i32_0 : i32, i32
  }
  func.func @transform_5(%arg0: i32) -> (i32, i32) {
    %c0_i32 = arith.constant 0 : i32
    %c0_i32_0 = arith.constant 0 : i32
    return %arg0, %c0_i32 : i32, i32
  }
}

module attributes {stable_mosaic.version = 14 : i64} {
  func.func @_final_body(%arg0: i32, %arg1: memref<2x1000x128xf32, #tpu.memory_space<vmem>>, %arg2: memref<2x1000x16xf32, #tpu.memory_space<vmem>>, %arg3: memref<1x128xf32, #tpu.memory_space<vmem>>, %arg4: memref<1x128xf32, #tpu.memory_space<vmem>>, %arg5: memref<1x128xf32, #tpu.memory_space<vmem>>, %arg6: memref<1x1x1000xi32, #tpu.memory_space<vmem>>, %arg7: memref<128x64xf32, #tpu.memory_space<vmem>>, %arg8: memref<1x64xf32, #tpu.memory_space<vmem>>, %arg9: memref<1x64xf32, #tpu.memory_space<vmem>>, %arg10: memref<1x64xf32, #tpu.memory_space<vmem>>, %arg11: memref<128x64xf32, #tpu.memory_space<vmem>>, %arg12: memref<128x128xf32, #tpu.memory_space<vmem>>, %arg13: memref<128x128xf32, #tpu.memory_space<vmem>>) attributes {dimension_semantics = [#tpu.dimension_semantics<arbitrary>], iteration_bounds = array<i64: 10>, scalar_prefetch = 0 : i64, scratch_operands = 2 : i64, tpu.core_type = #tpu.core_type<tc>, window_params = [{transform_indices = @transform_0, window_bounds = array<i64: 2, 1000, 128>}, {transform_indices = @transform_1, window_bounds = array<i64: 2, 1000, 16>}, {pipeline_mode = #tpu.pipeline_mode<synchronous>, transform_indices = @transform_2, window_bounds = array<i64: 1, 128>}, {pipeline_mode = #tpu.pipeline_mode<synchronous>, transform_indices = @transform_3, window_bounds = array<i64: 1, 128>}, {pipeline_mode = #tpu.pipeline_mode<synchronous>, transform_indices = @transform_4, window_bounds = array<i64: 1, 128>}, {transform_indices = @transform_5, window_bounds = array<i64: 1, 1, 1000>}, {pipeline_mode = #tpu.pipeline_mode<synchronous>, transform_indices = @transform_6, window_bounds = array<i64: 128, 64>}, {pipeline_mode = #tpu.pipeline_mode<synchronous>, transform_indices = @transform_7, window_bounds = array<i64: 1, 64>}, {pipeline_mode = #tpu.pipeline_mode<synchronous>, transform_indices = @transform_8, window_bounds = array<i64: 1, 64>}, {pipeline_mode = #tpu.pipeline_mode<synchronous>, transform_indices = @transform_9, window_bounds = array<i64: 1, 64>}, {pipeline_mode = #tpu.pipeline_mode<synchronous>, transform_indices = @transform_10, window_bounds = array<i64: 128, 64>}]} {
    %eq3A = arith.constant 0 : i32
    %eq3A_0 = arith.cmpi eq, %arg0, %eq3A : i32
    %convert_element_type3A = arith.extui %eq3A_0 : i1 to i32
    %cond3A = arith.constant 0 : i32
    %cond3A_1 = arith.cmpi ne, %convert_element_type3A, %cond3A : i32
    scf.if %cond3A_1 {
      %broadcast_in_dim3A_92 = arith.constant 0.000000e+00 : f32
      %broadcast_in_dim3A_93 = vector.broadcast %broadcast_in_dim3A_92 : f32 to vector<128x128xf32>
      %swap3A_94 = arith.constant 0 : index
      %swap3A_95 = arith.constant 0 : index
      %swap3A_96 = vector.load %arg12[%swap3A_94, %swap3A_95] : memref<128x128xf32, #tpu.memory_space<vmem>>, vector<128x128xf32>
      tpu.vector_store %arg12[%swap3A_94, %swap3A_95], %broadcast_in_dim3A_93 {strides = array<i32>} : memref<128x128xf32, #tpu.memory_space<vmem>>, vector<128x128xf32>,
      %broadcast_in_dim3A_97 = arith.constant 0.000000e+00 : f32
      %broadcast_in_dim3A_98 = vector.broadcast %broadcast_in_dim3A_97 : f32 to vector<128x128xf32>
      %swap3A_99 = arith.constant 0 : index
      %swap3A_100 = arith.constant 0 : index
      %swap3A_101 = vector.load %arg13[%swap3A_99, %swap3A_100] : memref<128x128xf32, #tpu.memory_space<vmem>>, vector<128x128xf32>
      tpu.vector_store %arg13[%swap3A_99, %swap3A_100], %broadcast_in_dim3A_98 {strides = array<i32>} : memref<128x128xf32, #tpu.memory_space<vmem>>, vector<128x128xf32>,
    } else {
    }
    %get3A = arith.constant 0 : index
    %get3A_2 = arith.constant 0 : index
    %get3A_3 = arith.constant 0 : index
    %get3A_4 = vector.load %arg1[%get3A, %get3A_2, %get3A_3] : memref<2x1000x128xf32, #tpu.memory_space<vmem>>, vector<1x1000x128xf32>
    %get3A_5 = vector.shape_cast %get3A_4 : vector<1x1000x128xf32> to vector<1000x128xf32>
    %get3A_6 = arith.constant 1 : index
    %get3A_7 = arith.constant 0 : index
    %get3A_8 = arith.constant 0 : index
    %get3A_9 = vector.load %arg1[%get3A_6, %get3A_7, %get3A_8] : memref<2x1000x128xf32, #tpu.memory_space<vmem>>, vector<1x1000x128xf32>
    %get3A_10 = vector.shape_cast %get3A_9 : vector<1x1000x128xf32> to vector<1000x128xf32>
    %add3A = arith.addf %get3A_5, %get3A_10 : vector<1000x128xf32>
    %get3A_11 = arith.constant 0 : index
    %get3A_12 = arith.constant 0 : index
    %get3A_13 = arith.constant 0 : index
    %get3A_14 = vector.load %arg2[%get3A_11, %get3A_12, %get3A_13] : memref<2x1000x16xf32, #tpu.memory_space<vmem>>, vector<1x1000x1xf32>
    %get3A_15 = vector.shape_cast %get3A_14 : vector<1x1000x1xf32> to vector<1000x1xf32>
    %get3A_16 = arith.constant 1 : index
    %get3A_17 = arith.constant 0 : index
    %get3A_18 = arith.constant 0 : index
    %get3A_19 = vector.load %arg2[%get3A_16, %get3A_17, %get3A_18] : memref<2x1000x16xf32, #tpu.memory_space<vmem>>, vector<1x1000x1xf32>
    %get3A_20 = vector.shape_cast %get3A_19 : vector<1x1000x1xf32> to vector<1000x1xf32>
    %add3A_21 = arith.addf %get3A_15, %get3A_20 : vector<1000x1xf32>
    %add3A_22 = arith.constant 1.000000e-16 : f32
    %add3A_23 = vector.broadcast %add3A_22 : f32 to vector<1000x1xf32>
    %add3A_24 = arith.addf %add3A_21, %add3A_23 : vector<1000x1xf32>
    %div3A = vector.broadcast %add3A_24 : vector<1000x1xf32> to vector<1000x128xf32>
    %div3A_25 = arith.divf %add3A, %div3A : vector<1000x128xf32>
    %get3A_26 = arith.constant 0 : index
    %get3A_27 = arith.constant 0 : index
    %get3A_28 = vector.load %arg3[%get3A_26, %get3A_27] : memref<1x128xf32, #tpu.memory_space<vmem>>, vector<1x128xf32>
    %add3A_29 = vector.broadcast %get3A_28 : vector<1x128xf32> to vector<1000x128xf32>
    %add3A_30 = arith.addf %div3A_25, %add3A_29 : vector<1000x128xf32>
    %reduce_sum3A = arith.constant dense<0.000000e+00> : vector<1000xf32>
    %reduce_sum3A_31 = vector.multi_reduction <add>, %add3A_30, %reduce_sum3A [1] : vector<1000x128xf32> to vector<1000xf32>
    %broadcast_in_dim3A = vector.shape_cast %reduce_sum3A_31 : vector<1000xf32> to vector<1000x1xf32>
    %div3A_32 = arith.constant 1.280000e+02 : f32
    %div3A_33 = vector.broadcast %div3A_32 : f32 to vector<1000x1xf32>
    %div3A_34 = arith.divf %broadcast_in_dim3A, %div3A_33 : vector<1000x1xf32>
    %sub3A = vector.broadcast %div3A_34 : vector<1000x1xf32> to vector<1000x128xf32>
    %sub3A_35 = arith.subf %add3A_30, %sub3A : vector<1000x128xf32>
    %integer_pow3A = arith.mulf %sub3A_35, %sub3A_35 : vector<1000x128xf32>
    %reduce_sum3A_36 = arith.constant dense<0.000000e+00> : vector<1000xf32>
    %reduce_sum3A_37 = vector.multi_reduction <add>, %integer_pow3A, %reduce_sum3A_36 [1] : vector<1000x128xf32> to vector<1000xf32>
    %broadcast_in_dim3A_38 = vector.shape_cast %reduce_sum3A_37 : vector<1000xf32> to vector<1000x1xf32>
    %div3A_39 = arith.constant 1.280000e+02 : f32
    %div3A_40 = vector.broadcast %div3A_39 : f32 to vector<1000x1xf32>
    %div3A_41 = arith.divf %broadcast_in_dim3A_38, %div3A_40 : vector<1000x1xf32>
    %sub3A_42 = vector.broadcast %div3A_34 : vector<1000x1xf32> to vector<1000x128xf32>
    %sub3A_43 = arith.subf %add3A_30, %sub3A_42 : vector<1000x128xf32>
    %add3A_44 = arith.constant 9.99999974E-6 : f32
    %add3A_45 = vector.broadcast %add3A_44 : f32 to vector<1000x1xf32>
    %add3A_46 = arith.addf %div3A_41, %add3A_45 : vector<1000x1xf32>
    %rsqrt3A = math.rsqrt %add3A_46 : vector<1000x1xf32>
    %mul3A = vector.broadcast %rsqrt3A : vector<1000x1xf32> to vector<1000x128xf32>
    %mul3A_47 = arith.mulf %sub3A_43, %mul3A : vector<1000x128xf32>
    %get3A_48 = arith.constant 0 : index
    %get3A_49 = arith.constant 0 : index
    %get3A_50 = vector.load %arg4[%get3A_48, %get3A_49] : memref<1x128xf32, #tpu.memory_space<vmem>>, vector<1x128xf32>
    %mul3A_51 = vector.broadcast %get3A_50 : vector<1x128xf32> to vector<1000x128xf32>
    %mul3A_52 = arith.mulf %mul3A_47, %mul3A_51 : vector<1000x128xf32>
    %get3A_53 = arith.constant 0 : index
    %get3A_54 = arith.constant 0 : index
    %get3A_55 = vector.load %arg5[%get3A_53, %get3A_54] : memref<1x128xf32, #tpu.memory_space<vmem>>, vector<1x128xf32>
    %add3A_56 = vector.broadcast %get3A_55 : vector<1x128xf32> to vector<1000x128xf32>
    %add3A_57 = arith.addf %mul3A_52, %add3A_56 : vector<1000x128xf32>
    %max3A = arith.constant 0.000000e+00 : f32
    %max3A_58 = vector.broadcast %max3A : f32 to vector<1000x128xf32>
    %max3A_59 = arith.maximumf %add3A_57, %max3A_58 : vector<1000x128xf32>
    %get3A_60 = arith.constant 0 : index
    %get3A_61 = arith.constant 0 : index
    %get3A_62 = arith.constant 0 : index
    %get3A_63 = vector.load %arg6[%get3A_60, %get3A_61, %get3A_62] : memref<1x1x1000xi32, #tpu.memory_space<vmem>>, vector<1x1x1000xi32>
    %get3A_64 = vector.shape_cast %get3A_63 : vector<1x1x1000xi32> to vector<1x1000xi32>
    %iota3A = tpu.iota {dimensions = array<i32: 0>} : vector<128x1000xi32>
    %eq3A_65 = vector.broadcast %get3A_64 : vector<1x1000xi32> to vector<128x1000xi32>
    %eq3A_66 = arith.cmpi eq, %iota3A, %eq3A_65 : vector<128x1000xi32>
    %convert_element_type3A_67 = arith.extui %eq3A_66 : vector<128x1000xi1> to vector<128x1000xi32>
    %convert_element_type3A_68 = arith.sitofp %convert_element_type3A_67 : vector<128x1000xi32> to vector<128x1000xf32>
    %get3A_69 = arith.constant 0 : index
    %get3A_70 = arith.constant 0 : index
    %get3A_71 = vector.load %arg12[%get3A_69, %get3A_70] : memref<128x128xf32, #tpu.memory_space<vmem>>, vector<128x128xf32>
    %dot_general3A = arith.constant dense<0.000000e+00> : vector<128x128xf32>
    %dot_general3A_72 = tpu.matmul %convert_element_type3A_68, %max3A_59, %dot_general3A {dimension_numbers = #tpu.dot_dimension_numbers<[1], [0], [0], [1], [0, 0, 1, 1], [], []>, precision = #tpu.contract_precision<fp32>, transpose_lhs_hint = false} : vector<128x1000xf32>, vector<1000x128xf32>, vector<128x128xf32> -> vector<128x128xf32>
    %add3A_73 = arith.addf %get3A_71, %dot_general3A_72 : vector<128x128xf32>
    %swap3A = arith.constant 0 : index
    %swap3A_74 = arith.constant 0 : index
    %swap3A_75 = vector.load %arg12[%swap3A, %swap3A_74] : memref<128x128xf32, #tpu.memory_space<vmem>>, vector<128x128xf32>
    tpu.vector_store %arg12[%swap3A, %swap3A_74], %add3A_73 {strides = array<i32>} : memref<128x128xf32, #tpu.memory_space<vmem>>, vector<128x128xf32>,
    %get3A_76 = arith.constant 0 : index
    %get3A_77 = arith.constant 0 : index
    %get3A_78 = vector.load %arg13[%get3A_76, %get3A_77] : memref<128x128xf32, #tpu.memory_space<vmem>>, vector<128x128xf32>
    %broadcast_in_dim3A_79 = arith.constant 1.000000e+00 : f32
    %broadcast_in_dim3A_80 = vector.broadcast %broadcast_in_dim3A_79 : f32 to vector<1000x128xf32>
    %dot_general3A_81 = arith.constant dense<0.000000e+00> : vector<128x128xf32>
    %dot_general3A_82 = tpu.matmul %convert_element_type3A_68, %broadcast_in_dim3A_80, %dot_general3A_81 {dimension_numbers = #tpu.dot_dimension_numbers<[1], [0], [0], [1], [0, 0, 1, 1], [], []>, precision = #tpu.contract_precision<fp32>, transpose_lhs_hint = false} : vector<128x1000xf32>, vector<1000x128xf32>, vector<128x128xf32> -> vector<128x128xf32>
    %add3A_83 = arith.addf %get3A_78, %dot_general3A_82 : vector<128x128xf32>
    %swap3A_84 = arith.constant 0 : index
    %swap3A_85 = arith.constant 0 : index
    %swap3A_86 = vector.load %arg13[%swap3A_84, %swap3A_85] : memref<128x128xf32, #tpu.memory_space<vmem>>, vector<128x128xf32>
    tpu.vector_store %arg13[%swap3A_84, %swap3A_85], %add3A_83 {strides = array<i32>} : memref<128x128xf32, #tpu.memory_space<vmem>>, vector<128x128xf32>,
    %eq3A_87 = arith.constant 9 : i32
    %eq3A_88 = arith.cmpi eq, %arg0, %eq3A_87 : i32
    %convert_element_type3A_89 = arith.extui %eq3A_88 : i1 to i32
    %cond3A_90 = arith.constant 0 : i32
    %cond3A_91 = arith.cmpi ne, %convert_element_type3A_89, %cond3A_90 : i32
    scf.if %cond3A_91 {
      %get3A_92 = arith.constant 0 : index
      %get3A_93 = arith.constant 0 : index
      %get3A_94 = vector.load %arg12[%get3A_92, %get3A_93] : memref<128x128xf32, #tpu.memory_space<vmem>>, vector<128x128xf32>
      %get3A_95 = arith.constant 0 : index
      %get3A_96 = arith.constant 0 : index
      %get3A_97 = vector.load %arg13[%get3A_95, %get3A_96] : memref<128x128xf32, #tpu.memory_space<vmem>>, vector<128x128xf32>
      %max3A_98 = arith.constant 1.000000e+00 : f32
      %max3A_99 = vector.broadcast %max3A_98 : f32 to vector<128x128xf32>
      %max3A_100 = arith.maximumf %get3A_97, %max3A_99 : vector<128x128xf32>
      %div3A_101 = arith.divf %get3A_94, %max3A_100 : vector<128x128xf32>
      %get3A_102 = arith.constant 0 : index
      %get3A_103 = arith.constant 0 : index
      %get3A_104 = vector.load %arg7[%get3A_102, %get3A_103] : memref<128x64xf32, #tpu.memory_space<vmem>>, vector<128x64xf32>
      %dot_general3A_105 = arith.constant dense<0.000000e+00> : vector<128x64xf32>
      %dot_general3A_106 = tpu.matmul %div3A_101, %get3A_104, %dot_general3A_105 {dimension_numbers = #tpu.dot_dimension_numbers<[1], [0], [0], [1], [0, 0, 1, 1], [], []>, transpose_lhs_hint = false} : vector<128x128xf32>, vector<128x64xf32>, vector<128x64xf32> -> vector<128x64xf32>
      %get3A_107 = arith.constant 0 : index
      %get3A_108 = arith.constant 0 : index
      %get3A_109 = vector.load %arg8[%get3A_107, %get3A_108] : memref<1x64xf32, #tpu.memory_space<vmem>>, vector<1x64xf32>
      %add3A_110 = vector.broadcast %get3A_109 : vector<1x64xf32> to vector<128x64xf32>
      %add3A_111 = arith.addf %dot_general3A_106, %add3A_110 : vector<128x64xf32>
      %reduce_sum3A_112 = arith.constant dense<0.000000e+00> : vector<64xf32>
      %reduce_sum3A_113 = vector.multi_reduction <add>, %add3A_111, %reduce_sum3A_112 [0] : vector<128x64xf32> to vector<64xf32>
      %broadcast_in_dim3A_114 = vector.shape_cast %reduce_sum3A_113 : vector<64xf32> to vector<1x64xf32>
      %div3A_115 = arith.constant 1.280000e+02 : f32
      %div3A_116 = vector.broadcast %div3A_115 : f32 to vector<1x64xf32>
      %div3A_117 = arith.divf %broadcast_in_dim3A_114, %div3A_116 : vector<1x64xf32>
      %sub3A_118 = vector.broadcast %div3A_117 : vector<1x64xf32> to vector<128x64xf32>
      %sub3A_119 = arith.subf %add3A_111, %sub3A_118 : vector<128x64xf32>
      %integer_pow3A_120 = arith.mulf %sub3A_119, %sub3A_119 : vector<128x64xf32>
      %reduce_sum3A_121 = arith.constant dense<0.000000e+00> : vector<64xf32>
      %reduce_sum3A_122 = vector.multi_reduction <add>, %integer_pow3A_120, %reduce_sum3A_121 [0] : vector<128x64xf32> to vector<64xf32>
      %broadcast_in_dim3A_123 = vector.shape_cast %reduce_sum3A_122 : vector<64xf32> to vector<1x64xf32>
      %div3A_124 = arith.constant 1.280000e+02 : f32
      %div3A_125 = vector.broadcast %div3A_124 : f32 to vector<1x64xf32>
      %div3A_126 = arith.divf %broadcast_in_dim3A_123, %div3A_125 : vector<1x64xf32>
      %sub3A_127 = vector.broadcast %div3A_117 : vector<1x64xf32> to vector<128x64xf32>
      %sub3A_128 = arith.subf %add3A_111, %sub3A_127 : vector<128x64xf32>
      %add3A_129 = arith.constant 9.99999974E-6 : f32
      %add3A_130 = vector.broadcast %add3A_129 : f32 to vector<1x64xf32>
      %add3A_131 = arith.addf %div3A_126, %add3A_130 : vector<1x64xf32>
      %rsqrt3A_132 = math.rsqrt %add3A_131 : vector<1x64xf32>
      %mul3A_133 = vector.broadcast %rsqrt3A_132 : vector<1x64xf32> to vector<128x64xf32>
      %mul3A_134 = arith.mulf %sub3A_128, %mul3A_133 : vector<128x64xf32>
      %get3A_135 = arith.constant 0 : index
      %get3A_136 = arith.constant 0 : index
      %get3A_137 = vector.load %arg9[%get3A_135, %get3A_136] : memref<1x64xf32, #tpu.memory_space<vmem>>, vector<1x64xf32>
      %mul3A_138 = vector.broadcast %get3A_137 : vector<1x64xf32> to vector<128x64xf32>
      %mul3A_139 = arith.mulf %mul3A_134, %mul3A_138 : vector<128x64xf32>
      %get3A_140 = arith.constant 0 : index
      %get3A_141 = arith.constant 0 : index
      %get3A_142 = vector.load %arg10[%get3A_140, %get3A_141] : memref<1x64xf32, #tpu.memory_space<vmem>>, vector<1x64xf32>
      %add3A_143 = vector.broadcast %get3A_142 : vector<1x64xf32> to vector<128x64xf32>
      %add3A_144 = arith.addf %mul3A_139, %add3A_143 : vector<128x64xf32>
      %swap3A_145 = arith.constant 0 : index
      %swap3A_146 = arith.constant 0 : index
      %swap3A_147 = vector.load %arg11[%swap3A_145, %swap3A_146] : memref<128x64xf32, #tpu.memory_space<vmem>>, vector<128x64xf32>
      tpu.vector_store %arg11[%swap3A_145, %swap3A_146], %add3A_144 {strides = array<i32>} : memref<128x64xf32, #tpu.memory_space<vmem>>, vector<128x64xf32>,
    } else {
    }
    return
  }
  func.func @transform_0(%arg0: i32) -> (i32, i32, i32) {
    %c0_i32 = arith.constant 0 : i32
    %c0_i32_0 = arith.constant 0 : i32
    %c0_i32_1 = arith.constant 0 : i32
    return %c0_i32, %arg0, %c0_i32_0 : i32, i32, i32
  }
  func.func @transform_1(%arg0: i32) -> (i32, i32, i32) {
    %c0_i32 = arith.constant 0 : i32
    %c0_i32_0 = arith.constant 0 : i32
    %c0_i32_1 = arith.constant 0 : i32
    return %c0_i32, %arg0, %c0_i32_0 : i32, i32, i32
  }
  func.func @transform_2(%arg0: i32) -> (i32, i32) {
    %c0_i32 = arith.constant 0 : i32
    %c0_i32_0 = arith.constant 0 : i32
    %c0_i32_1 = arith.constant 0 : i32
    return %c0_i32, %c0_i32_0 : i32, i32
  }
  func.func @transform_3(%arg0: i32) -> (i32, i32) {
    %c0_i32 = arith.constant 0 : i32
    %c0_i32_0 = arith.constant 0 : i32
    %c0_i32_1 = arith.constant 0 : i32
    return %c0_i32, %c0_i32_0 : i32, i32
  }
  func.func @transform_4(%arg0: i32) -> (i32, i32) {
    %c0_i32 = arith.constant 0 : i32
    %c0_i32_0 = arith.constant 0 : i32
    %c0_i32_1 = arith.constant 0 : i32
    return %c0_i32, %c0_i32_0 : i32, i32
  }
  func.func @transform_5(%arg0: i32) -> (i32, i32, i32) {
    %c0_i32 = arith.constant 0 : i32
    %c0_i32_0 = arith.constant 0 : i32
    %c0_i32_1 = arith.constant 0 : i32
    return %arg0, %c0_i32, %c0_i32_0 : i32, i32, i32
  }
  func.func @transform_6(%arg0: i32) -> (i32, i32) {
    %c0_i32 = arith.constant 0 : i32
    %c0_i32_0 = arith.constant 0 : i32
    %c0_i32_1 = arith.constant 0 : i32
    return %c0_i32, %c0_i32_0 : i32, i32
  }
  func.func @transform_7(%arg0: i32) -> (i32, i32) {
    %c0_i32 = arith.constant 0 : i32
    %c0_i32_0 = arith.constant 0 : i32
    %c0_i32_1 = arith.constant 0 : i32
    return %c0_i32, %c0_i32_0 : i32, i32
  }
  func.func @transform_8(%arg0: i32) -> (i32, i32) {
    %c0_i32 = arith.constant 0 : i32
    %c0_i32_0 = arith.constant 0 : i32
    %c0_i32_1 = arith.constant 0 : i32
    return %c0_i32, %c0_i32_0 : i32, i32
  }
  func.func @transform_9(%arg0: i32) -> (i32, i32) {
    %c0_i32 = arith.constant 0 : i32
    %c0_i32_0 = arith.constant 0 : i32
    %c0_i32_1 = arith.constant 0 : i32
    return %c0_i32, %c0_i32_0 : i32, i32
  }
  func.func @transform_10(%arg0: i32) -> (i32, i32) {
    %c0_i32 = arith.constant 0 : i32
    %c0_i32_0 = arith.constant 0 : i32
    %c0_i32_1 = arith.constant 0 : i32
    return %c0_i32, %c0_i32_0 : i32, i32
  }
}

</mosaic_0001>

<sc_bundles>
// kernel: kernel.11.cloned.1.call-start
scs
__scs_entry_jumppad:
0x0: {  	(pc) =	sbr.rel $0x88, $3  }
0x1: {  	(tag) =	ssettag $0x0;
	lr =	simm.s32 $0x1  }
0x2: {  	[smem:$0x3F8E] =	sst lr;
	_ =	strace $0xD0000000  }
0x3: {  	_ = 	snop  }
0x4: {  	_ = 	snop  }
0x5: {  	_ = 	snop  }
0x6: {  	_ = 	snop  }
0x7: {  	_ = 	snop  }
__scs_overlays_trampoline_lowered:
0x8: {  	[smem:$0x3F9D] =	sst s0  }
0x9: {  	[smem:$0x3F9E] =	sst s1  }
0xa: {  	[smem:$0x3F9F] =	sst s2  }
0xb: {  	[smem:$0x3FA0] =	sst s3  }
0xc: {  	[smem:$0x3FA1] =	sst s4  }
0xd: {  	[smem:$0x3FA2] =	sst s5  }
0xe: {  	[smem:$0x3FA3] =	sst s6  }
0xf: {  	[smem:$0x3FA4] =	sst s7  }
0x10: {  	[smem:$0x3FA5] =	sst s8  }
0x11: {  	[smem:$0x3FA6] =	sst s9;
	s0 =	simm.s32 @!p0 $0x0  }
0x12: {  	s1 =	sld [smem:$0x3F8C];
	s0 =	simm.s32 @p0 $0x1  }
0x13: {  	[smem:$0x3FA7] =	sst s0;
	s0 =	simm.s32 @!p1 $0x0  }
0x14: {  	s2 =	sld [smem:$0x3F8B];
	s0 =	simm.s32 @p1 $0x1  }
0x15: {  	[smem:$0x3FA8] =	sst s0;
	s0 =	simm.s32 @!p2 $0x0  }
0x16: {  	s3 =	sld [smem:$0x3FDB];
	s0 =	simm.s32 @p2 $0x1  }
0x17: {  	s4 =	simm.s32 $0x1BF5;
	[smem:$0x3FAA] =	sst s0  }
0x18: {  	s0 =	sld [smem:$0x3F8D];
	_ =	swait.ge [sflag:s4], $0x0  }
0x19: {  	s7 =	sld [smem:$0x3F8E]  }
0x1a: {  	s8 =	sadd.s32 $0xFFFFE003, lr  }
0x1b: {  	s9 =	sadd.s32 $0xFFFFFEF7, lr;
	s5 =	simm.s32 $0xFFFFFFFF;
	p2 =	slt.u32 s8, $0xFFFFF086  }
0x1c: {  	p1 =	slt.u32 s9, $0xF7A;
	s5 =	simm.s32 @!p2 $0x0  }
0x1d: {  	s5 =	simm.s32 @p1 $0x1;
	p0 =	seq.s32 s7, s2  }
0x1e: {  	s7 =	smul.u32 @!p0 $0xF7A, s2;
	p2 =	seq.s32 @!p0 s5, $0x0  }
0x1f: {  	s9 =	smul.u32 $0xF7A, s1;
	s8 =	simm.s32 @!p0 $0x1BF5;
	p2 =	por !p2, p0  }
0x20: {  	[sflag:s8] =	ssyncset.s32 @!p0 $0xFFFFF086;
	s6 =	sadd.s32 @!p0 s3, s7;
	s7 =	simm.s32 @!p0 $0x108  }
0x21: {  	s3 =	sadd.s32 s3, s9;
	s6 =	sadd.s32 @!p0 $0x88, s6;
	s7 =	simm.s32 @p2 $0x1082  }
0x22: {  	[simem:s7], [sflag:s8] =	dma.local @!p0 [hbm:s6], $0xF7A  }
0x23: {  	s9 =	sor.u32 $0xD0000000, s2;
	s6 =	simm.s32 $0x108;
	_ =	swait.ge @!p0 [sflag:s8], $0x0  }
0x24: {  	s3 =	sadd.s32 $0x88, s3;
	s6 =	simm.s32 @!p1 $0x1082;
	[sflag:s4] =	ssyncset.s32 $0xFFFFF086  }
0x25: {  	[simem:s6], [sflag:s4] =	dma.local [hbm:s3], $0xF7A  }
0x26: {  	[smem:$0x3F8E] =	sst s1;
	(tag) =	ssettag s2;
	_ =	strace s9  }
0x27: {  	s1 =	sld [smem:$0x3F9E]  }
0x28: {  	s2 =	sld [smem:$0x3F9F]  }
0x29: {  	s4 =	sld [smem:$0x3FA1]  }
0x2a: {  	p0 =	seq.s32 s5, $0x0;
	s5 =	sld [smem:$0x3FA2]  }
0x2b: {  	s6 =	sld [smem:$0x3FA3]  }
0x2c: {  	s7 =	sld [smem:$0x3FA4]  }
0x2d: {  	s3 =	simm.s32 $0x108;
	s8 =	sld [smem:$0x3FA5]  }
0x2e: {  	s3 =	simm.s32 @!p0 $0x1082;
	s9 =	sld [smem:$0x3FA6]  }
0x2f: {  	lr =	sadd.s32 s0, s3;
	s0 =	sld [smem:$0x3F9D]  }
0x30: {  	s3 =	sld [smem:$0x3FA0]  }
0x31: {  	[smem:$0x3FA9] =	sst s10  }
0x32: {  	s10 =	sld [smem:$0x3FA7];
	_ =	sdelay $0x3  }
0x33: {  	p0 =	seq.s32 s10, $0x1;
	s10 =	sld [smem:$0x3FA9];
	_ =	sdelay $0x3  }
0x34: {  	[smem:$0x3FA9] =	sst s10  }
0x35: {  	s10 =	sld [smem:$0x3FA8];
	_ =	sdelay $0x3  }
0x36: {  	p1 =	seq.s32 s10, $0x1;
	s10 =	sld [smem:$0x3FA9];
	_ =	sdelay $0x3  }
0x37: {  	[smem:$0x3FA9] =	sst s10  }
0x38: {  	s10 =	sld [smem:$0x3FAA]  }
0x39: {  	_ = 	snop;
	(pc) =	sbr.ind lr, $3  }
0x3a: {  	_ = 	snop  }
0x3b: {  	_ = 	snop  }
0x3c: {  	p2 =	seq.s32 s10, $0x1;
	s10 =	sld [smem:$0x3FA9]  }
0x3d: {  	_ =	shalt  }
0x3e: {  	_ =	shalt  }
0x3f: {  	_ =	shalt  }
0x40: {  	_ =	shalt  }
0x41: {  	_ =	shalt  }
0x42: {  	_ =	shalt  }
0x43: {  	_ =	shalt  }
0x44: {  	_ =	shalt  }
0x45: {  	_ =	shalt  }
0x46: {  	_ =	shalt  }
0x47: {  	_ =	shalt  }
0x48: {  	_ =	shalt  }
0x49: {  	_ =	shalt  }
0x4a: {  	_ =	shalt  }
0x4b: {  	_ =	shalt  }
0x4c: {  	_ =	shalt  }
0x4d: {  	_ =	shalt  }
0x4e: {  	_ =	shalt  }
0x4f: {  	_ =	shalt  }
0x50: {  	_ =	shalt  }
0x51: {  	_ =	shalt  }
0x52: {  	_ =	shalt  }
0x53: {  	_ =	shalt  }
0x54: {  	_ =	shalt  }
0x55: {  	_ =	shalt  }
0x56: {  	_ =	shalt  }
0x57: {  	_ =	shalt  }
0x58: {  	_ =	shalt  }
0x59: {  	_ =	shalt  }
0x5a: {  	_ =	shalt  }
0x5b: {  	_ =	shalt  }
0x5c: {  	_ =	shalt  }
0x5d: {  	_ =	shalt  }
0x5e: {  	_ =	shalt  }
0x5f: {  	_ =	shalt  }
0x60: {  	_ =	shalt  }
0x61: {  	_ =	shalt  }
0x62: {  	_ =	shalt  }
0x63: {  	_ =	shalt  }
0x64: {  	_ =	shalt  }
0x65: {  	_ =	shalt  }
0x66: {  	_ =	shalt  }
0x67: {  	_ =	shalt  }
0x68: {  	_ =	shalt  }
0x69: {  	_ =	shalt  }
0x6a: {  	_ =	shalt  }
0x6b: {  	_ =	shalt  }
0x6c: {  	_ =	shalt  }
0x6d: {  	_ =	shalt  }
0x6e: {  	_ =	shalt  }
0x6f: {  	_ =	shalt  }
0x70: {  	_ =	shalt  }
0x71: {  	_ =	shalt  }
0x72: {  	_ =	shalt  }
0x73: {  	_ =	shalt  }
0x74: {  	_ =	shalt  }
0x75: {  	_ =	shalt  }
0x76: {  	_ =	shalt  }
0x77: {  	_ =	shalt  }
0x78: {  	_ =	shalt  }
0x79: {  	_ =	shalt  }
0x7a: {  	_ =	shalt  }
0x7b: {  	_ =	shalt  }
0x7c: {  	_ =	shalt  }
0x7d: {  	_ =	shalt  }
0x7e: {  	_ =	shalt  }
0x7f: {  	_ =	shalt  }
0x80: {  	_ =	shalt  }
0x81: {  	_ =	shalt  }
0x82: {  	_ =	shalt  }
0x83: {  	_ =	shalt  }
0x84: {  	_ =	shalt  }
0x85: {  	_ =	shalt  }
0x86: {  	_ =	shalt  }
0x87: {  	_ =	shalt  }
.Lfunc_end0:
.L_simem_size_0:
called_computation.1_lowered:
.L_overlay_start_0:
0x88: {  	s2 =	sld [smem:$0x3FD9]  }
0x89: {  	s3 =	sld [smem:$0x3FFE];
	_ =	sdelay $0x1  }
0x8a: {  	s1 =	srdreg.scid  }
0x8b: {  	s0 =	sand.u32 $0x1, s1  }
0x8c: {  	s16 =	sshll.u32 s0, $0xA;
	s2 =	sadd.s32 s3, s2  }
0x8d: {  	s2 =	sadd.s32 s2, s16  }
0x8e: {  	[smem:$0x3FB5] =	sst s2  }
0x8f: {  	_ = 	snop  }
0x90: {  	(tm) =	ssettm $0x1  }
0x91: {  	s17 =	sld [smem:$0x3FFB];
	_ =	sdelay $0x3  }
0x92: {  	_ =	strace s17  }
0x93: {  	s2 =	sld [smem:$0x3FFC];
	_ =	sdelay $0x3  }
0x94: {  	_ =	strace s2  }
0x95: {  	s2 =	sld [smem:$0x3FFD];
	_ =	sdelay $0x3  }
0x96: {  	_ =	strace s2  }
0x97: {  	_ =	strace $0x8FFFFFFF  }
0x98: {  	s18 =	sld [smem:$0x3FDB];
	_ =	sdelay $0x1  }
0x99: {  	s19 =	simm.s32 $_scs_section_size  }
0x9a: {  	s4 =	simm.s32 $_size__tile_overlayer_lowered;
	s5 =	simm.s32 $_tile_overlayer_lowered  }
0x9b: {  	s22 =	simm.s32 $0x1BFF;
	s21 =	sshll.u32 s5, $0x1;
	s2 =	sadd.s32 s19, s18  }
0x9c: {  	s6 =	simm.s32 $0x0;
	s20 =	sshll.u32 s4, $0x1;
	s4 =	sadd.s32 s21, s2  }
0x9d: {  	[timem:s6], [sflag:s22] =	dma.local [hbm:s4], s20  }
0x9e: {  	_ =	swait.ge [sflag:s22], s20  }
0x9f: {  	s3 =	ssub.s32 $0x0, s20;
	[sflag:s22] =	ssyncset.done $0x0  }
0xa0: {  	[sflag:s22] =	ssyncadd.s32 s3;
	_ =	sdelay $0x1  }
0xa1: {  	s23 =	simm.s32 $0x1B8B  }
0xa2: {  	_ =	swait.ge [sflag:s23], $0x1  }
0xa3: {  	[sflag:s23] =	ssyncset.done $0x0  }
0xa4: {  	s25 =	simm.s32 $0x1B8E;
	s24 =	sld [smem:$0x3FFE];
	[sflag:s23] =	ssyncadd.s32 $0xFFFFFFFF  }
0xa5: {  	s26 =	simm.s32 $execute0_lowered;
	[smem:$0x3FD2] =	sst s25  }
0xa6: {  	s4 =	sshll.u32 s26, $0x1;
	_ =	strace $0x80000049;
	[dreg:$0x1] =	wrdreg $0xFFFFFFFF  }
0xa7: {  	s28 =	simm.s32 $_size_execute0_lowered;
	s2 =	sadd.s32 s2, s4;
	[dreg:$0x0] =	wrdreg $0x0  }
0xa8: {  	s4 =	sshll.u32 s28, $0x1;
	[dreg:$0x2] =	wrdreg s2  }
0xa9: {  	[dreg:$0x3] =	wrdreg s4  }
0xaa: {  	[dreg:$0x4] =	wrdreg $0xC0  }
0xab: {  	_ =	task [dreg:s6], $0x5FFFF  }
0xac: {  	[dreg:$0x1] =	wrdreg $0xFFFFFFFF  }
0xad: {  	[dreg:$0x0] =	wrdreg $0x60  }
0xae: {  	[dreg:$0x2] =	wrdreg s24  }
0xaf: {  	[dreg:$0x3] =	wrdreg $0x97A00  }
0xb0: {  	[dreg:$0x4] =	wrdreg $0x1D7A00  }
0xb1: {  	[dreg:$0x5] =	wrdreg $0x9  }
0xb2: {  	_ =	task.clear_ibuf [dreg:s6], $0x6FFFF;
	_ =	strace $0x90000049  }
0xb3: {  	s29 =	simm.s32 $0x9;
	_ =	strace $0x8000004B  }
0xb4: {  	_ =	swait.ge [sflag:s29], $0x1  }
0xb5: {  	[sflag:s29] =	ssyncadd.s32 $0xFFFFFFFF  }
0xb6: {  	_ =	strace $0x9000004B  }
0xb7: {  	_ =	sfence  }
0xb8: {  	s30 =	sld [smem:$0x0];
	_ =	sdelay $0x2  }
0xb9: {  	s31 =	sshll.u32 s1, $0xD;
	s1 =	sshrl.u32 s1, $0x2  }
0xba: {  	s3 =	sand.u32 $0x4000, s31;
	s1 =	sadd.s32 s1, s30  }
0xbb: {  	s0 =	sor.u32 s3, s0;
	s1 =	sshll.u32 s1, $0x11  }
0xbc: {  	s0 =	sor.u32 s1, s0  }
0xbd: {  	s0 =	sadd.s32 $0x8F2B, s0  }
0xbe: {  	[sflag:s0] =	ssyncadd.remote.s32 $0x1  }
0xbf: {  	_ =	sfence.sel $0xFFFF  }
0xc0: {  	[dreg:$0x0] =	wrdreg $0xFFFFFFFF;
	(pc) =	sbr.abs _section_cstart, $3  }
0xc1: {  	[dreg:$0x1] =	wrdreg $0xFFFFFFFF  }
0xc2: {  	_ =	task.clear_ibuf [dreg:s6], $0x2FFFF;
	_ =	strace $0x9FFFFFFF  }
0xc3: {  	(tm) =	ssettm $0x7FFFFFFF  }
tec
execute0_lowered:
.L_overlay_start_1:
0x0: {  	(tag) =	ssettag $0x1  }
0x1: {  	s0 =	rddreg [dreg:$0x0]  }
0x2: {  	s2 =	rddreg [dreg:$0x1]  }
0x3: {  	s3 =	rddreg [dreg:$0x2];
	s1 =	srdreg.scid  }
0x4: {  	s14 =	stileid.u32;
	s5 =	simm.s32 $0x0;
	s28 =	simm.s32 $0x4EA0  }
0x5: {  	s29 =	simm.s32 $0x80;
	s30 =	simm.s32 $0x1;
	s4 =	smul.u32 $0x14000, s14  }
0x6: {  	s31 =	simm.s32 $0x4F20;
	s1 =	sand.u32 $0x1, s1;
	s10 =	smul.u32 $0x2800, s14  }
0x7: {  	[smem:$0x7FF] =	sst s5;
	s5 =	sadd.s32 $0xE200, s0;
	s13 =	smul.u32 $0x280, s14  }
0x8: {  	s6 =	sadd.s32 $0x4000, s0;
	s8 =	sadd.s32 $0x3F600, s0;
	s7 =	smul.u32 $0x140000, s1  }
0x9: {  	_ =	strace $0x8000004A;
	s9 =	smul.u32 $0x28000, s1;
	[dreg:$0x4] =	wrdreg s8  }
0xa: {  	s8 =	sadd.s32 $0x18400, s0;
	s11 =	ssub.s32 $0x2, s1;
	s1 =	sshll.u32 s1, $0x4  }
0xb: {  	s12 =	sshrl.u32 s11, $0x1;
	s1 =	sor.u32 s14, s1;
	s19 =	sadd.s32 $0x80, s13  }
0xc: {  	s21 =	sadd.s32 $0x100, s13;
	s16 =	sadd.s32 $0x180, s13;
	s25 =	sadd.s32 $0x200, s13  }
0xd: {  	s7 =	sadd.s32 s4, s7;
	s9 =	sadd.s32 s10, s9;
	s11 =	ssub.s32 s11, s12  }
0xe: {  	s10 =	sadd.s32 s10, s3;
	s20 =	sshll.u32 s19, $0x7;
	s22 =	sshll.u32 s21, $0x7  }
0xf: {  	s23 =	sshll.u32 s16, $0x7;
	s24 =	sshll.u32 s16, $0x4;
	s26 =	sshll.u32 s25, $0x7  }
0x10: {  	s7 =	sshrl.u32 s7, $0x3;
	s9 =	sshrl.u32 s9, $0x3;
	s12 =	sadd.s32 s20, s2  }
0x11: {  	s16 =	sadd.s32 s24, s3;
	s17 =	sadd.s32 s26, s2;
	s24 =	simm.s32 $0x57A0  }
0x12: {  	s26 =	simm.s32 $0x4E20;
	s7 =	sadd.s32 s7, s0;
	s0 =	sadd.s32 s9, s0  }
0x13: {  	s9 =	sadd.s32 s4, s2;
	s4 =	sshll.u32 s19, $0x4;
	[dreg:$0x5] =	wrdreg s12  }
0x14: {  	v0 =	vlaneseq.u32;
	s12 =	sadd.s32 s22, s2;
	s19 =	smul.u32 $0x2880, s1;
	s22 =	smax.u32 s11, $0x1  }
0x15: {  	v0 =	vmul.u32 $0x10, v0;
	s4 =	sadd.s32 s4, s3;
	[dreg:$0x7] =	wrdreg s12;
	s12 =	sshll.u32 s25, $0x4  }
0x16: {  	s20 =	sadd.s32 $0x4A000, s7;
	[dreg:$0x6] =	wrdreg s4;
	s4 =	sshll.u32 s21, $0x4  }
0x17: {  	v1 =	vimm.f32 $0.0e+00;
	v2 =	vor.u32 $0x100, v0;
	s25 =	simm.s32 $0x4FA0;
	s18 =	sadd.s32 s12, s3;
	s4 =	sadd.s32 s4, s3  }
0x18: {  	v3 =	vor.u32 $0x200, v0;
	v4 =	vor.u32 $0x300, v0;
	v5 =	vor.u32 $0x400, v0;
	s21 =	sadd.s32 $0x40000, s0;
	[dreg:$0x8] =	wrdreg s4;
	s4 =	sadd.s32 s23, s2  }
0x19: {  	v6 =	vor.u32 $0x500, v0;
	v7 =	vor.u32 $0x600, v0;
	v8 =	vor.u32 $0x700, v0;
	s0 =	simm.s32 $0x0;
	s23 =	simm.s32 $0x2;
	[dreg:$0x9] =	wrdreg s4  }
.LBB2_1:
0x1a: {  	s1 =	simm.s32 $0x0;
	s4 =	rddreg [dreg:$0x4]  }
0x1b: {  	[tilespmem:s1], [sflag:$0x2] =	stream.linear.gather [hbm4b:s4+s1], $0x4E20, $0x38;
	[tilespmem:$0x1FFA0] =	vst v63  }
0x1c: {  	_ =	swait.ge [sflag:s23], $0x4E20  }
0x1d: {  	[sflag:s23] =	ssyncset.done $0x0  }
0x1e: {  	s1 =	simm.s32 $0x57E0;
	[sflag:s23] =	ssyncadd.s32 $0xFFFFB1E0  }
0x1f: {  	[tilespmem:s1+$0xFFFFFFD0] =	vst v1  }
0x20: {  	[tilespmem:s1+$0xFFFFFFE0] =	vst v1  }
0x21: {  	[tilespmem:s1+$0xFFFFFFF0] =	vst v1  }
0x22: {  	[tilespmem:s1+$0x0] =	vst v1  }
0x23: {  	[tilespmem:s1+$0x10] =	vst v1  }
0x24: {  	[tilespmem:s1+$0x20] =	vst v1  }
0x25: {  	[tilespmem:s1+$0x30] =	vst v1  }
0x26: {  	s7 =	simm.s32 $0x0;
	s4 =	simm.s32 $0x40;
	[tilespmem:s1+$0xFFFFFFC0] =	vst v1  }
.LBB2_2:
0x27: {  	p0 =	sne.s32 s4, $0x1FC0;
	[tilespmem:s7+$0x4FA0] =	vst v1;
	s1 =	sadd.s32 $0x80, s1  }
0x28: {  	[tilespmem:s1+$0xFFFFFFD0] =	vst v1  }
0x29: {  	[tilespmem:s1+$0xFFFFFFE0] =	vst v1  }
0x2a: {  	[tilespmem:s1+$0xFFFFFFF0] =	vst v1  }
.Ltmp0:
0x2b: {  	[tilespmem:s1+$0x0] =	vst v1;
	(pc) =	sbr.rel @p0 .LBB2_2-.Ltmp0, $4  }
0x2c: {  	[tilespmem:s1+$0x10] =	vst v1  }
0x2d: {  	[tilespmem:s1+$0x20] =	vst v1  }
0x2e: {  	[tilespmem:s1+$0x30] =	vst v1  }
0x2f: {  	s7 =	sshra.s32 s4, $0x2;
	s4 =	sadd.s32 $0x40, s4;
	[tilespmem:s1+$0xFFFFFFC0] =	vst v1  }
0x30: {  	[tilespmem:s7+$0x4FA0] =	vst v1  }
0x31: {  	[spmem:s9] =	stream.linear.scatter [tilespmem:s24], [sflag:$0x2], $0x4000, $0x38;
	[tilespmem:$0x1FFA0] =	vst v63  }
0x32: {  	_ =	swait.ge [sflag:s23], $0x4000  }
0x33: {  	[sflag:s23] =	ssyncset.done $0x0  }
0x34: {  	[sflag:s23] =	ssyncadd.s32 $0xFFFFC000  }
0x35: {  	[spmem:s10] =	stream.linear.scatter [tilespmem:s25], [sflag:$0x2], $0x800, $0x38;
	[tilespmem:$0x1FFA0] =	vst v63  }
0x36: {  	_ =	swait.ge [sflag:s23], $0x800  }
0x37: {  	[sflag:s23] =	ssyncset.done $0x0  }
0x38: {  	s1 =	rddreg [dreg:$0x5];
	[sflag:s23] =	ssyncadd.s32 $0xFFFFF800  }
0x39: {  	[spmem:s1] =	stream.linear.scatter [tilespmem:s24], [sflag:$0x2], $0x4000, $0x38;
	[tilespmem:$0x1FFA0] =	vst v63  }
0x3a: {  	_ =	swait.ge [sflag:s23], $0x4000  }
0x3b: {  	[sflag:s23] =	ssyncset.done $0x0  }
0x3c: {  	s12 =	rddreg [dreg:$0x6];
	[sflag:s23] =	ssyncadd.s32 $0xFFFFC000  }
0x3d: {  	[spmem:s12] =	stream.linear.scatter [tilespmem:s25], [sflag:$0x2], $0x800, $0x38;
	[tilespmem:$0x1FFA0] =	vst v63  }
0x3e: {  	_ =	swait.ge [sflag:s23], $0x800  }
0x3f: {  	[sflag:s23] =	ssyncset.done $0x0  }
0x40: {  	s13 =	rddreg [dreg:$0x7];
	[sflag:s23] =	ssyncadd.s32 $0xFFFFF800  }
0x41: {  	[spmem:s13] =	stream.linear.scatter [tilespmem:s24], [sflag:$0x2], $0x4000, $0x38;
	[tilespmem:$0x1FFA0] =	vst v63  }
0x42: {  	_ =	swait.ge [sflag:s23], $0x4000  }
0x43: {  	[sflag:s23] =	ssyncset.done $0x0  }
0x44: {  	s14 =	rddreg [dreg:$0x8];
	[sflag:s23] =	ssyncadd.s32 $0xFFFFC000  }
0x45: {  	[spmem:s14] =	stream.linear.scatter [tilespmem:s25], [sflag:$0x2], $0x800, $0x38;
	[tilespmem:$0x1FFA0] =	vst v63  }
0x46: {  	_ =	swait.ge [sflag:s23], $0x800  }
0x47: {  	[sflag:s23] =	ssyncset.done $0x0  }
0x48: {  	s15 =	rddreg [dreg:$0x9];
	[sflag:s23] =	ssyncadd.s32 $0xFFFFF800  }
0x49: {  	[spmem:s15] =	stream.linear.scatter [tilespmem:s24], [sflag:$0x2], $0x4000, $0x38;
	[tilespmem:$0x1FFA0] =	vst v63  }
0x4a: {  	_ =	swait.ge [sflag:s23], $0x4000  }
0x4b: {  	[sflag:s23] =	ssyncset.done $0x0  }
0x4c: {  	[sflag:s23] =	ssyncadd.s32 $0xFFFFC000  }
0x4d: {  	[spmem:s16] =	stream.linear.scatter [tilespmem:s25], [sflag:$0x2], $0x800, $0x38;
	[tilespmem:$0x1FFA0] =	vst v63  }
0x4e: {  	_ =	swait.ge [sflag:s23], $0x800  }
0x4f: {  	[sflag:s23] =	ssyncset.done $0x0  }
0x50: {  	[sflag:s23] =	ssyncadd.s32 $0xFFFFF800  }
0x51: {  	[spmem:s17] =	stream.linear.scatter [tilespmem:s24], [sflag:$0x2], $0x4000, $0x38;
	[tilespmem:$0x1FFA0] =	vst v63  }
0x52: {  	_ =	swait.ge [sflag:s23], $0x4000  }
0x53: {  	[sflag:s23] =	ssyncset.done $0x0  }
0x54: {  	[sflag:s23] =	ssyncadd.s32 $0xFFFFC000  }
0x55: {  	[spmem:s18] =	stream.linear.scatter [tilespmem:s25], [sflag:$0x2], $0x800, $0x38;
	[tilespmem:$0x1FFA0] =	vst v63  }
0x56: {  	_ =	swait.ge [sflag:s23], $0x800  }
0x57: {  	[sflag:s23] =	ssyncset.done $0x0  }
0x58: {  	[sflag:s23] =	ssyncadd.s32 $0xFFFFF800  }
0x59: {  	s4 =	simm.s32 $0x0;
	s1 =	simm.s32 $0x0;
	[bflag:$0x0] =	sbarrier.arrive $0xFFFF  }
.LBB2_4:
0x5a: {  	s7 =	sshll.u32 s1, $0x7  }
0x5b: {  	s7 =	sadd.s32 s19, s7  }
0x5c: {  	s11 =	sshrl.u32 s7, $0x3  }
0x5d: {  	s12 =	sadd.s32 s5, s11  }
0x5e: {  	[tilespmem:s26], [sflag:$0x2] =	stream.linear.gather [hbm4b:s12+s4], $0x80, $0x38;
	[tilespmem:$0x1FFA0] =	vst v63  }
0x5f: {  	_ =	swait.ge [sflag:s23], $0x80  }
0x60: {  	[sflag:s23] =	ssyncset.done $0x0  }
0x61: {  	s11 =	sadd.s32 s6, s11;
	[sflag:s23] =	ssyncadd.s32 $0xFFFFFF80  }
0x62: {  	[tilespmem:s28], [sflag:$0x2] =	stream.linear.gather [hbm4b:s11+s4], $0x80, $0x38;
	[tilespmem:$0x1FFA0] =	vst v63  }
0x63: {  	_ =	swait.ge [sflag:s23], $0x80  }
0x64: {  	[sflag:s23] =	ssyncset.done $0x0  }
0x65: {  	[sflag:s23] =	ssyncadd.s32 $0xFFFFFF80  }
0x66: {  	[tilespmem:s24], [sflag:$0x1] =	stream.indirect.gather [hbm4b:s8+s29], $0x80, s26, s29, $0xb8;
	[tilespmem:$0x1FFA0] =	vst v63  }
0x67: {  	v9 =	vld [tilespmem:$0x4E20]  }
0x68: {  	v10 =	vld [tilespmem:$0x4EA0];
	_ =	sdelay $0x4  }
0x69: {  	v9 =	vshll.u32 v9, $0x1;
	v10 =	vshll.u32 v10, $0x1  }
0x6a: {  	v10 =	vor.u32 $0x1, v10;
	_ =	sdelay $0x3  }
0x6b: {  	v9 =	vld.idx.msk [tilespmem:v9+s4+$0x0], $0xffff  }
0x6c: {  	v10 =	vld.idx.msk [tilespmem:v10+s4+$0x0], $0xffff;
	_ =	sdelay $0x4  }
0x6d: {  	v9 =	vadd.f32 v10, v9;
	_ =	sdelay $0x1  }
0x6e: {  	v10 =	vmul.f32 $2.000000030e-01, v9  }
0x6f: {  	vm0 =	vge.f32 v9, $0.0e+00  }
0x70: {  	v9 =	vsel vm0, v9, v10  }
0x71: {  	v9 =	vmul.f32 $1.442695020e+00, v9;
	_ =	sdelay $0x1  }
0x72: {  	(erf) = vpow2.f32 v9;
	_ =	sdelay $0x8  }
0x73: {  	p0 =	slt.u32 s7, $0x50910;
	v9 =	vpop (erf)  }
0x74: {  	v9 =	vpsel !p0, $0x0, v9  }
0x75: {  	[tilespmem:$0x4F20] =	vst v9  }
0x76: {  	[tilespmem:v0+s25+$0x0] =	vst.idx.msk $0xffff, v9  }
0x77: {  	v9 =	vld [tilespmem:$0x4E30]  }
0x78: {  	v10 =	vld [tilespmem:$0x4EB0];
	_ =	sdelay $0x4  }
0x79: {  	v9 =	vshll.u32 v9, $0x1;
	v10 =	vshll.u32 v10, $0x1  }
0x7a: {  	v10 =	vor.u32 $0x1, v10;
	_ =	sdelay $0x3  }
0x7b: {  	v9 =	vld.idx.msk [tilespmem:v9+s4+$0x0], $0xffff  }
0x7c: {  	v10 =	vld.idx.msk [tilespmem:v10+s4+$0x0], $0xffff;
	_ =	sdelay $0x4  }
0x7d: {  	v9 =	vadd.f32 v10, v9;
	_ =	sdelay $0x1  }
0x7e: {  	v10 =	vmul.f32 $2.000000030e-01, v9  }
0x7f: {  	vm9 =	vge.f32 v9, $0.0e+00  }
0x80: {  	v9 =	vsel vm9, v9, v10  }
0x81: {  	v9 =	vmul.f32 $1.442695020e+00, v9;
	_ =	sdelay $0x1  }
0x82: {  	(erf) = vpow2.f32 v9;
	_ =	sdelay $0x7  }
0x83: {  	s12 =	sor.u32 $0x10, s7  }
0x84: {  	p6 =	slt.u32 s12, $0x50910;
	v9 =	vpop (erf)  }
0x85: {  	v9 =	vpsel !p6, $0x0, v9  }
0x86: {  	[tilespmem:$0x4F30] =	vst v9  }
0x87: {  	[tilespmem:v2+s25+$0x0] =	vst.idx.msk $0xffff, v9  }
0x88: {  	v9 =	vld [tilespmem:$0x4E40]  }
0x89: {  	v10 =	vld [tilespmem:$0x4EC0];
	_ =	sdelay $0x4  }
0x8a: {  	v9 =	vshll.u32 v9, $0x1;
	v10 =	vshll.u32 v10, $0x1  }
0x8b: {  	v10 =	vor.u32 $0x1, v10;
	_ =	sdelay $0x3  }
0x8c: {  	v9 =	vld.idx.msk [tilespmem:v9+s4+$0x0], $0xffff  }
0x8d: {  	v10 =	vld.idx.msk [tilespmem:v10+s4+$0x0], $0xffff;
	_ =	sdelay $0x4  }
0x8e: {  	v9 =	vadd.f32 v10, v9;
	_ =	sdelay $0x1  }
0x8f: {  	v10 =	vmul.f32 $2.000000030e-01, v9  }
0x90: {  	vm10 =	vge.f32 v9, $0.0e+00  }
0x91: {  	v9 =	vsel vm10, v9, v10  }
0x92: {  	v9 =	vmul.f32 $1.442695020e+00, v9;
	_ =	sdelay $0x1  }
0x93: {  	(erf) = vpow2.f32 v9;
	_ =	sdelay $0x7  }
0x94: {  	s13 =	sor.u32 $0x20, s7  }
0x95: {  	p1 =	slt.u32 s13, $0x50910;
	v9 =	vpop (erf)  }
0x96: {  	v9 =	vpsel !p1, $0x0, v9  }
0x97: {  	[tilespmem:$0x4F40] =	vst v9  }
0x98: {  	[tilespmem:v3+s25+$0x0] =	vst.idx.msk $0xffff, v9  }
0x99: {  	v9 =	vld [tilespmem:$0x4E50]  }
0x9a: {  	v10 =	vld [tilespmem:$0x4ED0];
	_ =	sdelay $0x4  }
0x9b: {  	v9 =	vshll.u32 v9, $0x1;
	v10 =	vshll.u32 v10, $0x1  }
0x9c: {  	v10 =	vor.u32 $0x1, v10;
	_ =	sdelay $0x3  }
0x9d: {  	v9 =	vld.idx.msk [tilespmem:v9+s4+$0x0], $0xffff  }
0x9e: {  	v10 =	vld.idx.msk [tilespmem:v10+s4+$0x0], $0xffff;
	_ =	sdelay $0x4  }
0x9f: {  	v9 =	vadd.f32 v10, v9;
	_ =	sdelay $0x1  }
0xa0: {  	v10 =	vmul.f32 $2.000000030e-01, v9  }
0xa1: {  	vm11 =	vge.f32 v9, $0.0e+00  }
0xa2: {  	v9 =	vsel vm11, v9, v10  }
0xa3: {  	v9 =	vmul.f32 $1.442695020e+00, v9;
	_ =	sdelay $0x1  }
0xa4: {  	(erf) = vpow2.f32 v9;
	_ =	sdelay $0x7  }
0xa5: {  	s14 =	sor.u32 $0x30, s7  }
0xa6: {  	p2 =	slt.u32 s14, $0x50910;
	v9 =	vpop (erf)  }
0xa7: {  	v9 =	vpsel !p2, $0x0, v9  }
0xa8: {  	[tilespmem:$0x4F50] =	vst v9  }
0xa9: {  	[tilespmem:v4+s25+$0x0] =	vst.idx.msk $0xffff, v9  }
0xaa: {  	v9 =	vld [tilespmem:$0x4E60]  }
0xab: {  	v10 =	vld [tilespmem:$0x4EE0];
	_ =	sdelay $0x4  }
0xac: {  	v9 =	vshll.u32 v9, $0x1;
	v10 =	vshll.u32 v10, $0x1  }
0xad: {  	v10 =	vor.u32 $0x1, v10;
	_ =	sdelay $0x3  }
0xae: {  	v9 =	vld.idx.msk [tilespmem:v9+s4+$0x0], $0xffff  }
0xaf: {  	v10 =	vld.idx.msk [tilespmem:v10+s4+$0x0], $0xffff;
	_ =	sdelay $0x4  }
0xb0: {  	v9 =	vadd.f32 v10, v9;
	_ =	sdelay $0x1  }
0xb1: {  	v10 =	vmul.f32 $2.000000030e-01, v9  }
0xb2: {  	vm12 =	vge.f32 v9, $0.0e+00  }
0xb3: {  	v9 =	vsel vm12, v9, v10  }
0xb4: {  	v9 =	vmul.f32 $1.442695020e+00, v9;
	_ =	sdelay $0x1  }
0xb5: {  	(erf) = vpow2.f32 v9;
	_ =	sdelay $0x7  }
0xb6: {  	s15 =	sor.u32 $0x40, s7  }
0xb7: {  	p3 =	slt.u32 s15, $0x50910;
	v9 =	vpop (erf)  }
0xb8: {  	v9 =	vpsel !p3, $0x0, v9  }
0xb9: {  	[tilespmem:$0x4F60] =	vst v9  }
0xba: {  	[tilespmem:v5+s25+$0x0] =	vst.idx.msk $0xffff, v9  }
0xbb: {  	v9 =	vld [tilespmem:$0x4E70]  }
0xbc: {  	v10 =	vld [tilespmem:$0x4EF0];
	_ =	sdelay $0x4  }
0xbd: {  	v9 =	vshll.u32 v9, $0x1;
	v10 =	vshll.u32 v10, $0x1  }
0xbe: {  	v10 =	vor.u32 $0x1, v10;
	_ =	sdelay $0x3  }
0xbf: {  	v9 =	vld.idx.msk [tilespmem:v9+s4+$0x0], $0xffff  }
0xc0: {  	v10 =	vld.idx.msk [tilespmem:v10+s4+$0x0], $0xffff;
	_ =	sdelay $0x4  }
0xc1: {  	v9 =	vadd.f32 v10, v9;
	_ =	sdelay $0x1  }
0xc2: {  	v10 =	vmul.f32 $2.000000030e-01, v9  }
0xc3: {  	vm13 =	vge.f32 v9, $0.0e+00  }
0xc4: {  	v9 =	vsel vm13, v9, v10  }
0xc5: {  	v9 =	vmul.f32 $1.442695020e+00, v9;
	_ =	sdelay $0x1  }
0xc6: {  	(erf) = vpow2.f32 v9;
	_ =	sdelay $0x7  }
0xc7: {  	s12 =	sor.u32 $0x50, s7  }
0xc8: {  	p4 =	slt.u32 s12, $0x50910;
	v9 =	vpop (erf)  }
0xc9: {  	v9 =	vpsel !p4, $0x0, v9  }
0xca: {  	[tilespmem:$0x4F70] =	vst v9  }
0xcb: {  	[tilespmem:v6+s25+$0x0] =	vst.idx.msk $0xffff, v9  }
0xcc: {  	v9 =	vld [tilespmem:$0x4E80]  }
0xcd: {  	v10 =	vld [tilespmem:$0x4F00];
	_ =	sdelay $0x4  }
0xce: {  	v9 =	vshll.u32 v9, $0x1;
	v10 =	vshll.u32 v10, $0x1  }
0xcf: {  	v10 =	vor.u32 $0x1, v10;
	_ =	sdelay $0x3  }
0xd0: {  	v9 =	vld.idx.msk [tilespmem:v9+s4+$0x0], $0xffff  }
0xd1: {  	v10 =	vld.idx.msk [tilespmem:v10+s4+$0x0], $0xffff;
	_ =	sdelay $0x4  }
0xd2: {  	v9 =	vadd.f32 v10, v9;
	_ =	sdelay $0x1  }
0xd3: {  	v10 =	vmul.f32 $2.000000030e-01, v9  }
0xd4: {  	vm14 =	vge.f32 v9, $0.0e+00  }
0xd5: {  	v9 =	vsel vm14, v9, v10  }
0xd6: {  	v9 =	vmul.f32 $1.442695020e+00, v9;
	_ =	sdelay $0x1  }
0xd7: {  	(erf) = vpow2.f32 v9;
	_ =	sdelay $0x7  }
0xd8: {  	s13 =	sor.u32 $0x60, s7  }
0xd9: {  	p5 =	slt.u32 s13, $0x50910;
	v9 =	vpop (erf)  }
0xda: {  	v9 =	vpsel !p5, $0x0, v9  }
0xdb: {  	[tilespmem:$0x4F80] =	vst v9  }
0xdc: {  	[tilespmem:v7+s25+$0x0] =	vst.idx.msk $0xffff, v9  }
0xdd: {  	v9 =	vld [tilespmem:$0x4E90]  }
0xde: {  	v10 =	vld [tilespmem:$0x4F10];
	_ =	sdelay $0x4  }
0xdf: {  	v9 =	vshll.u32 v9, $0x1;
	v10 =	vshll.u32 v10, $0x1  }
0xe0: {  	v10 =	vor.u32 $0x1, v10;
	_ =	sdelay $0x3  }
0xe1: {  	v9 =	vld.idx.msk [tilespmem:v9+s4+$0x0], $0xffff  }
0xe2: {  	v10 =	vld.idx.msk [tilespmem:v10+s4+$0x0], $0xffff;
	_ =	sdelay $0x4  }
0xe3: {  	v9 =	vadd.f32 v10, v9;
	_ =	sdelay $0x1  }
0xe4: {  	v10 =	vmul.f32 $2.000000030e-01, v9  }
0xe5: {  	vm15 =	vge.f32 v9, $0.0e+00  }
0xe6: {  	v9 =	vsel vm15, v9, v10  }
0xe7: {  	v9 =	vmul.f32 $1.442695020e+00, v9;
	_ =	sdelay $0x1  }
0xe8: {  	(erf) = vpow2.f32 v9;
	_ =	sdelay $0x7  }
0xe9: {  	s7 =	sor.u32 $0x70, s7  }
0xea: {  	p6 =	slt.u32 s7, $0x50910;
	v10 =	vmov s4;
	v9 =	vpop (erf)  }
0xeb: {  	v10 =	vand.u32 $0xFFFFFFFC, v10;
	v9 =	vpsel !p6, $0x0, v9  }
0xec: {  	v10 =	vbroadcast v10, $0x0;
	[tilespmem:$0x4F90] =	vst v9  }
0xed: {  	[tilespmem:v8+s25+$0x0] =	vst.idx.msk $0xffff, v9  }
0xee: {  	_ =	swait.ge [sflag:s30], $0x4000  }
0xef: {  	[sflag:s30] =	ssyncset.done $0x0  }
0xf0: {  	s7 =	simm.s32 $0x58A0;
	[sflag:s30] =	ssyncadd.s32 $0xFFFFC000  }
0xf1: {  	v9 =	vld [tilespmem:s7+$0xFFFFFF70]  }
0xf2: {  	v10 =	vld.idx.msk [tilespmem:v10+s31+$0x0], $0xffff  }
0xf3: {  	v11 =	vld [tilespmem:s7+$0xFFFFFF00]  }
0xf4: {  	v12 =	vld [tilespmem:s7+$0xFFFFFF20]  }
0xf5: {  	v13 =	vld [tilespmem:s7+$0xFFFFFF50]  }
0xf6: {  	v14 =	vld [tilespmem:s7+$0xFFFFFF40]  }
0xf7: {  	v15 =	vld [tilespmem:s7+$0xFFFFFF60];
	v9 =	vmul.f32 v9, v10  }
0xf8: {  	s14 =	simm.s32 $0x1;
	v16 =	vld [tilespmem:s7+$0xFFFFFF30];
	v11 =	vmul.f32 v11, v10  }
0xf9: {  	v17 =	vld [tilespmem:s7+$0xFFFFFF10];
	v12 =	vmul.f32 v12, v10;
	[tilespmem:s7+$0xFFFFFF70] =	vst v9;
	v9 =	vmov s14  }
0xfa: {  	v13 =	vmul.f32 v13, v10;
	[tilespmem:s7+$0xFFFFFF00] =	vst v11;
	v9 =	vand.u32 $0xFFFFFFFD, v9  }
0xfb: {  	v11 =	vmul.f32 v14, v10;
	[tilespmem:s7+$0xFFFFFF20] =	vst v12;
	v9 =	vbroadcast v9, $0x0  }
0xfc: {  	v12 =	vmul.f32 v15, v10;
	[tilespmem:s7+$0xFFFFFF50] =	vst v13  }
0xfd: {  	v13 =	vmul.f32 v16, v10;
	[tilespmem:s7+$0xFFFFFF40] =	vst v11  }
0xfe: {  	v10 =	vmul.f32 v17, v10;
	[tilespmem:s7+$0xFFFFFF60] =	vst v12  }
0xff: {  	v14 =	vld [tilespmem:s7+$0xFFFFFFC0];
	[tilespmem:s7+$0xFFFFFF30] =	vst v13  }
0x100: {  	[tilespmem:s7+$0xFFFFFF10] =	vst v10;
	v10 =	vld [tilespmem:s7+$0xFFFFFF90]  }
0x101: {  	v11 =	vld.idx.msk [tilespmem:v9+s31+$0x0], $0xffff  }
0x102: {  	v9 =	vld [tilespmem:s7+$0xFFFFFFA0]  }
0x103: {  	v12 =	vld [tilespmem:s7+$0xFFFFFF80]  }
0x104: {  	v13 =	vld [tilespmem:s7+$0xFFFFFFB0]  }
0x105: {  	v15 =	vld [tilespmem:s7+$0xFFFFFFD0]  }
0x106: {  	v16 =	vld [tilespmem:s7+$0xFFFFFFF0];
	v10 =	vmul.f32 v10, v11  }
0x107: {  	s15 =	simm.s32 $0x2;
	v9 =	vmul.f32 v9, v11  }
0x108: {  	v17 =	vld [tilespmem:s7+$0xFFFFFFE0];
	v12 =	vmul.f32 v12, v11;
	[tilespmem:s7+$0xFFFFFF90] =	vst v10;
	v10 =	vmov s15  }
0x109: {  	v13 =	vmul.f32 v13, v11;
	[tilespmem:s7+$0xFFFFFFA0] =	vst v9;
	v9 =	vand.u32 $0xFFFFFFFE, v10  }
0x10a: {  	[tilespmem:s7+$0xFFFFFF80] =	vst v12;
	v12 =	vmul.f32 v15, v11;
	v15 =	vld [tilespmem:s7+$0x0];
	v18 =	vbroadcast v9, $0x0  }
0x10b: {  	[tilespmem:s7+$0xFFFFFFB0] =	vst v13;
	v13 =	vmul.f32 v16, v11;
	v10 =	vmul.f32 v14, v11;
	v14 =	vld [tilespmem:s7+$0x60]  }
0x10c: {  	v9 =	vld [tilespmem:s7+$0x20];
	[tilespmem:s7+$0xFFFFFFD0] =	vst v12  }
0x10d: {  	v11 =	vmul.f32 v17, v11;
	[tilespmem:s7+$0xFFFFFFF0] =	vst v13;
	v12 =	vld [tilespmem:s7+$0x40]  }
0x10e: {  	v13 =	vld [tilespmem:s7+$0x10];
	[tilespmem:s7+$0xFFFFFFC0] =	vst v10  }
0x10f: {  	v10 =	vld [tilespmem:s7+$0x30];
	[tilespmem:s7+$0xFFFFFFE0] =	vst v11  }
0x110: {  	s13 =	simm.s32 $0x58A0;
	s12 =	simm.s32 $0x4;
	s11 =	simm.s32 $0x0;
	v11 =	vld.idx.msk [tilespmem:v18+s31+$0x0], $0xffff  }
.LBB2_5:
0x111: {  	p0 =	sne.s32 s12, $0x7C  }
0x112: {  	v16 =	vld [tilespmem:s7+$0x50];
	s13 =	sadd.s32 $0x200, s13;
	s14 =	smov.u32 s12;
	s12 =	sadd.s32 $0x4, s12  }
0x113: {  	v17 =	vld [tilespmem:s7+$0x70];
	_ =	sdelay $0x1  }
0x114: {  	v14 =	vmul.f32 v14, v11;
	v15 =	vmul.f32 v15, v11  }
0x115: {  	v12 =	vmul.f32 v12, v11;
	v13 =	vmul.f32 v13, v11  }
0x116: {  	v9 =	vmul.f32 v9, v11;
	v10 =	vmul.f32 v10, v11;
	[tilespmem:s7+$0x60] =	vst v14  }
0x117: {  	[tilespmem:s7+$0x40] =	vst v12;
	v12 =	vmul.f32 v16, v11;
	v11 =	vmul.f32 v17, v11  }
0x118: {  	s15 =	sadd.s32 $0x3, s11;
	s11 =	smov.u32 s14;
	[tilespmem:s7+$0x20] =	vst v9;
	v14 =	vld [tilespmem:s7+$0x80]  }
0x119: {  	v9 =	vld [tilespmem:s13+$0x20];
	[tilespmem:s7+$0x0] =	vst v15;
	v15 =	vmov s15  }
0x11a: {  	[tilespmem:s7+$0x50] =	vst v12;
	v12 =	vld [tilespmem:s7+$0xE0]  }
0x11b: {  	[tilespmem:s7+$0x30] =	vst v10;
	v16 =	vld [tilespmem:s7+$0xC0]  }
0x11c: {  	v10 =	vld [tilespmem:s13+$0x30];
	[tilespmem:s7+$0x10] =	vst v13  }
0x11d: {  	[tilespmem:s7+$0x70] =	vst v11;
	v11 =	vld [tilespmem:s7+$0xA0]  }
0x11e: {  	v13 =	vld.idx.msk [tilespmem:v15+s31+$0x0], $0xffff  }
0x11f: {  	v15 =	vld [tilespmem:s7+$0x90]  }
0x120: {  	v17 =	vld [tilespmem:s7+$0xB0]  }
0x121: {  	v18 =	vld [tilespmem:s7+$0xD0]  }
0x122: {  	v19 =	vld [tilespmem:s7+$0xF0];
	_ =	sdelay $0x1  }
0x123: {  	v14 =	vmul.f32 v14, v13;
	v15 =	vmul.f32 v15, v13  }
0x124: {  	v11 =	vmul.f32 v11, v13;
	v17 =	vmul.f32 v17, v13  }
0x125: {  	v20 =	vmov s11;
	[tilespmem:s7+$0x80] =	vst v14;
	v14 =	vmul.f32 v16, v13;
	v16 =	vmul.f32 v18, v13  }
0x126: {  	v18 =	vand.u32 $0xFFFFFFFC, v20;
	[tilespmem:s7+$0xA0] =	vst v11;
	v11 =	vmul.f32 v12, v13;
	v12 =	vmul.f32 v19, v13  }
0x127: {  	v13 =	vbroadcast v18, $0x0;
	[tilespmem:s7+$0xC0] =	vst v14  }
0x128: {  	[tilespmem:s7+$0xF0] =	vst v12  }
0x129: {  	v12 =	vld [tilespmem:s13+$0xFFFFFF40];
	[tilespmem:s7+$0xE0] =	vst v11  }
0x12a: {  	v11 =	vld [tilespmem:s13+$0xFFFFFF50];
	[tilespmem:s7+$0x90] =	vst v15  }
0x12b: {  	v14 =	vld [tilespmem:s13+$0xFFFFFF60];
	[tilespmem:s7+$0xB0] =	vst v17  }
0x12c: {  	v15 =	vld [tilespmem:s13+$0xFFFFFF70];
	[tilespmem:s7+$0xD0] =	vst v16;
	s7 =	smov.u32 s13  }
0x12d: {  	v13 =	vld.idx.msk [tilespmem:v13+s31+$0x0], $0xffff  }
0x12e: {  	v16 =	vld [tilespmem:s13+$0xFFFFFF00]  }
0x12f: {  	v17 =	vld [tilespmem:s13+$0xFFFFFF20]  }
0x130: {  	v18 =	vld [tilespmem:s13+$0xFFFFFF10]  }
0x131: {  	v19 =	vld [tilespmem:s13+$0xFFFFFF30];
	_ =	sdelay $0x1  }
0x132: {  	v15 =	vmul.f32 v15, v13;
	v16 =	vmul.f32 v16, v13  }
0x133: {  	s14 =	sadd.s32 $0x1, s11;
	v14 =	vmul.f32 v14, v13;
	v17 =	vmul.f32 v17, v13  }
0x134: {  	v11 =	vmul.f32 v11, v13;
	v18 =	vmul.f32 v18, v13;
	[tilespmem:s13+$0xFFFFFF70] =	vst v15;
	v15 =	vmov s14  }
0x135: {  	v12 =	vmul.f32 v12, v13;
	[tilespmem:s13+$0xFFFFFF00] =	vst v16;
	v16 =	vmul.f32 v19, v13;
	v13 =	vand.u32 $0xFFFFFFFD, v15  }
0x136: {  	[tilespmem:s13+$0xFFFFFF20] =	vst v17;
	v13 =	vbroadcast v13, $0x0  }
0x137: {  	[tilespmem:s13+$0xFFFFFF50] =	vst v11  }
0x138: {  	[tilespmem:s13+$0xFFFFFF40] =	vst v12;
	v11 =	vld [tilespmem:s13+$0xFFFFFFF0]  }
0x139: {  	[tilespmem:s13+$0xFFFFFF60] =	vst v14;
	v12 =	vld [tilespmem:s13+$0xFFFFFFC0]  }
0x13a: {  	[tilespmem:s13+$0xFFFFFF30] =	vst v16;
	v14 =	vld [tilespmem:s13+$0xFFFFFFD0]  }
0x13b: {  	[tilespmem:s13+$0xFFFFFF10] =	vst v18;
	v15 =	vld [tilespmem:s13+$0xFFFFFF90]  }
0x13c: {  	v13 =	vld.idx.msk [tilespmem:v13+s31+$0x0], $0xffff  }
0x13d: {  	v16 =	vld [tilespmem:s13+$0xFFFFFF80]  }
0x13e: {  	v17 =	vld [tilespmem:s13+$0xFFFFFFA0]  }
0x13f: {  	v18 =	vld [tilespmem:s13+$0xFFFFFFB0]  }
0x140: {  	v19 =	vld [tilespmem:s13+$0xFFFFFFE0];
	_ =	sdelay $0x1  }
0x141: {  	v15 =	vmul.f32 v15, v13;
	v16 =	vmul.f32 v16, v13  }
0x142: {  	s14 =	sadd.s32 $0x2, s11;
	v14 =	vmul.f32 v14, v13;
	v17 =	vmul.f32 v17, v13  }
0x143: {  	v12 =	vmul.f32 v12, v13;
	[tilespmem:s13+$0xFFFFFF90] =	vst v15;
	v15 =	vmul.f32 v18, v13;
	v18 =	vmov s14  }
0x144: {  	v11 =	vmul.f32 v11, v13;
	[tilespmem:s13+$0xFFFFFFA0] =	vst v17;
	v17 =	vmul.f32 v19, v13;
	v13 =	vand.u32 $0xFFFFFFFE, v18  }
0x145: {  	[tilespmem:s13+$0xFFFFFF80] =	vst v16;
	v13 =	vbroadcast v13, $0x0  }
0x146: {  	[tilespmem:s13+$0xFFFFFFB0] =	vst v15  }
0x147: {  	[tilespmem:s13+$0xFFFFFFC0] =	vst v12  }
0x148: {  	[tilespmem:s13+$0xFFFFFFD0] =	vst v14  }
.Ltmp1:
0x149: {  	[tilespmem:s13+$0xFFFFFFF0] =	vst v11;
	v12 =	vld [tilespmem:s13+$0x40];
	(pc) =	sbr.rel @p0 .LBB2_5-.Ltmp1, $4  }
0x14a: {  	[tilespmem:s13+$0xFFFFFFE0] =	vst v17;
	v14 =	vld [tilespmem:s13+$0x60]  }
0x14b: {  	v11 =	vld.idx.msk [tilespmem:v13+s31+$0x0], $0xffff  }
0x14c: {  	v15 =	vld [tilespmem:s13+$0x0]  }
0x14d: {  	v13 =	vld [tilespmem:s13+$0x10]  }
0x14e: {  	_ =	sdelay $0x1  }
0x14f: {  	v14 =	vmul.f32 v14, v11  }
0x150: {  	v16 =	vld [tilespmem:s7+$0x50];
	v12 =	vmul.f32 v12, v11  }
0x151: {  	v17 =	vld [tilespmem:s7+$0x70];
	v9 =	vmul.f32 v9, v11;
	[tilespmem:s7+$0x60] =	vst v14  }
0x152: {  	v54 =	vmul.f32 v15, v11;
	[tilespmem:s7+$0x40] =	vst v12  }
0x153: {  	s11 =	sadd.s32 $0x3, s11;
	[tilespmem:s7+$0x20] =	vst v9;
	v9 =	vmul.f32 v10, v11  }
0x154: {  	v56 =	vmov s11;
	v13 =	vmul.f32 v13, v11;
	[tilespmem:s7+$0x0] =	vst v54  }
0x155: {  	v55 =	vmul.f32 v16, v11;
	[tilespmem:s7+$0x30] =	vst v9  }
0x156: {  	v11 =	vmul.f32 v17, v11;
	[tilespmem:s7+$0x10] =	vst v13  }
0x157: {  	[tilespmem:s7+$0x50] =	vst v55  }
0x158: {  	v10 =	vld [tilespmem:s7+$0x80];
	[tilespmem:s7+$0x70] =	vst v11  }
0x159: {  	v9 =	vld.idx.msk [tilespmem:v56+s31+$0x0], $0xffff  }
0x15a: {  	v11 =	vld [tilespmem:s7+$0xA0]  }
0x15b: {  	v59 =	vld [tilespmem:s7+$0xE0]  }
0x15c: {  	v57 =	vld [tilespmem:s7+$0xC0]  }
0x15d: {  	v58 =	vld [tilespmem:s7+$0xF0]  }
0x15e: {  	v60 =	vld [tilespmem:s7+$0x90];
	v10 =	vmul.f32 v10, v9  }
0x15f: {  	v61 =	vld [tilespmem:s7+$0xB0];
	v11 =	vmul.f32 v11, v9  }
0x160: {  	v62 =	vld [tilespmem:s7+$0xD0];
	v63 =	vmul.f32 v59, v9;
	[tilespmem:s7+$0x80] =	vst v10  }
0x161: {  	v10 =	vmul.f32 v57, v9;
	[tilespmem:s7+$0xA0] =	vst v11  }
0x162: {  	v11 =	vmul.f32 v58, v9;
	[tilespmem:s7+$0xE0] =	vst v63  }
0x163: {  	[tilespmem:s7+$0xC0] =	vst v10;
	v10 =	vmul.f32 v60, v9  }
0x164: {  	[tilespmem:s7+$0xF0] =	vst v11;
	v11 =	vmul.f32 v61, v9  }
0x165: {  	v9 =	vmul.f32 v62, v9;
	[tilespmem:s7+$0x90] =	vst v10  }
0x166: {  	[tilespmem:s7+$0xB0] =	vst v11  }
0x167: {  	[tilespmem:s7+$0xD0] =	vst v9  }
0x168: {  	[spmem:s2] =	stream.indirect.scatter.add.f32 [tilespmem:s24], [sflag:$0x2], $0x80, s28, s29, $0xb8;
	[tilespmem:$0x1FFA0] =	vst v63  }
0x169: {  	s1 =	sadd.s32 $0x1, s1;
	_ =	swait.ge [sflag:s23], $0x4000  }
0x16a: {  	p0 =	sne.s32 s1, $0x51;
	[sflag:s23] =	ssyncset.done $0x0  }
.Ltmp2:
0x16b: {  	[sflag:s23] =	ssyncadd.s32 $0xFFFFC000;
	(pc) =	sbr.rel @p0 .LBB2_4-.Ltmp2, $4  }
0x16c: {  	[spmem:s3] =	stream.indirect.scatter.add.f32 [tilespmem:s25], [sflag:$0x2], $0x10, s28, s29, $0xb8;
	[tilespmem:$0x1FFA0] =	vst v63  }
0x16d: {  	_ =	swait.ge [sflag:s23], $0x800  }
0x16e: {  	[sflag:s23] =	ssyncset.done $0x0  }
0x16f: {  	[sflag:s23] =	ssyncadd.s32 $0xFFFFF800  }
0x170: {  	s1 =	stileid.u32  }
0x171: {  	s1 =	sshll.u32 s1, $0x6  }
0x172: {  	[bflag:$0x0] =	sbarrier.arrive $0xFFFF;
	s4 =	sshrl.u32 s9, $0x3;
	s1 =	sor.u32 $0x1C02, s1  }
0x173: {  	[hbm:s20], [sflag:s1] =	dma.local [spmem:s4], $0x2800  }
0x174: {  	s0 =	sadd.s32 $0x1, s0;
	_ =	swait.ge [sflag:s23], $0x2800  }
0x175: {  	p0 =	sne.s32 s0, s22;
	[sflag:s23] =	ssyncset.done $0x0  }
.Ltmp3:
0x176: {  	s15 =	sshrl.u32 s10, $0x3;
	[sflag:s23] =	ssyncadd.s32 $0xFFFFD800;
	(pc) =	sbr.rel @p0 .LBB2_1-.Ltmp3, $4  }
0x177: {  	[hbm:s21], [sflag:s1] =	dma.local [spmem:s15], $0x500  }
0x178: {  	_ =	swait.ge [sflag:s23], $0x500  }
0x179: {  	[sflag:s23] =	ssyncset.done $0x0  }
0x17a: {  	[sflag:s23] =	ssyncadd.s32 $0xFFFFFB00  }
0x17b: {  	_ =	sfence.sel $0x180000  }
0x17c: {  	[bflag:$0x0] =	sbarrier.arrive $0xFFFF  }
0x17d: {  	_ =	strace $0x9000004A  }
0x17e: {  	s0 =	stileid.u32;
	[bflag:$0x2] =	sbarrier.arrive $0xFFFF  }
0x17f: {  	p0 =	sne.s32 s0, $0x0;
	s0 =	rddreg [dreg:$0x3]  }
0x180: {  	s0 =	sadd.s32 @!p0 $0x100000, s0  }
0x181: {  	[sflag:s0] =	ssyncadd.tile.s32 @!p0 $0x1;
	_ =	shalt  }
.Lfunc_end2:
_tile_overlayer_lowered:
.L_overlay_start_2:
0x182: {  	(tag) =	ssettag $0x2  }
0x183: {  	s0 =	rddreg [dreg:$0x0];
	s2 =	stileid.u32  }
0x184: {  	s1 =	rddreg [dreg:$0x1];
	p0 =	sne.s32 s2, $0x0  }
0x185: {  	s3 =	rddreg [dreg:$0x2];
	[bflag:$0x3] =	sbarrier.arrive $0xFFFF;
	s2 =	simm.s32 @!p0 $0x1C02  }
0x186: {  	[timem:s3], [sflag:s2] =	dma.local @!p0 [hbm:s0], s1  }
0x187: {  	s0 =	simm.s32 @!p0 $0x2  }
0x188: {  	_ =	swait.ge @!p0 [sflag:s0], s1  }
0x189: {  	s1 =	ssub.s32 @!p0 $0x0, s1;
	[sflag:s0] =	ssyncset.done @!p0 $0x0  }
0x18a: {  	[sflag:s0] =	ssyncadd.s32 @!p0 s1  }
0x18b: {  	[bflag:$0x3] =	sbarrier.arrive $0xFFFF  }
0x18c: {  	_ =	shalt  }

// kernel: kernel.8.cloned.1.call-start
scs
__scs_entry_jumppad:
0x0: {  	(pc) =	sbr.rel $0x88, $3  }
0x1: {  	(tag) =	ssettag $0x0;
	lr =	simm.s32 $0x1  }
0x2: {  	[smem:$0x3F8E] =	sst lr;
	_ =	strace $0xD0000000  }
0x3: {  	_ = 	snop  }
0x4: {  	_ = 	snop  }
0x5: {  	_ = 	snop  }
0x6: {  	_ = 	snop  }
0x7: {  	_ = 	snop  }
__scs_overlays_trampoline_lowered:
0x8: {  	[smem:$0x3F9D] =	sst s0  }
0x9: {  	[smem:$0x3F9E] =	sst s1  }
0xa: {  	[smem:$0x3F9F] =	sst s2  }
0xb: {  	[smem:$0x3FA0] =	sst s3  }
0xc: {  	[smem:$0x3FA1] =	sst s4  }
0xd: {  	[smem:$0x3FA2] =	sst s5  }
0xe: {  	[smem:$0x3FA3] =	sst s6  }
0xf: {  	[smem:$0x3FA4] =	sst s7  }
0x10: {  	[smem:$0x3FA5] =	sst s8  }
0x11: {  	[smem:$0x3FA6] =	sst s9;
	s0 =	simm.s32 @!p0 $0x0  }
0x12: {  	s1 =	sld [smem:$0x3F8C];
	s0 =	simm.s32 @p0 $0x1  }
0x13: {  	[smem:$0x3FA7] =	sst s0;
	s0 =	simm.s32 @!p1 $0x0  }
0x14: {  	s2 =	sld [smem:$0x3F8B];
	s0 =	simm.s32 @p1 $0x1  }
0x15: {  	[smem:$0x3FA8] =	sst s0;
	s0 =	simm.s32 @!p2 $0x0  }
0x16: {  	s3 =	sld [smem:$0x3FDB];
	s0 =	simm.s32 @p2 $0x1  }
0x17: {  	s4 =	simm.s32 $0x1BF5;
	[smem:$0x3FAA] =	sst s0  }
0x18: {  	s0 =	sld [smem:$0x3F8D];
	_ =	swait.ge [sflag:s4], $0x0  }
0x19: {  	s7 =	sld [smem:$0x3F8E]  }
0x1a: {  	s8 =	sadd.s32 $0xFFFFE003, lr  }
0x1b: {  	s9 =	sadd.s32 $0xFFFFFEF7, lr;
	s5 =	simm.s32 $0xFFFFFFFF;
	p2 =	slt.u32 s8, $0xFFFFF086  }
0x1c: {  	p1 =	slt.u32 s9, $0xF7A;
	s5 =	simm.s32 @!p2 $0x0  }
0x1d: {  	s5 =	simm.s32 @p1 $0x1;
	p0 =	seq.s32 s7, s2  }
0x1e: {  	s7 =	smul.u32 @!p0 $0xF7A, s2;
	p2 =	seq.s32 @!p0 s5, $0x0  }
0x1f: {  	s9 =	smul.u32 $0xF7A, s1;
	s8 =	simm.s32 @!p0 $0x1BF5;
	p2 =	por !p2, p0  }
0x20: {  	[sflag:s8] =	ssyncset.s32 @!p0 $0xFFFFF086;
	s6 =	sadd.s32 @!p0 s3, s7;
	s7 =	simm.s32 @!p0 $0x108  }
0x21: {  	s3 =	sadd.s32 s3, s9;
	s6 =	sadd.s32 @!p0 $0x88, s6;
	s7 =	simm.s32 @p2 $0x1082  }
0x22: {  	[simem:s7], [sflag:s8] =	dma.local @!p0 [hbm:s6], $0xF7A  }
0x23: {  	s9 =	sor.u32 $0xD0000000, s2;
	s6 =	simm.s32 $0x108;
	_ =	swait.ge @!p0 [sflag:s8], $0x0  }
0x24: {  	s3 =	sadd.s32 $0x88, s3;
	s6 =	simm.s32 @!p1 $0x1082;
	[sflag:s4] =	ssyncset.s32 $0xFFFFF086  }
0x25: {  	[simem:s6], [sflag:s4] =	dma.local [hbm:s3], $0xF7A  }
0x26: {  	[smem:$0x3F8E] =	sst s1;
	(tag) =	ssettag s2;
	_ =	strace s9  }
0x27: {  	s1 =	sld [smem:$0x3F9E]  }
0x28: {  	s2 =	sld [smem:$0x3F9F]  }
0x29: {  	s4 =	sld [smem:$0x3FA1]  }
0x2a: {  	p0 =	seq.s32 s5, $0x0;
	s5 =	sld [smem:$0x3FA2]  }
0x2b: {  	s6 =	sld [smem:$0x3FA3]  }
0x2c: {  	s7 =	sld [smem:$0x3FA4]  }
0x2d: {  	s3 =	simm.s32 $0x108;
	s8 =	sld [smem:$0x3FA5]  }
0x2e: {  	s3 =	simm.s32 @!p0 $0x1082;
	s9 =	sld [smem:$0x3FA6]  }
0x2f: {  	lr =	sadd.s32 s0, s3;
	s0 =	sld [smem:$0x3F9D]  }
0x30: {  	s3 =	sld [smem:$0x3FA0]  }
0x31: {  	[smem:$0x3FA9] =	sst s10  }
0x32: {  	s10 =	sld [smem:$0x3FA7];
	_ =	sdelay $0x3  }
0x33: {  	p0 =	seq.s32 s10, $0x1;
	s10 =	sld [smem:$0x3FA9];
	_ =	sdelay $0x3  }
0x34: {  	[smem:$0x3FA9] =	sst s10  }
0x35: {  	s10 =	sld [smem:$0x3FA8];
	_ =	sdelay $0x3  }
0x36: {  	p1 =	seq.s32 s10, $0x1;
	s10 =	sld [smem:$0x3FA9];
	_ =	sdelay $0x3  }
0x37: {  	[smem:$0x3FA9] =	sst s10  }
0x38: {  	s10 =	sld [smem:$0x3FAA]  }
0x39: {  	_ = 	snop;
	(pc) =	sbr.ind lr, $3  }
0x3a: {  	_ = 	snop  }
0x3b: {  	_ = 	snop  }
0x3c: {  	p2 =	seq.s32 s10, $0x1;
	s10 =	sld [smem:$0x3FA9]  }
0x3d: {  	_ =	shalt  }
0x3e: {  	_ =	shalt  }
0x3f: {  	_ =	shalt  }
0x40: {  	_ =	shalt  }
0x41: {  	_ =	shalt  }
0x42: {  	_ =	shalt  }
0x43: {  	_ =	shalt  }
0x44: {  	_ =	shalt  }
0x45: {  	_ =	shalt  }
0x46: {  	_ =	shalt  }
0x47: {  	_ =	shalt  }
0x48: {  	_ =	shalt  }
0x49: {  	_ =	shalt  }
0x4a: {  	_ =	shalt  }
0x4b: {  	_ =	shalt  }
0x4c: {  	_ =	shalt  }
0x4d: {  	_ =	shalt  }
0x4e: {  	_ =	shalt  }
0x4f: {  	_ =	shalt  }
0x50: {  	_ =	shalt  }
0x51: {  	_ =	shalt  }
0x52: {  	_ =	shalt  }
0x53: {  	_ =	shalt  }
0x54: {  	_ =	shalt  }
0x55: {  	_ =	shalt  }
0x56: {  	_ =	shalt  }
0x57: {  	_ =	shalt  }
0x58: {  	_ =	shalt  }
0x59: {  	_ =	shalt  }
0x5a: {  	_ =	shalt  }
0x5b: {  	_ =	shalt  }
0x5c: {  	_ =	shalt  }
0x5d: {  	_ =	shalt  }
0x5e: {  	_ =	shalt  }
0x5f: {  	_ =	shalt  }
0x60: {  	_ =	shalt  }
0x61: {  	_ =	shalt  }
0x62: {  	_ =	shalt  }
0x63: {  	_ =	shalt  }
0x64: {  	_ =	shalt  }
0x65: {  	_ =	shalt  }
0x66: {  	_ =	shalt  }
0x67: {  	_ =	shalt  }
0x68: {  	_ =	shalt  }
0x69: {  	_ =	shalt  }
0x6a: {  	_ =	shalt  }
0x6b: {  	_ =	shalt  }
0x6c: {  	_ =	shalt  }
0x6d: {  	_ =	shalt  }
0x6e: {  	_ =	shalt  }
0x6f: {  	_ =	shalt  }
0x70: {  	_ =	shalt  }
0x71: {  	_ =	shalt  }
0x72: {  	_ =	shalt  }
0x73: {  	_ =	shalt  }
0x74: {  	_ =	shalt  }
0x75: {  	_ =	shalt  }
0x76: {  	_ =	shalt  }
0x77: {  	_ =	shalt  }
0x78: {  	_ =	shalt  }
0x79: {  	_ =	shalt  }
0x7a: {  	_ =	shalt  }
0x7b: {  	_ =	shalt  }
0x7c: {  	_ =	shalt  }
0x7d: {  	_ =	shalt  }
0x7e: {  	_ =	shalt  }
0x7f: {  	_ =	shalt  }
0x80: {  	_ =	shalt  }
0x81: {  	_ =	shalt  }
0x82: {  	_ =	shalt  }
0x83: {  	_ =	shalt  }
0x84: {  	_ =	shalt  }
0x85: {  	_ =	shalt  }
0x86: {  	_ =	shalt  }
0x87: {  	_ =	shalt  }
.Lfunc_end0:
.L_simem_size_0:
called_computation_lowered:
.L_overlay_start_0:
0x88: {  	s2 =	sld [smem:$0x3FD9]  }
0x89: {  	s3 =	sld [smem:$0x3FFE];
	_ =	sdelay $0x1  }
0x8a: {  	s1 =	srdreg.scid  }
0x8b: {  	s0 =	sand.u32 $0x1, s1  }
0x8c: {  	s16 =	sshll.u32 s0, $0xA;
	s2 =	sadd.s32 s3, s2  }
0x8d: {  	s2 =	sadd.s32 s2, s16  }
0x8e: {  	[smem:$0x3FB5] =	sst s2  }
0x8f: {  	_ = 	snop  }
0x90: {  	(tm) =	ssettm $0x1  }
0x91: {  	s17 =	sld [smem:$0x3FFB];
	_ =	sdelay $0x3  }
0x92: {  	_ =	strace s17  }
0x93: {  	s2 =	sld [smem:$0x3FFC];
	_ =	sdelay $0x3  }
0x94: {  	_ =	strace s2  }
0x95: {  	s2 =	sld [smem:$0x3FFD];
	_ =	sdelay $0x3  }
0x96: {  	_ =	strace s2  }
0x97: {  	_ =	strace $0x8FFFFFFF  }
0x98: {  	s18 =	sld [smem:$0x3FDB];
	_ =	sdelay $0x1  }
0x99: {  	s19 =	simm.s32 $_scs_section_size  }
0x9a: {  	s4 =	simm.s32 $_size__tile_overlayer_lowered;
	s5 =	simm.s32 $_tile_overlayer_lowered  }
0x9b: {  	s22 =	simm.s32 $0x1BFF;
	s21 =	sshll.u32 s5, $0x1;
	s2 =	sadd.s32 s19, s18  }
0x9c: {  	s6 =	simm.s32 $0x0;
	s20 =	sshll.u32 s4, $0x1;
	s4 =	sadd.s32 s21, s2  }
0x9d: {  	[timem:s6], [sflag:s22] =	dma.local [hbm:s4], s20  }
0x9e: {  	_ =	swait.ge [sflag:s22], s20  }
0x9f: {  	s3 =	ssub.s32 $0x0, s20;
	[sflag:s22] =	ssyncset.done $0x0  }
0xa0: {  	[sflag:s22] =	ssyncadd.s32 s3;
	_ =	sdelay $0x1  }
0xa1: {  	s23 =	simm.s32 $0x1B8B  }
0xa2: {  	_ =	swait.ge [sflag:s23], $0x1  }
0xa3: {  	[sflag:s23] =	ssyncset.done $0x0  }
0xa4: {  	s25 =	simm.s32 $0x1B8E;
	s24 =	sld [smem:$0x3FFE];
	[sflag:s23] =	ssyncadd.s32 $0xFFFFFFFF  }
0xa5: {  	s26 =	simm.s32 $execute0_lowered;
	[smem:$0x3FD2] =	sst s25  }
0xa6: {  	s4 =	sshll.u32 s26, $0x1;
	_ =	strace $0x80000046;
	[dreg:$0x1] =	wrdreg $0xFFFFFFFF  }
0xa7: {  	s28 =	simm.s32 $_size_execute0_lowered;
	s2 =	sadd.s32 s2, s4;
	[dreg:$0x0] =	wrdreg $0x0  }
0xa8: {  	s4 =	sshll.u32 s28, $0x1;
	[dreg:$0x2] =	wrdreg s2  }
0xa9: {  	[dreg:$0x3] =	wrdreg s4  }
0xaa: {  	[dreg:$0x4] =	wrdreg $0xC0  }
0xab: {  	_ =	task [dreg:s6], $0x5FFFF  }
0xac: {  	[dreg:$0x1] =	wrdreg $0xFFFFFFFF  }
0xad: {  	[dreg:$0x0] =	wrdreg $0x60  }
0xae: {  	[dreg:$0x2] =	wrdreg s24  }
0xaf: {  	[dreg:$0x3] =	wrdreg $0x97A00  }
0xb0: {  	[dreg:$0x4] =	wrdreg $0x1D7A00  }
0xb1: {  	[dreg:$0x5] =	wrdreg $0x9  }
0xb2: {  	_ =	task.clear_ibuf [dreg:s6], $0x6FFFF;
	_ =	strace $0x90000046  }
0xb3: {  	s29 =	simm.s32 $0x9;
	_ =	strace $0x80000048  }
0xb4: {  	_ =	swait.ge [sflag:s29], $0x1  }
0xb5: {  	[sflag:s29] =	ssyncadd.s32 $0xFFFFFFFF  }
0xb6: {  	_ =	strace $0x90000048  }
0xb7: {  	_ =	sfence  }
0xb8: {  	s30 =	sld [smem:$0x0];
	_ =	sdelay $0x2  }
0xb9: {  	s31 =	sshll.u32 s1, $0xD;
	s1 =	sshrl.u32 s1, $0x2  }
0xba: {  	s3 =	sand.u32 $0x4000, s31;
	s1 =	sadd.s32 s1, s30  }
0xbb: {  	s0 =	sor.u32 s3, s0;
	s1 =	sshll.u32 s1, $0x11  }
0xbc: {  	s0 =	sor.u32 s1, s0  }
0xbd: {  	s0 =	sadd.s32 $0x8F2B, s0  }
0xbe: {  	[sflag:s0] =	ssyncadd.remote.s32 $0x1  }
0xbf: {  	_ =	sfence.sel $0xFFFF  }
0xc0: {  	[dreg:$0x0] =	wrdreg $0xFFFFFFFF;
	(pc) =	sbr.abs _section_cstart, $3  }
0xc1: {  	[dreg:$0x1] =	wrdreg $0xFFFFFFFF  }
0xc2: {  	_ =	task.clear_ibuf [dreg:s6], $0x2FFFF;
	_ =	strace $0x9FFFFFFF  }
0xc3: {  	(tm) =	ssettm $0x7FFFFFFF  }
tec
execute0_lowered:
.L_overlay_start_1:
0x0: {  	(tag) =	ssettag $0x1  }
0x1: {  	s0 =	rddreg [dreg:$0x0]  }
0x2: {  	s2 =	rddreg [dreg:$0x1]  }
0x3: {  	s3 =	rddreg [dreg:$0x2];
	s1 =	srdreg.scid  }
0x4: {  	s14 =	stileid.u32;
	s5 =	simm.s32 $0x0;
	s28 =	simm.s32 $0x4EA0  }
0x5: {  	s29 =	simm.s32 $0x80;
	s30 =	simm.s32 $0x1;
	s4 =	smul.u32 $0x14000, s14  }
0x6: {  	s31 =	simm.s32 $0x4F20;
	s1 =	sand.u32 $0x1, s1;
	s10 =	smul.u32 $0x2800, s14  }
0x7: {  	[smem:$0x7FF] =	sst s5;
	s5 =	sadd.s32 $0xE200, s0;
	s13 =	smul.u32 $0x280, s14  }
0x8: {  	s6 =	sadd.s32 $0x4000, s0;
	s8 =	sadd.s32 $0x3F600, s0;
	s7 =	smul.u32 $0x140000, s1  }
0x9: {  	_ =	strace $0x80000047;
	s9 =	smul.u32 $0x28000, s1;
	[dreg:$0x4] =	wrdreg s8  }
0xa: {  	s8 =	sadd.s32 $0x18400, s0;
	s11 =	ssub.s32 $0x2, s1;
	s1 =	sshll.u32 s1, $0x4  }
0xb: {  	s12 =	sshrl.u32 s11, $0x1;
	s1 =	sor.u32 s14, s1;
	s19 =	sadd.s32 $0x80, s13  }
0xc: {  	s21 =	sadd.s32 $0x100, s13;
	s16 =	sadd.s32 $0x180, s13;
	s25 =	sadd.s32 $0x200, s13  }
0xd: {  	s7 =	sadd.s32 s4, s7;
	s9 =	sadd.s32 s10, s9;
	s11 =	ssub.s32 s11, s12  }
0xe: {  	s10 =	sadd.s32 s10, s3;
	s20 =	sshll.u32 s19, $0x7;
	s22 =	sshll.u32 s21, $0x7  }
0xf: {  	s23 =	sshll.u32 s16, $0x7;
	s24 =	sshll.u32 s16, $0x4;
	s26 =	sshll.u32 s25, $0x7  }
0x10: {  	s7 =	sshrl.u32 s7, $0x3;
	s9 =	sshrl.u32 s9, $0x3;
	s12 =	sadd.s32 s20, s2  }
0x11: {  	s16 =	sadd.s32 s24, s3;
	s17 =	sadd.s32 s26, s2;
	s24 =	simm.s32 $0x57A0  }
0x12: {  	s26 =	simm.s32 $0x4E20;
	s7 =	sadd.s32 s7, s0;
	s0 =	sadd.s32 s9, s0  }
0x13: {  	s9 =	sadd.s32 s4, s2;
	s4 =	sshll.u32 s19, $0x4;
	[dreg:$0x5] =	wrdreg s12  }
0x14: {  	v0 =	vlaneseq.u32;
	s12 =	sadd.s32 s22, s2;
	s19 =	smul.u32 $0x2880, s1;
	s22 =	smax.u32 s11, $0x1  }
0x15: {  	v0 =	vmul.u32 $0x10, v0;
	s4 =	sadd.s32 s4, s3;
	[dreg:$0x7] =	wrdreg s12;
	s12 =	sshll.u32 s25, $0x4  }
0x16: {  	s20 =	sadd.s32 $0x4A000, s7;
	[dreg:$0x6] =	wrdreg s4;
	s4 =	sshll.u32 s21, $0x4  }
0x17: {  	v1 =	vimm.f32 $0.0e+00;
	v2 =	vor.u32 $0x100, v0;
	s25 =	simm.s32 $0x4FA0;
	s18 =	sadd.s32 s12, s3;
	s4 =	sadd.s32 s4, s3  }
0x18: {  	v3 =	vor.u32 $0x200, v0;
	v4 =	vor.u32 $0x300, v0;
	v5 =	vor.u32 $0x400, v0;
	s21 =	sadd.s32 $0x40000, s0;
	[dreg:$0x8] =	wrdreg s4;
	s4 =	sadd.s32 s23, s2  }
0x19: {  	v6 =	vor.u32 $0x500, v0;
	v7 =	vor.u32 $0x600, v0;
	v8 =	vor.u32 $0x700, v0;
	s0 =	simm.s32 $0x0;
	s23 =	simm.s32 $0x2;
	[dreg:$0x9] =	wrdreg s4  }
.LBB2_1:
0x1a: {  	s1 =	simm.s32 $0x0;
	s4 =	rddreg [dreg:$0x4]  }
0x1b: {  	[tilespmem:s1], [sflag:$0x2] =	stream.linear.gather [hbm4b:s4+s1], $0x4E20, $0x38;
	[tilespmem:$0x1FFA0] =	vst v63  }
0x1c: {  	_ =	swait.ge [sflag:s23], $0x4E20  }
0x1d: {  	[sflag:s23] =	ssyncset.done $0x0  }
0x1e: {  	s1 =	simm.s32 $0x57E0;
	[sflag:s23] =	ssyncadd.s32 $0xFFFFB1E0  }
0x1f: {  	[tilespmem:s1+$0xFFFFFFD0] =	vst v1  }
0x20: {  	[tilespmem:s1+$0xFFFFFFE0] =	vst v1  }
0x21: {  	[tilespmem:s1+$0xFFFFFFF0] =	vst v1  }
0x22: {  	[tilespmem:s1+$0x0] =	vst v1  }
0x23: {  	[tilespmem:s1+$0x10] =	vst v1  }
0x24: {  	[tilespmem:s1+$0x20] =	vst v1  }
0x25: {  	[tilespmem:s1+$0x30] =	vst v1  }
0x26: {  	s7 =	simm.s32 $0x0;
	s4 =	simm.s32 $0x40;
	[tilespmem:s1+$0xFFFFFFC0] =	vst v1  }
.LBB2_2:
0x27: {  	p0 =	sne.s32 s4, $0x1FC0;
	[tilespmem:s7+$0x4FA0] =	vst v1;
	s1 =	sadd.s32 $0x80, s1  }
0x28: {  	[tilespmem:s1+$0xFFFFFFD0] =	vst v1  }
0x29: {  	[tilespmem:s1+$0xFFFFFFE0] =	vst v1  }
0x2a: {  	[tilespmem:s1+$0xFFFFFFF0] =	vst v1  }
.Ltmp0:
0x2b: {  	[tilespmem:s1+$0x0] =	vst v1;
	(pc) =	sbr.rel @p0 .LBB2_2-.Ltmp0, $4  }
0x2c: {  	[tilespmem:s1+$0x10] =	vst v1  }
0x2d: {  	[tilespmem:s1+$0x20] =	vst v1  }
0x2e: {  	[tilespmem:s1+$0x30] =	vst v1  }
0x2f: {  	s7 =	sshra.s32 s4, $0x2;
	s4 =	sadd.s32 $0x40, s4;
	[tilespmem:s1+$0xFFFFFFC0] =	vst v1  }
0x30: {  	[tilespmem:s7+$0x4FA0] =	vst v1  }
0x31: {  	[spmem:s9] =	stream.linear.scatter [tilespmem:s24], [sflag:$0x2], $0x4000, $0x38;
	[tilespmem:$0x1FFA0] =	vst v63  }
0x32: {  	_ =	swait.ge [sflag:s23], $0x4000  }
0x33: {  	[sflag:s23] =	ssyncset.done $0x0  }
0x34: {  	[sflag:s23] =	ssyncadd.s32 $0xFFFFC000  }
0x35: {  	[spmem:s10] =	stream.linear.scatter [tilespmem:s25], [sflag:$0x2], $0x800, $0x38;
	[tilespmem:$0x1FFA0] =	vst v63  }
0x36: {  	_ =	swait.ge [sflag:s23], $0x800  }
0x37: {  	[sflag:s23] =	ssyncset.done $0x0  }
0x38: {  	s1 =	rddreg [dreg:$0x5];
	[sflag:s23] =	ssyncadd.s32 $0xFFFFF800  }
0x39: {  	[spmem:s1] =	stream.linear.scatter [tilespmem:s24], [sflag:$0x2], $0x4000, $0x38;
	[tilespmem:$0x1FFA0] =	vst v63  }
0x3a: {  	_ =	swait.ge [sflag:s23], $0x4000  }
0x3b: {  	[sflag:s23] =	ssyncset.done $0x0  }
0x3c: {  	s12 =	rddreg [dreg:$0x6];
	[sflag:s23] =	ssyncadd.s32 $0xFFFFC000  }
0x3d: {  	[spmem:s12] =	stream.linear.scatter [tilespmem:s25], [sflag:$0x2], $0x800, $0x38;
	[tilespmem:$0x1FFA0] =	vst v63  }
0x3e: {  	_ =	swait.ge [sflag:s23], $0x800  }
0x3f: {  	[sflag:s23] =	ssyncset.done $0x0  }
0x40: {  	s13 =	rddreg [dreg:$0x7];
	[sflag:s23] =	ssyncadd.s32 $0xFFFFF800  }
0x41: {  	[spmem:s13] =	stream.linear.scatter [tilespmem:s24], [sflag:$0x2], $0x4000, $0x38;
	[tilespmem:$0x1FFA0] =	vst v63  }
0x42: {  	_ =	swait.ge [sflag:s23], $0x4000  }
0x43: {  	[sflag:s23] =	ssyncset.done $0x0  }
0x44: {  	s14 =	rddreg [dreg:$0x8];
	[sflag:s23] =	ssyncadd.s32 $0xFFFFC000  }
0x45: {  	[spmem:s14] =	stream.linear.scatter [tilespmem:s25], [sflag:$0x2], $0x800, $0x38;
	[tilespmem:$0x1FFA0] =	vst v63  }
0x46: {  	_ =	swait.ge [sflag:s23], $0x800  }
0x47: {  	[sflag:s23] =	ssyncset.done $0x0  }
0x48: {  	s15 =	rddreg [dreg:$0x9];
	[sflag:s23] =	ssyncadd.s32 $0xFFFFF800  }
0x49: {  	[spmem:s15] =	stream.linear.scatter [tilespmem:s24], [sflag:$0x2], $0x4000, $0x38;
	[tilespmem:$0x1FFA0] =	vst v63  }
0x4a: {  	_ =	swait.ge [sflag:s23], $0x4000  }
0x4b: {  	[sflag:s23] =	ssyncset.done $0x0  }
0x4c: {  	[sflag:s23] =	ssyncadd.s32 $0xFFFFC000  }
0x4d: {  	[spmem:s16] =	stream.linear.scatter [tilespmem:s25], [sflag:$0x2], $0x800, $0x38;
	[tilespmem:$0x1FFA0] =	vst v63  }
0x4e: {  	_ =	swait.ge [sflag:s23], $0x800  }
0x4f: {  	[sflag:s23] =	ssyncset.done $0x0  }
0x50: {  	[sflag:s23] =	ssyncadd.s32 $0xFFFFF800  }
0x51: {  	[spmem:s17] =	stream.linear.scatter [tilespmem:s24], [sflag:$0x2], $0x4000, $0x38;
	[tilespmem:$0x1FFA0] =	vst v63  }
0x52: {  	_ =	swait.ge [sflag:s23], $0x4000  }
0x53: {  	[sflag:s23] =	ssyncset.done $0x0  }
0x54: {  	[sflag:s23] =	ssyncadd.s32 $0xFFFFC000  }
0x55: {  	[spmem:s18] =	stream.linear.scatter [tilespmem:s25], [sflag:$0x2], $0x800, $0x38;
	[tilespmem:$0x1FFA0] =	vst v63  }
0x56: {  	_ =	swait.ge [sflag:s23], $0x800  }
0x57: {  	[sflag:s23] =	ssyncset.done $0x0  }
0x58: {  	[sflag:s23] =	ssyncadd.s32 $0xFFFFF800  }
0x59: {  	s4 =	simm.s32 $0x0;
	s1 =	simm.s32 $0x0;
	[bflag:$0x0] =	sbarrier.arrive $0xFFFF  }
.LBB2_4:
0x5a: {  	s7 =	sshll.u32 s1, $0x7  }
0x5b: {  	s7 =	sadd.s32 s19, s7  }
0x5c: {  	s11 =	sshrl.u32 s7, $0x3  }
0x5d: {  	s12 =	sadd.s32 s5, s11  }
0x5e: {  	[tilespmem:s26], [sflag:$0x2] =	stream.linear.gather [hbm4b:s12+s4], $0x80, $0x38;
	[tilespmem:$0x1FFA0] =	vst v63  }
0x5f: {  	_ =	swait.ge [sflag:s23], $0x80  }
0x60: {  	[sflag:s23] =	ssyncset.done $0x0  }
0x61: {  	s11 =	sadd.s32 s6, s11;
	[sflag:s23] =	ssyncadd.s32 $0xFFFFFF80  }
0x62: {  	[tilespmem:s28], [sflag:$0x2] =	stream.linear.gather [hbm4b:s11+s4], $0x80, $0x38;
	[tilespmem:$0x1FFA0] =	vst v63  }
0x63: {  	_ =	swait.ge [sflag:s23], $0x80  }
0x64: {  	[sflag:s23] =	ssyncset.done $0x0  }
0x65: {  	[sflag:s23] =	ssyncadd.s32 $0xFFFFFF80  }
0x66: {  	[tilespmem:s24], [sflag:$0x1] =	stream.indirect.gather [hbm4b:s8+s29], $0x80, s26, s29, $0xb8;
	[tilespmem:$0x1FFA0] =	vst v63  }
0x67: {  	v9 =	vld [tilespmem:$0x4E20]  }
0x68: {  	v10 =	vld [tilespmem:$0x4EA0];
	_ =	sdelay $0x4  }
0x69: {  	v9 =	vshll.u32 v9, $0x1;
	v10 =	vshll.u32 v10, $0x1  }
0x6a: {  	v10 =	vor.u32 $0x1, v10;
	_ =	sdelay $0x3  }
0x6b: {  	v9 =	vld.idx.msk [tilespmem:v9+s4+$0x0], $0xffff  }
0x6c: {  	v10 =	vld.idx.msk [tilespmem:v10+s4+$0x0], $0xffff;
	_ =	sdelay $0x4  }
0x6d: {  	v9 =	vadd.f32 v10, v9;
	_ =	sdelay $0x1  }
0x6e: {  	v10 =	vmul.f32 $2.000000030e-01, v9  }
0x6f: {  	vm0 =	vge.f32 v9, $0.0e+00  }
0x70: {  	v9 =	vsel vm0, v9, v10  }
0x71: {  	v9 =	vmul.f32 $1.442695020e+00, v9;
	_ =	sdelay $0x1  }
0x72: {  	(erf) = vpow2.f32 v9;
	_ =	sdelay $0x8  }
0x73: {  	p0 =	slt.u32 s7, $0x50910;
	v9 =	vpop (erf)  }
0x74: {  	v9 =	vpsel !p0, $0x0, v9  }
0x75: {  	[tilespmem:$0x4F20] =	vst v9  }
0x76: {  	[tilespmem:v0+s25+$0x0] =	vst.idx.msk $0xffff, v9  }
0x77: {  	v9 =	vld [tilespmem:$0x4E30]  }
0x78: {  	v10 =	vld [tilespmem:$0x4EB0];
	_ =	sdelay $0x4  }
0x79: {  	v9 =	vshll.u32 v9, $0x1;
	v10 =	vshll.u32 v10, $0x1  }
0x7a: {  	v10 =	vor.u32 $0x1, v10;
	_ =	sdelay $0x3  }
0x7b: {  	v9 =	vld.idx.msk [tilespmem:v9+s4+$0x0], $0xffff  }
0x7c: {  	v10 =	vld.idx.msk [tilespmem:v10+s4+$0x0], $0xffff;
	_ =	sdelay $0x4  }
0x7d: {  	v9 =	vadd.f32 v10, v9;
	_ =	sdelay $0x1  }
0x7e: {  	v10 =	vmul.f32 $2.000000030e-01, v9  }
0x7f: {  	vm9 =	vge.f32 v9, $0.0e+00  }
0x80: {  	v9 =	vsel vm9, v9, v10  }
0x81: {  	v9 =	vmul.f32 $1.442695020e+00, v9;
	_ =	sdelay $0x1  }
0x82: {  	(erf) = vpow2.f32 v9;
	_ =	sdelay $0x7  }
0x83: {  	s12 =	sor.u32 $0x10, s7  }
0x84: {  	p6 =	slt.u32 s12, $0x50910;
	v9 =	vpop (erf)  }
0x85: {  	v9 =	vpsel !p6, $0x0, v9  }
0x86: {  	[tilespmem:$0x4F30] =	vst v9  }
0x87: {  	[tilespmem:v2+s25+$0x0] =	vst.idx.msk $0xffff, v9  }
0x88: {  	v9 =	vld [tilespmem:$0x4E40]  }
0x89: {  	v10 =	vld [tilespmem:$0x4EC0];
	_ =	sdelay $0x4  }
0x8a: {  	v9 =	vshll.u32 v9, $0x1;
	v10 =	vshll.u32 v10, $0x1  }
0x8b: {  	v10 =	vor.u32 $0x1, v10;
	_ =	sdelay $0x3  }
0x8c: {  	v9 =	vld.idx.msk [tilespmem:v9+s4+$0x0], $0xffff  }
0x8d: {  	v10 =	vld.idx.msk [tilespmem:v10+s4+$0x0], $0xffff;
	_ =	sdelay $0x4  }
0x8e: {  	v9 =	vadd.f32 v10, v9;
	_ =	sdelay $0x1  }
0x8f: {  	v10 =	vmul.f32 $2.000000030e-01, v9  }
0x90: {  	vm10 =	vge.f32 v9, $0.0e+00  }
0x91: {  	v9 =	vsel vm10, v9, v10  }
0x92: {  	v9 =	vmul.f32 $1.442695020e+00, v9;
	_ =	sdelay $0x1  }
0x93: {  	(erf) = vpow2.f32 v9;
	_ =	sdelay $0x7  }
0x94: {  	s13 =	sor.u32 $0x20, s7  }
0x95: {  	p1 =	slt.u32 s13, $0x50910;
	v9 =	vpop (erf)  }
0x96: {  	v9 =	vpsel !p1, $0x0, v9  }
0x97: {  	[tilespmem:$0x4F40] =	vst v9  }
0x98: {  	[tilespmem:v3+s25+$0x0] =	vst.idx.msk $0xffff, v9  }
0x99: {  	v9 =	vld [tilespmem:$0x4E50]  }
0x9a: {  	v10 =	vld [tilespmem:$0x4ED0];
	_ =	sdelay $0x4  }
0x9b: {  	v9 =	vshll.u32 v9, $0x1;
	v10 =	vshll.u32 v10, $0x1  }
0x9c: {  	v10 =	vor.u32 $0x1, v10;
	_ =	sdelay $0x3  }
0x9d: {  	v9 =	vld.idx.msk [tilespmem:v9+s4+$0x0], $0xffff  }
0x9e: {  	v10 =	vld.idx.msk [tilespmem:v10+s4+$0x0], $0xffff;
	_ =	sdelay $0x4  }
0x9f: {  	v9 =	vadd.f32 v10, v9;
	_ =	sdelay $0x1  }
0xa0: {  	v10 =	vmul.f32 $2.000000030e-01, v9  }
0xa1: {  	vm11 =	vge.f32 v9, $0.0e+00  }
0xa2: {  	v9 =	vsel vm11, v9, v10  }
0xa3: {  	v9 =	vmul.f32 $1.442695020e+00, v9;
	_ =	sdelay $0x1  }
0xa4: {  	(erf) = vpow2.f32 v9;
	_ =	sdelay $0x7  }
0xa5: {  	s14 =	sor.u32 $0x30, s7  }
0xa6: {  	p2 =	slt.u32 s14, $0x50910;
	v9 =	vpop (erf)  }
0xa7: {  	v9 =	vpsel !p2, $0x0, v9  }
0xa8: {  	[tilespmem:$0x4F50] =	vst v9  }
0xa9: {  	[tilespmem:v4+s25+$0x0] =	vst.idx.msk $0xffff, v9  }
0xaa: {  	v9 =	vld [tilespmem:$0x4E60]  }
0xab: {  	v10 =	vld [tilespmem:$0x4EE0];
	_ =	sdelay $0x4  }
0xac: {  	v9 =	vshll.u32 v9, $0x1;
	v10 =	vshll.u32 v10, $0x1  }
0xad: {  	v10 =	vor.u32 $0x1, v10;
	_ =	sdelay $0x3  }
0xae: {  	v9 =	vld.idx.msk [tilespmem:v9+s4+$0x0], $0xffff  }
0xaf: {  	v10 =	vld.idx.msk [tilespmem:v10+s4+$0x0], $0xffff;
	_ =	sdelay $0x4  }
0xb0: {  	v9 =	vadd.f32 v10, v9;
	_ =	sdelay $0x1  }
0xb1: {  	v10 =	vmul.f32 $2.000000030e-01, v9  }
0xb2: {  	vm12 =	vge.f32 v9, $0.0e+00  }
0xb3: {  	v9 =	vsel vm12, v9, v10  }
0xb4: {  	v9 =	vmul.f32 $1.442695020e+00, v9;
	_ =	sdelay $0x1  }
0xb5: {  	(erf) = vpow2.f32 v9;
	_ =	sdelay $0x7  }
0xb6: {  	s15 =	sor.u32 $0x40, s7  }
0xb7: {  	p3 =	slt.u32 s15, $0x50910;
	v9 =	vpop (erf)  }
0xb8: {  	v9 =	vpsel !p3, $0x0, v9  }
0xb9: {  	[tilespmem:$0x4F60] =	vst v9  }
0xba: {  	[tilespmem:v5+s25+$0x0] =	vst.idx.msk $0xffff, v9  }
0xbb: {  	v9 =	vld [tilespmem:$0x4E70]  }
0xbc: {  	v10 =	vld [tilespmem:$0x4EF0];
	_ =	sdelay $0x4  }
0xbd: {  	v9 =	vshll.u32 v9, $0x1;
	v10 =	vshll.u32 v10, $0x1  }
0xbe: {  	v10 =	vor.u32 $0x1, v10;
	_ =	sdelay $0x3  }
0xbf: {  	v9 =	vld.idx.msk [tilespmem:v9+s4+$0x0], $0xffff  }
0xc0: {  	v10 =	vld.idx.msk [tilespmem:v10+s4+$0x0], $0xffff;
	_ =	sdelay $0x4  }
0xc1: {  	v9 =	vadd.f32 v10, v9;
	_ =	sdelay $0x1  }
0xc2: {  	v10 =	vmul.f32 $2.000000030e-01, v9  }
0xc3: {  	vm13 =	vge.f32 v9, $0.0e+00  }
0xc4: {  	v9 =	vsel vm13, v9, v10  }
0xc5: {  	v9 =	vmul.f32 $1.442695020e+00, v9;
	_ =	sdelay $0x1  }
0xc6: {  	(erf) = vpow2.f32 v9;
	_ =	sdelay $0x7  }
0xc7: {  	s12 =	sor.u32 $0x50, s7  }
0xc8: {  	p4 =	slt.u32 s12, $0x50910;
	v9 =	vpop (erf)  }
0xc9: {  	v9 =	vpsel !p4, $0x0, v9  }
0xca: {  	[tilespmem:$0x4F70] =	vst v9  }
0xcb: {  	[tilespmem:v6+s25+$0x0] =	vst.idx.msk $0xffff, v9  }
0xcc: {  	v9 =	vld [tilespmem:$0x4E80]  }
0xcd: {  	v10 =	vld [tilespmem:$0x4F00];
	_ =	sdelay $0x4  }
0xce: {  	v9 =	vshll.u32 v9, $0x1;
	v10 =	vshll.u32 v10, $0x1  }
0xcf: {  	v10 =	vor.u32 $0x1, v10;
	_ =	sdelay $0x3  }
0xd0: {  	v9 =	vld.idx.msk [tilespmem:v9+s4+$0x0], $0xffff  }
0xd1: {  	v10 =	vld.idx.msk [tilespmem:v10+s4+$0x0], $0xffff;
	_ =	sdelay $0x4  }
0xd2: {  	v9 =	vadd.f32 v10, v9;
	_ =	sdelay $0x1  }
0xd3: {  	v10 =	vmul.f32 $2.000000030e-01, v9  }
0xd4: {  	vm14 =	vge.f32 v9, $0.0e+00  }
0xd5: {  	v9 =	vsel vm14, v9, v10  }
0xd6: {  	v9 =	vmul.f32 $1.442695020e+00, v9;
	_ =	sdelay $0x1  }
0xd7: {  	(erf) = vpow2.f32 v9;
	_ =	sdelay $0x7  }
0xd8: {  	s13 =	sor.u32 $0x60, s7  }
0xd9: {  	p5 =	slt.u32 s13, $0x50910;
	v9 =	vpop (erf)  }
0xda: {  	v9 =	vpsel !p5, $0x0, v9  }
0xdb: {  	[tilespmem:$0x4F80] =	vst v9  }
0xdc: {  	[tilespmem:v7+s25+$0x0] =	vst.idx.msk $0xffff, v9  }
0xdd: {  	v9 =	vld [tilespmem:$0x4E90]  }
0xde: {  	v10 =	vld [tilespmem:$0x4F10];
	_ =	sdelay $0x4  }
0xdf: {  	v9 =	vshll.u32 v9, $0x1;
	v10 =	vshll.u32 v10, $0x1  }
0xe0: {  	v10 =	vor.u32 $0x1, v10;
	_ =	sdelay $0x3  }
0xe1: {  	v9 =	vld.idx.msk [tilespmem:v9+s4+$0x0], $0xffff  }
0xe2: {  	v10 =	vld.idx.msk [tilespmem:v10+s4+$0x0], $0xffff;
	_ =	sdelay $0x4  }
0xe3: {  	v9 =	vadd.f32 v10, v9;
	_ =	sdelay $0x1  }
0xe4: {  	v10 =	vmul.f32 $2.000000030e-01, v9  }
0xe5: {  	vm15 =	vge.f32 v9, $0.0e+00  }
0xe6: {  	v9 =	vsel vm15, v9, v10  }
0xe7: {  	v9 =	vmul.f32 $1.442695020e+00, v9;
	_ =	sdelay $0x1  }
0xe8: {  	(erf) = vpow2.f32 v9;
	_ =	sdelay $0x7  }
0xe9: {  	s7 =	sor.u32 $0x70, s7  }
0xea: {  	p6 =	slt.u32 s7, $0x50910;
	v10 =	vmov s4;
	v9 =	vpop (erf)  }
0xeb: {  	v10 =	vand.u32 $0xFFFFFFFC, v10;
	v9 =	vpsel !p6, $0x0, v9  }
0xec: {  	v10 =	vbroadcast v10, $0x0;
	[tilespmem:$0x4F90] =	vst v9  }
0xed: {  	[tilespmem:v8+s25+$0x0] =	vst.idx.msk $0xffff, v9  }
0xee: {  	_ =	swait.ge [sflag:s30], $0x4000  }
0xef: {  	[sflag:s30] =	ssyncset.done $0x0  }
0xf0: {  	s7 =	simm.s32 $0x58A0;
	[sflag:s30] =	ssyncadd.s32 $0xFFFFC000  }
0xf1: {  	v9 =	vld [tilespmem:s7+$0xFFFFFF70]  }
0xf2: {  	v10 =	vld.idx.msk [tilespmem:v10+s31+$0x0], $0xffff  }
0xf3: {  	v11 =	vld [tilespmem:s7+$0xFFFFFF00]  }
0xf4: {  	v12 =	vld [tilespmem:s7+$0xFFFFFF20]  }
0xf5: {  	v13 =	vld [tilespmem:s7+$0xFFFFFF50]  }
0xf6: {  	v14 =	vld [tilespmem:s7+$0xFFFFFF40]  }
0xf7: {  	v15 =	vld [tilespmem:s7+$0xFFFFFF60];
	v9 =	vmul.f32 v9, v10  }
0xf8: {  	s14 =	simm.s32 $0x1;
	v16 =	vld [tilespmem:s7+$0xFFFFFF30];
	v11 =	vmul.f32 v11, v10  }
0xf9: {  	v17 =	vld [tilespmem:s7+$0xFFFFFF10];
	v12 =	vmul.f32 v12, v10;
	[tilespmem:s7+$0xFFFFFF70] =	vst v9;
	v9 =	vmov s14  }
0xfa: {  	v13 =	vmul.f32 v13, v10;
	[tilespmem:s7+$0xFFFFFF00] =	vst v11;
	v9 =	vand.u32 $0xFFFFFFFD, v9  }
0xfb: {  	v11 =	vmul.f32 v14, v10;
	[tilespmem:s7+$0xFFFFFF20] =	vst v12;
	v9 =	vbroadcast v9, $0x0  }
0xfc: {  	v12 =	vmul.f32 v15, v10;
	[tilespmem:s7+$0xFFFFFF50] =	vst v13  }
0xfd: {  	v13 =	vmul.f32 v16, v10;
	[tilespmem:s7+$0xFFFFFF40] =	vst v11  }
0xfe: {  	v10 =	vmul.f32 v17, v10;
	[tilespmem:s7+$0xFFFFFF60] =	vst v12  }
0xff: {  	v14 =	vld [tilespmem:s7+$0xFFFFFFC0];
	[tilespmem:s7+$0xFFFFFF30] =	vst v13  }
0x100: {  	[tilespmem:s7+$0xFFFFFF10] =	vst v10;
	v10 =	vld [tilespmem:s7+$0xFFFFFF90]  }
0x101: {  	v11 =	vld.idx.msk [tilespmem:v9+s31+$0x0], $0xffff  }
0x102: {  	v9 =	vld [tilespmem:s7+$0xFFFFFFA0]  }
0x103: {  	v12 =	vld [tilespmem:s7+$0xFFFFFF80]  }
0x104: {  	v13 =	vld [tilespmem:s7+$0xFFFFFFB0]  }
0x105: {  	v15 =	vld [tilespmem:s7+$0xFFFFFFD0]  }
0x106: {  	v16 =	vld [tilespmem:s7+$0xFFFFFFF0];
	v10 =	vmul.f32 v10, v11  }
0x107: {  	s15 =	simm.s32 $0x2;
	v9 =	vmul.f32 v9, v11  }
0x108: {  	v17 =	vld [tilespmem:s7+$0xFFFFFFE0];
	v12 =	vmul.f32 v12, v11;
	[tilespmem:s7+$0xFFFFFF90] =	vst v10;
	v10 =	vmov s15  }
0x109: {  	v13 =	vmul.f32 v13, v11;
	[tilespmem:s7+$0xFFFFFFA0] =	vst v9;
	v9 =	vand.u32 $0xFFFFFFFE, v10  }
0x10a: {  	[tilespmem:s7+$0xFFFFFF80] =	vst v12;
	v12 =	vmul.f32 v15, v11;
	v15 =	vld [tilespmem:s7+$0x0];
	v18 =	vbroadcast v9, $0x0  }
0x10b: {  	[tilespmem:s7+$0xFFFFFFB0] =	vst v13;
	v13 =	vmul.f32 v16, v11;
	v10 =	vmul.f32 v14, v11;
	v14 =	vld [tilespmem:s7+$0x60]  }
0x10c: {  	v9 =	vld [tilespmem:s7+$0x20];
	[tilespmem:s7+$0xFFFFFFD0] =	vst v12  }
0x10d: {  	v11 =	vmul.f32 v17, v11;
	[tilespmem:s7+$0xFFFFFFF0] =	vst v13;
	v12 =	vld [tilespmem:s7+$0x40]  }
0x10e: {  	v13 =	vld [tilespmem:s7+$0x10];
	[tilespmem:s7+$0xFFFFFFC0] =	vst v10  }
0x10f: {  	v10 =	vld [tilespmem:s7+$0x30];
	[tilespmem:s7+$0xFFFFFFE0] =	vst v11  }
0x110: {  	s13 =	simm.s32 $0x58A0;
	s12 =	simm.s32 $0x4;
	s11 =	simm.s32 $0x0;
	v11 =	vld.idx.msk [tilespmem:v18+s31+$0x0], $0xffff  }
.LBB2_5:
0x111: {  	p0 =	sne.s32 s12, $0x7C  }
0x112: {  	v16 =	vld [tilespmem:s7+$0x50];
	s13 =	sadd.s32 $0x200, s13;
	s14 =	smov.u32 s12;
	s12 =	sadd.s32 $0x4, s12  }
0x113: {  	v17 =	vld [tilespmem:s7+$0x70];
	_ =	sdelay $0x1  }
0x114: {  	v14 =	vmul.f32 v14, v11;
	v15 =	vmul.f32 v15, v11  }
0x115: {  	v12 =	vmul.f32 v12, v11;
	v13 =	vmul.f32 v13, v11  }
0x116: {  	v9 =	vmul.f32 v9, v11;
	v10 =	vmul.f32 v10, v11;
	[tilespmem:s7+$0x60] =	vst v14  }
0x117: {  	[tilespmem:s7+$0x40] =	vst v12;
	v12 =	vmul.f32 v16, v11;
	v11 =	vmul.f32 v17, v11  }
0x118: {  	s15 =	sadd.s32 $0x3, s11;
	s11 =	smov.u32 s14;
	[tilespmem:s7+$0x20] =	vst v9;
	v14 =	vld [tilespmem:s7+$0x80]  }
0x119: {  	v9 =	vld [tilespmem:s13+$0x20];
	[tilespmem:s7+$0x0] =	vst v15;
	v15 =	vmov s15  }
0x11a: {  	[tilespmem:s7+$0x50] =	vst v12;
	v12 =	vld [tilespmem:s7+$0xE0]  }
0x11b: {  	[tilespmem:s7+$0x30] =	vst v10;
	v16 =	vld [tilespmem:s7+$0xC0]  }
0x11c: {  	v10 =	vld [tilespmem:s13+$0x30];
	[tilespmem:s7+$0x10] =	vst v13  }
0x11d: {  	[tilespmem:s7+$0x70] =	vst v11;
	v11 =	vld [tilespmem:s7+$0xA0]  }
0x11e: {  	v13 =	vld.idx.msk [tilespmem:v15+s31+$0x0], $0xffff  }
0x11f: {  	v15 =	vld [tilespmem:s7+$0x90]  }
0x120: {  	v17 =	vld [tilespmem:s7+$0xB0]  }
0x121: {  	v18 =	vld [tilespmem:s7+$0xD0]  }
0x122: {  	v19 =	vld [tilespmem:s7+$0xF0];
	_ =	sdelay $0x1  }
0x123: {  	v14 =	vmul.f32 v14, v13;
	v15 =	vmul.f32 v15, v13  }
0x124: {  	v11 =	vmul.f32 v11, v13;
	v17 =	vmul.f32 v17, v13  }
0x125: {  	v20 =	vmov s11;
	[tilespmem:s7+$0x80] =	vst v14;
	v14 =	vmul.f32 v16, v13;
	v16 =	vmul.f32 v18, v13  }
0x126: {  	v18 =	vand.u32 $0xFFFFFFFC, v20;
	[tilespmem:s7+$0xA0] =	vst v11;
	v11 =	vmul.f32 v12, v13;
	v12 =	vmul.f32 v19, v13  }
0x127: {  	v13 =	vbroadcast v18, $0x0;
	[tilespmem:s7+$0xC0] =	vst v14  }
0x128: {  	[tilespmem:s7+$0xF0] =	vst v12  }
0x129: {  	v12 =	vld [tilespmem:s13+$0xFFFFFF40];
	[tilespmem:s7+$0xE0] =	vst v11  }
0x12a: {  	v11 =	vld [tilespmem:s13+$0xFFFFFF50];
	[tilespmem:s7+$0x90] =	vst v15  }
0x12b: {  	v14 =	vld [tilespmem:s13+$0xFFFFFF60];
	[tilespmem:s7+$0xB0] =	vst v17  }
0x12c: {  	v15 =	vld [tilespmem:s13+$0xFFFFFF70];
	[tilespmem:s7+$0xD0] =	vst v16;
	s7 =	smov.u32 s13  }
0x12d: {  	v13 =	vld.idx.msk [tilespmem:v13+s31+$0x0], $0xffff  }
0x12e: {  	v16 =	vld [tilespmem:s13+$0xFFFFFF00]  }
0x12f: {  	v17 =	vld [tilespmem:s13+$0xFFFFFF20]  }
0x130: {  	v18 =	vld [tilespmem:s13+$0xFFFFFF10]  }
0x131: {  	v19 =	vld [tilespmem:s13+$0xFFFFFF30];
	_ =	sdelay $0x1  }
0x132: {  	v15 =	vmul.f32 v15, v13;
	v16 =	vmul.f32 v16, v13  }
0x133: {  	s14 =	sadd.s32 $0x1, s11;
	v14 =	vmul.f32 v14, v13;
	v17 =	vmul.f32 v17, v13  }
0x134: {  	v11 =	vmul.f32 v11, v13;
	v18 =	vmul.f32 v18, v13;
	[tilespmem:s13+$0xFFFFFF70] =	vst v15;
	v15 =	vmov s14  }
0x135: {  	v12 =	vmul.f32 v12, v13;
	[tilespmem:s13+$0xFFFFFF00] =	vst v16;
	v16 =	vmul.f32 v19, v13;
	v13 =	vand.u32 $0xFFFFFFFD, v15  }
0x136: {  	[tilespmem:s13+$0xFFFFFF20] =	vst v17;
	v13 =	vbroadcast v13, $0x0  }
0x137: {  	[tilespmem:s13+$0xFFFFFF50] =	vst v11  }
0x138: {  	[tilespmem:s13+$0xFFFFFF40] =	vst v12;
	v11 =	vld [tilespmem:s13+$0xFFFFFFF0]  }
0x139: {  	[tilespmem:s13+$0xFFFFFF60] =	vst v14;
	v12 =	vld [tilespmem:s13+$0xFFFFFFC0]  }
0x13a: {  	[tilespmem:s13+$0xFFFFFF30] =	vst v16;
	v14 =	vld [tilespmem:s13+$0xFFFFFFD0]  }
0x13b: {  	[tilespmem:s13+$0xFFFFFF10] =	vst v18;
	v15 =	vld [tilespmem:s13+$0xFFFFFF90]  }
0x13c: {  	v13 =	vld.idx.msk [tilespmem:v13+s31+$0x0], $0xffff  }
0x13d: {  	v16 =	vld [tilespmem:s13+$0xFFFFFF80]  }
0x13e: {  	v17 =	vld [tilespmem:s13+$0xFFFFFFA0]  }
0x13f: {  	v18 =	vld [tilespmem:s13+$0xFFFFFFB0]  }
0x140: {  	v19 =	vld [tilespmem:s13+$0xFFFFFFE0];
	_ =	sdelay $0x1  }
0x141: {  	v15 =	vmul.f32 v15, v13;
	v16 =	vmul.f32 v16, v13  }
0x142: {  	s14 =	sadd.s32 $0x2, s11;
	v14 =	vmul.f32 v14, v13;
	v17 =	vmul.f32 v17, v13  }
0x143: {  	v12 =	vmul.f32 v12, v13;
	[tilespmem:s13+$0xFFFFFF90] =	vst v15;
	v15 =	vmul.f32 v18, v13;
	v18 =	vmov s14  }
0x144: {  	v11 =	vmul.f32 v11, v13;
	[tilespmem:s13+$0xFFFFFFA0] =	vst v17;
	v17 =	vmul.f32 v19, v13;
	v13 =	vand.u32 $0xFFFFFFFE, v18  }
0x145: {  	[tilespmem:s13+$0xFFFFFF80] =	vst v16;
	v13 =	vbroadcast v13, $0x0  }
0x146: {  	[tilespmem:s13+$0xFFFFFFB0] =	vst v15  }
0x147: {  	[tilespmem:s13+$0xFFFFFFC0] =	vst v12  }
0x148: {  	[tilespmem:s13+$0xFFFFFFD0] =	vst v14  }
.Ltmp1:
0x149: {  	[tilespmem:s13+$0xFFFFFFF0] =	vst v11;
	v12 =	vld [tilespmem:s13+$0x40];
	(pc) =	sbr.rel @p0 .LBB2_5-.Ltmp1, $4  }
0x14a: {  	[tilespmem:s13+$0xFFFFFFE0] =	vst v17;
	v14 =	vld [tilespmem:s13+$0x60]  }
0x14b: {  	v11 =	vld.idx.msk [tilespmem:v13+s31+$0x0], $0xffff  }
0x14c: {  	v15 =	vld [tilespmem:s13+$0x0]  }
0x14d: {  	v13 =	vld [tilespmem:s13+$0x10]  }
0x14e: {  	_ =	sdelay $0x1  }
0x14f: {  	v14 =	vmul.f32 v14, v11  }
0x150: {  	v16 =	vld [tilespmem:s7+$0x50];
	v12 =	vmul.f32 v12, v11  }
0x151: {  	v17 =	vld [tilespmem:s7+$0x70];
	v9 =	vmul.f32 v9, v11;
	[tilespmem:s7+$0x60] =	vst v14  }
0x152: {  	v54 =	vmul.f32 v15, v11;
	[tilespmem:s7+$0x40] =	vst v12  }
0x153: {  	s11 =	sadd.s32 $0x3, s11;
	[tilespmem:s7+$0x20] =	vst v9;
	v9 =	vmul.f32 v10, v11  }
0x154: {  	v56 =	vmov s11;
	v13 =	vmul.f32 v13, v11;
	[tilespmem:s7+$0x0] =	vst v54  }
0x155: {  	v55 =	vmul.f32 v16, v11;
	[tilespmem:s7+$0x30] =	vst v9  }
0x156: {  	v11 =	vmul.f32 v17, v11;
	[tilespmem:s7+$0x10] =	vst v13  }
0x157: {  	[tilespmem:s7+$0x50] =	vst v55  }
0x158: {  	v10 =	vld [tilespmem:s7+$0x80];
	[tilespmem:s7+$0x70] =	vst v11  }
0x159: {  	v9 =	vld.idx.msk [tilespmem:v56+s31+$0x0], $0xffff  }
0x15a: {  	v11 =	vld [tilespmem:s7+$0xA0]  }
0x15b: {  	v59 =	vld [tilespmem:s7+$0xE0]  }
0x15c: {  	v57 =	vld [tilespmem:s7+$0xC0]  }
0x15d: {  	v58 =	vld [tilespmem:s7+$0xF0]  }
0x15e: {  	v60 =	vld [tilespmem:s7+$0x90];
	v10 =	vmul.f32 v10, v9  }
0x15f: {  	v61 =	vld [tilespmem:s7+$0xB0];
	v11 =	vmul.f32 v11, v9  }
0x160: {  	v62 =	vld [tilespmem:s7+$0xD0];
	v63 =	vmul.f32 v59, v9;
	[tilespmem:s7+$0x80] =	vst v10  }
0x161: {  	v10 =	vmul.f32 v57, v9;
	[tilespmem:s7+$0xA0] =	vst v11  }
0x162: {  	v11 =	vmul.f32 v58, v9;
	[tilespmem:s7+$0xE0] =	vst v63  }
0x163: {  	[tilespmem:s7+$0xC0] =	vst v10;
	v10 =	vmul.f32 v60, v9  }
0x164: {  	[tilespmem:s7+$0xF0] =	vst v11;
	v11 =	vmul.f32 v61, v9  }
0x165: {  	v9 =	vmul.f32 v62, v9;
	[tilespmem:s7+$0x90] =	vst v10  }
0x166: {  	[tilespmem:s7+$0xB0] =	vst v11  }
0x167: {  	[tilespmem:s7+$0xD0] =	vst v9  }
0x168: {  	[spmem:s2] =	stream.indirect.scatter.add.f32 [tilespmem:s24], [sflag:$0x2], $0x80, s28, s29, $0xb8;
	[tilespmem:$0x1FFA0] =	vst v63  }
0x169: {  	s1 =	sadd.s32 $0x1, s1;
	_ =	swait.ge [sflag:s23], $0x4000  }
0x16a: {  	p0 =	sne.s32 s1, $0x51;
	[sflag:s23] =	ssyncset.done $0x0  }
.Ltmp2:
0x16b: {  	[sflag:s23] =	ssyncadd.s32 $0xFFFFC000;
	(pc) =	sbr.rel @p0 .LBB2_4-.Ltmp2, $4  }
0x16c: {  	[spmem:s3] =	stream.indirect.scatter.add.f32 [tilespmem:s25], [sflag:$0x2], $0x10, s28, s29, $0xb8;
	[tilespmem:$0x1FFA0] =	vst v63  }
0x16d: {  	_ =	swait.ge [sflag:s23], $0x800  }
0x16e: {  	[sflag:s23] =	ssyncset.done $0x0  }
0x16f: {  	[sflag:s23] =	ssyncadd.s32 $0xFFFFF800  }
0x170: {  	s1 =	stileid.u32  }
0x171: {  	s1 =	sshll.u32 s1, $0x6  }
0x172: {  	[bflag:$0x0] =	sbarrier.arrive $0xFFFF;
	s4 =	sshrl.u32 s9, $0x3;
	s1 =	sor.u32 $0x1C02, s1  }
0x173: {  	[hbm:s20], [sflag:s1] =	dma.local [spmem:s4], $0x2800  }
0x174: {  	s0 =	sadd.s32 $0x1, s0;
	_ =	swait.ge [sflag:s23], $0x2800  }
0x175: {  	p0 =	sne.s32 s0, s22;
	[sflag:s23] =	ssyncset.done $0x0  }
.Ltmp3:
0x176: {  	s15 =	sshrl.u32 s10, $0x3;
	[sflag:s23] =	ssyncadd.s32 $0xFFFFD800;
	(pc) =	sbr.rel @p0 .LBB2_1-.Ltmp3, $4  }
0x177: {  	[hbm:s21], [sflag:s1] =	dma.local [spmem:s15], $0x500  }
0x178: {  	_ =	swait.ge [sflag:s23], $0x500  }
0x179: {  	[sflag:s23] =	ssyncset.done $0x0  }
0x17a: {  	[sflag:s23] =	ssyncadd.s32 $0xFFFFFB00  }
0x17b: {  	_ =	sfence.sel $0x180000  }
0x17c: {  	[bflag:$0x0] =	sbarrier.arrive $0xFFFF  }
0x17d: {  	_ =	strace $0x90000047  }
0x17e: {  	s0 =	stileid.u32;
	[bflag:$0x2] =	sbarrier.arrive $0xFFFF  }
0x17f: {  	p0 =	sne.s32 s0, $0x0;
	s0 =	rddreg [dreg:$0x3]  }
0x180: {  	s0 =	sadd.s32 @!p0 $0x100000, s0  }
0x181: {  	[sflag:s0] =	ssyncadd.tile.s32 @!p0 $0x1;
	_ =	shalt  }
.Lfunc_end2:
_tile_overlayer_lowered:
.L_overlay_start_2:
0x182: {  	(tag) =	ssettag $0x2  }
0x183: {  	s0 =	rddreg [dreg:$0x0];
	s2 =	stileid.u32  }
0x184: {  	s1 =	rddreg [dreg:$0x1];
	p0 =	sne.s32 s2, $0x0  }
0x185: {  	s3 =	rddreg [dreg:$0x2];
	[bflag:$0x3] =	sbarrier.arrive $0xFFFF;
	s2 =	simm.s32 @!p0 $0x1C02  }
0x186: {  	[timem:s3], [sflag:s2] =	dma.local @!p0 [hbm:s0], s1  }
0x187: {  	s0 =	simm.s32 @!p0 $0x2  }
0x188: {  	_ =	swait.ge @!p0 [sflag:s0], s1  }
0x189: {  	s1 =	ssub.s32 @!p0 $0x0, s1;
	[sflag:s0] =	ssyncset.done @!p0 $0x0  }
0x18a: {  	[sflag:s0] =	ssyncadd.s32 @!p0 s1  }
0x18b: {  	[bflag:$0x3] =	sbarrier.arrive $0xFFFF  }
0x18c: {  	_ =	shalt  }

</sc_bundles>
